<compile_context>
chip_gen: v7x
topology: tpu7x:2x2x1
jax: 0.10.2.dev20260603
libtpu: 0.0.44.dev20260713+nightly
codegen_flags: <defaults>
</compile_context>

<pallas_src>
import functools

import jax
import jax.numpy as jnp
from jax import lax
from jax.experimental import pallas as pl
from jax.experimental.pallas import tpu as pltpu
from jax.experimental.pallas import tpu_sc as plsc

N = 10000
D = 128
E = 320000
G = 64
C10 = 10

NC = 2
NS = 16
NW = NC * NS
CH = 128
NCH = (E + NW * CH - 1) // (NW * CH)
EPW = NCH * CH
EPAD = NW * EPW
NPAD = 10112
RPT = NPAD // NS
DUMMY = 10104

RB = 2000
NRB = N // RB

N0 = 108
N1 = 50
NMAX = max(N0, N1)


def _sc_mesh():
    return plsc.VectorSubcoreMesh(
        core_axis_name="c", subcore_axis_name="s",
        num_cores=NC, num_subcores=NS)


def _sc_deg(dstp, ones_g, zeros_g):
    @functools.partial(
        pl.kernel,
        out_type=jax.ShapeDtypeStruct((NC, NPAD, D), jnp.float32),
        mesh=_sc_mesh(),
        scratch_types=[
            pltpu.VMEM((NCH, CH), jnp.int32),
            pltpu.VMEM((CH, D), jnp.float32),
            pltpu.VMEM_SHARED((NPAD, D), jnp.float32),
        ],
    )
    def run(dstp_h, ones_h, zeros_h, out_h, dst_v, ones_v, dacc):
        c = lax.axis_index("c")
        s = lax.axis_index("s")
        wid = s * NC + c
        pltpu.sync_copy(dstp_h.at[wid], dst_v)
        pltpu.sync_copy(ones_h, ones_v)
        pltpu.sync_copy(zeros_h, dacc.at[pl.ds(s * RPT, RPT)])
        plsc.subcore_barrier()

        def body(j, carry):
            pltpu.sync_copy(ones_v, dacc.at[dst_v.at[j]], add=True)
            return carry

        lax.fori_loop(0, NCH, body, 0)
        plsc.subcore_barrier()
        pltpu.sync_copy(dacc.at[pl.ds(s * RPT, RPT)],
                        out_h.at[c, pl.ds(s * RPT, RPT)])

    return run(dstp, ones_g, zeros_g)


def _sc_agg(srcp, dstp, xs, zeros_d):
    @functools.partial(
        pl.kernel,
        out_type=jax.ShapeDtypeStruct((NC, NPAD, D), jnp.float32),
        mesh=_sc_mesh(),
        scratch_types=[
            pltpu.VMEM((NMAX, CH), jnp.int32),
            pltpu.VMEM((1, CH), jnp.int32),
            pltpu.VMEM((1, CH), jnp.int32),
            pltpu.VMEM((CH, D), jnp.float32),
            pltpu.VMEM((CH, D), jnp.float32),
            pltpu.VMEM_SHARED((NPAD, D), jnp.float32),
            pltpu.SemaphoreType.DMA,
            pltpu.SemaphoreType.DMA,
            pltpu.SemaphoreType.DMA,
            pltpu.SemaphoreType.DMA,
        ],
    )
    def run(srcp_h, dstp_h, xs_h, zeros_h, out_h,
            src_v, dst_c0, dst_c1, buf0, buf1, acc,
            sem0, sem1, semi0, semi1):
        c = lax.axis_index("c")
        s = lax.axis_index("s")
        wid = c * NS + s
        wbase = wid * NMAX
        nch = jnp.where(c == 0, N0, N1)
        pltpu.sync_copy(srcp_h.at[wid], src_v)
        pltpu.sync_copy(zeros_h, acc.at[pl.ds(s * RPT, RPT)])
        plsc.subcore_barrier()

        pltpu.async_copy(xs_h.at[src_v.at[0]], buf0, sem0)
        pltpu.async_copy(dstp_h.at[wbase], dst_c0, semi0)

        def body(t, carry):
            j = 2 * t
            pltpu.async_copy(xs_h.at[src_v.at[j + 1]], buf1, sem1)
            pltpu.async_copy(dstp_h.at[wbase + j + 1], dst_c1, semi1)
            pltpu.make_async_copy(xs_h.at[src_v.at[j]], buf0, sem0).wait()
            pltpu.make_async_copy(
                dstp_h.at[wbase + j], dst_c0, semi0).wait()
            pltpu.sync_copy(buf0, acc.at[dst_c0.at[0]], add=True)

            @pl.when(j + 2 < nch)
            def _():
                pltpu.async_copy(xs_h.at[src_v.at[j + 2]], buf0, sem0)
                pltpu.async_copy(dstp_h.at[wbase + j + 2], dst_c0, semi0)

            pltpu.make_async_copy(
                xs_h.at[src_v.at[j + 1]], buf1, sem1).wait()
            pltpu.make_async_copy(
                dstp_h.at[wbase + j + 1], dst_c1, semi1).wait()
            pltpu.sync_copy(buf1, acc.at[dst_c1.at[0]], add=True)
            return carry

        lax.fori_loop(0, nch // 2, body, 0)
        plsc.subcore_barrier()
        pltpu.sync_copy(acc.at[pl.ds(s * RPT, RPT)],
                        out_h.at[c, pl.ds(s * RPT, RPT)])

    return run(srcp, dstp, xs, zeros_d)


def _mm_body(x_ref, w_ref, o_ref):
    o_ref[...] = jnp.dot(x_ref[...], w_ref[...],
                         preferred_element_type=jnp.float32)


def _tc_mm(x, W):
    return pl.pallas_call(
        _mm_body,
        grid=(NRB,),
        in_specs=[
            pl.BlockSpec((RB, D), lambda i: (i, 0)),
            pl.BlockSpec((D, D), lambda i: (0, 0)),
        ],
        out_specs=pl.BlockSpec((RB, D), lambda i: (i, 0)),
        out_shape=jax.ShapeDtypeStruct((N, D), jnp.float32),
    )(x, W)


def _dinv_of(dp):
    return lax.rsqrt(dp[0] + dp[1] + 1.0)[:, 0:1]


def _scale_body(dp_ref, xw_ref, o_ref):
    o_ref[...] = xw_ref[...] * _dinv_of(dp_ref[...])


def _tc_scale(xw, degp):
    return pl.pallas_call(
        _scale_body,
        grid=(NRB,),
        in_specs=[
            pl.BlockSpec((NC, RB, D), lambda i: (0, i, 0)),
            pl.BlockSpec((RB, D), lambda i: (i, 0)),
        ],
        out_specs=pl.BlockSpec((RB, D), lambda i: (i, 0)),
        out_shape=jax.ShapeDtypeStruct((N, D), jnp.float32),
    )(degp, xw)


def _mid_body(dp_ref, xs_ref, p_ref, b_ref, w_ref, o_ref):
    dinv = _dinv_of(dp_ref[...])
    agg = xs_ref[...] + p_ref[0] + p_ref[1]
    h = jnp.maximum(agg * dinv + b_ref[...], 0.0)
    o_ref[...] = jnp.dot(h, w_ref[...],
                         preferred_element_type=jnp.float32) * dinv


def _tc_mid(xs, p, degp, br, W):
    return pl.pallas_call(
        _mid_body,
        grid=(NRB,),
        in_specs=[
            pl.BlockSpec((NC, RB, D), lambda i: (0, i, 0)),
            pl.BlockSpec((RB, D), lambda i: (i, 0)),
            pl.BlockSpec((NC, RB, D), lambda i: (0, i, 0)),
            pl.BlockSpec((1, D), lambda i: (0, 0)),
            pl.BlockSpec((D, D), lambda i: (0, 0)),
        ],
        out_specs=pl.BlockSpec((RB, D), lambda i: (i, 0)),
        out_shape=jax.ShapeDtypeStruct((N, D), jnp.float32),
    )(degp, xs, p, br, W)


def _final_body(dp_ref, xs_ref, p_ref, b_ref, batch_ref,
                wf1_ref, bf1_ref, wf2_ref, bf2_ref,
                o_ref, acc_ref, cnt_ref):
    i = pl.program_id(0)

    @pl.when(i == 0)
    def _():
        acc_ref[...] = jnp.zeros_like(acc_ref)
        cnt_ref[...] = jnp.zeros_like(cnt_ref)

    dinv = _dinv_of(dp_ref[...])
    agg = xs_ref[...] + p_ref[0] + p_ref[1]
    h = jnp.maximum(agg * dinv + b_ref[...], 0.0)
    bidx = batch_ref[0, 0, :]
    onehot = (bidx[:, None] ==
              lax.broadcasted_iota(jnp.int32, (RB, G), 1)).astype(jnp.float32)
    acc_ref[...] += lax.dot_general(
        onehot, h, (((0,), (0,)), ((), ())),
        preferred_element_type=jnp.float32)
    cnt_ref[...] += jnp.sum(onehot, axis=0, keepdims=True)

    @pl.when(i == NRB - 1)
    def _():
        counts = jnp.maximum(cnt_ref[0, :], 1.0)
        hg = acc_ref[...] / counts[:, None]
        hf = jnp.maximum(
            jnp.dot(hg, wf1_ref[...], preferred_element_type=jnp.float32)
            + bf1_ref[...], 0.0)
        o_ref[...] = jnp.dot(hf, wf2_ref[...],
                             preferred_element_type=jnp.float32) + bf2_ref[...]


def _tc_final(xs, p, degp, br, batch3, Wf1, bf1r, Wf2, bf2r):
    return pl.pallas_call(
        _final_body,
        grid=(NRB,),
        in_specs=[
            pl.BlockSpec((NC, RB, D), lambda i: (0, i, 0)),
            pl.BlockSpec((RB, D), lambda i: (i, 0)),
            pl.BlockSpec((NC, RB, D), lambda i: (0, i, 0)),
            pl.BlockSpec((1, D), lambda i: (0, 0)),
            pl.BlockSpec((1, 1, RB), lambda i: (i, 0, 0)),
            pl.BlockSpec((D, G), lambda i: (0, 0)),
            pl.BlockSpec((1, G), lambda i: (0, 0)),
            pl.BlockSpec((G, C10), lambda i: (0, 0)),
            pl.BlockSpec((1, C10), lambda i: (0, 0)),
        ],
        out_specs=pl.BlockSpec((G, C10), lambda i: (0, 0)),
        out_shape=jax.ShapeDtypeStruct((G, C10), jnp.float32),
        scratch_shapes=[
            pltpu.VMEM((G, D), jnp.float32),
            pltpu.VMEM((1, G), jnp.float32),
        ],
    )(degp, xs, p, br, batch3, Wf1, bf1r, Wf2, bf2r)


def kernel(x, edge_index, batch, W1, b1, W2, b2, W3, b3, Wf1, bf1, Wf2, bf2):
    src = edge_index[0].astype(jnp.int32)
    dst = edge_index[1].astype(jnp.int32)
    npad = EPAD - E
    srcp = jnp.concatenate(
        [src, jnp.zeros((npad,), jnp.int32)]).reshape(NW, NCH, CH)
    dstp = jnp.concatenate(
        [dst, jnp.full((npad,), DUMMY, jnp.int32)]).reshape(NW, NCH, CH)
    srcf = srcp.reshape(NW * NCH, CH)
    dstf = dstp.reshape(NW * NCH, CH)

    def _skew(flat, fill):
        a = flat[:NS * N0].reshape(NS, N0, CH)
        b = flat[NS * N0:].reshape(NS, N1, CH)
        a = jnp.pad(a, ((0, 0), (0, NMAX - N0), (0, 0)),
                    constant_values=fill)
        b = jnp.pad(b, ((0, 0), (0, NMAX - N1), (0, 0)),
                    constant_values=fill)
        return jnp.concatenate([a, b], axis=0)

    srcp2 = _skew(srcf, 0)
    dstp2 = _skew(dstf, DUMMY).reshape(NW * NMAX, 1, CH)
    batch3 = batch.astype(jnp.int32).reshape(NRB, 1, RB)
    zeros_d = jnp.zeros((RPT, D), jnp.float32)
    ones_g = jnp.ones((CH, D), jnp.float32)
    b1r = b1.reshape(1, D)
    b2r = b2.reshape(1, D)
    b3r = b3.reshape(1, D)
    bf1r = bf1.reshape(1, G)
    bf2r = bf2.reshape(1, C10)

    degp = _sc_deg(dstp, ones_g, zeros_d)
    xw1 = _tc_mm(x, W1)
    xs1 = _tc_scale(xw1, degp)
    p1 = _sc_agg(srcp2, dstp2, xs1, zeros_d)
    xs2 = _tc_mid(xs1, p1, degp, b1r, W2)
    p2 = _sc_agg(srcp2, dstp2, xs2, zeros_d)
    xs3 = _tc_mid(xs2, p2, degp, b2r, W3)
    p3 = _sc_agg(srcp2, dstp2, xs3, zeros_d)
    return _tc_final(xs3, p3, degp, b3r, batch3, Wf1, bf1r, Wf2, bf2r)

# --- scband reference (transcript-rebuilt; emitter-appended) ---
"""Pipeline reference for scband-gcn-22067541967723 (READ-ONLY COPY).

The authoritative reference and input builder live on the scoring server;
editing this copy changes nothing except your own understanding.
"""

import jax, jax.numpy as jnp
import numpy as np

N_NODES = 10000
N_EDGES = 320000
D_FEAT = 128
HIDDEN = 128
N_GRAPHS = 64
N_CLASSES = 10


def setup_inputs(seed: int = 0) -> dict:
    key = jax.random.key(seed)
    ks = jax.random.split(key, 16)
    x = jax.random.normal(ks[0], (N_NODES, D_FEAT), dtype=jnp.float32)
    edge_index = jax.random.randint(ks[1], (2, N_EDGES), 0, N_NODES, dtype=jnp.int64)
    batch = jnp.sort(jax.random.randint(ks[2], (N_NODES,), 0, N_GRAPHS, dtype=jnp.int64))
    def glorot(k, shape):
        lim = float(np.sqrt(6.0 / (shape[0] + shape[1])))
        return jax.random.uniform(k, shape, dtype=jnp.float32, minval=-lim, maxval=lim)
    W1 = glorot(ks[3], (D_FEAT, HIDDEN)); b1 = jnp.zeros((HIDDEN,), jnp.float32)
    W2 = glorot(ks[4], (HIDDEN, HIDDEN)); b2 = jnp.zeros((HIDDEN,), jnp.float32)
    W3 = glorot(ks[5], (HIDDEN, HIDDEN)); b3 = jnp.zeros((HIDDEN,), jnp.float32)
    Wf1 = glorot(ks[6], (HIDDEN, 64)); bf1 = jnp.zeros((64,), jnp.float32)
    Wf2 = glorot(ks[7], (64, N_CLASSES)); bf2 = jnp.zeros((N_CLASSES,), jnp.float32)
    return {"x": x, "edge_index": edge_index, "batch": batch,
            "W1": W1, "b1": b1, "W2": W2, "b2": b2, "W3": W3, "b3": b3,
            "Wf1": Wf1, "bf1": bf1, "Wf2": Wf2, "bf2": bf2}


def gcn_conv(x, edge_index, W, b):
    # PyG GCNConv: add self-loops, sym-normalize, propagate, add bias
    n = x.shape[0]
    loop = jnp.arange(n, dtype=edge_index.dtype)
    src = jnp.concatenate([edge_index[0], loop])
    dst = jnp.concatenate([edge_index[1], loop])
    deg = jnp.zeros((n,), jnp.float32).at[dst].add(1.0)
    dinv = jnp.where(deg > 0, 1.0 / jnp.sqrt(deg), 0.0)
    norm = dinv[src] * dinv[dst]
    xw = x @ W
    msgs = xw[src] * norm[:, None]
    out = jnp.zeros((n, W.shape[1]), jnp.float32).at[dst].add(msgs)
    return out + b


def global_mean_pool(h, batch, num_graphs):
    sums = jax.ops.segment_sum(h, batch, num_segments=num_graphs)
    counts = jax.ops.segment_sum(jnp.ones((h.shape[0],), jnp.float32), batch, num_segments=num_graphs)
    return sums / jnp.maximum(counts, 1.0)[:, None]


def reference(x, edge_index, batch, W1, b1, W2, b2, W3, b3, Wf1, bf1, Wf2, bf2):
    h = jax.nn.relu(gcn_conv(x, edge_index, W1, b1))
    h = jax.nn.relu(gcn_conv(h, edge_index, W2, b2))
    h = jax.nn.relu(gcn_conv(h, edge_index, W3, b3))
    hg = global_mean_pool(h, batch, N_GRAPHS)
    h = jax.nn.relu(hg @ Wf1 + bf1)
    out = h @ Wf2 + bf2
    return out

if __name__ == "__main__":
    import jax
    _d = setup_inputs()
    print(jax.jit(kernel)(*tuple(_d.values())))

</pallas_src>

<mosaic_0001>
#map = affine_map<(d0, d1) -> (0, 0, 0)>
#map1 = affine_map<(d0, d1) -> (0, 0)>
module attributes {stable_mosaic.version = 14 : i64} {
  func.func @run(%arg0: i32, %arg1: i32, %arg2: memref<32x79x128xi32, #tpu.memory_space<hbm>>, %arg3: memref<128x128xf32, #tpu.memory_space<hbm>>, %arg4: memref<632x128xf32, #tpu.memory_space<hbm>>, %arg5: memref<2x10112x128xf32, #tpu.memory_space<hbm>>, %arg6: memref<79x128xi32, #tpu.memory_space<vmem>>, %arg7: memref<128x128xf32, #tpu.memory_space<vmem>>, %arg8: memref<10112x128xf32, #tpu.memory_space<vmem_shared>>) attributes {dimension_semantics = [#tpu.dimension_semantics<core_parallel>, #tpu.dimension_semantics<subcore_parallel>], iteration_bounds = array<i64: 2, 16>, scalar_prefetch = 0 : i64, scratch_operands = 3 : i64, tpu.core_type = #tpu.core_type<sc_vector_subcore>, window_params = [{transform_indices = #map}, {transform_indices = #map1}, {transform_indices = #map1}, {transform_indices = #map}]} {
    %mul3A = arith.constant 2 : i32
    %mul3A_0 = arith.muli %arg1, %mul3A : i32
    %add3A = arith.addi %mul3A_0, %arg0 : i32
    "tpu.region"() ({
      %run_scoped3A = tpu.sem_alloc : memref<!tpu.dma_semaphore, #tpu.memory_space<semaphore_mem>>
      %dma_start3A = arith.constant 0 : i32
      %dma_start3A_13 = arith.constant 0 : i32
      %dma_start3A_14 = tpu.memref_slice %arg2[%add3A, %dma_start3A, %dma_start3A_13] : memref<32x79x128xi32, #tpu.memory_space<hbm>> -> memref<1x79x128xi32, #tpu.memory_space<hbm>>
      %dma_start3A_15 = tpu.memref_squeeze %dma_start3A_14 : memref<1x79x128xi32, #tpu.memory_space<hbm>> -> memref<79x128xi32, #tpu.memory_space<hbm>>
      %dma_start3A_16 = arith.constant 0 : i32
      %dma_start3A_17 = arith.constant 0 : i32
      %dma_start3A_18 = tpu.memref_slice %arg2[%add3A, %dma_start3A_16, %dma_start3A_17] : memref<32x79x128xi32, #tpu.memory_space<hbm>> -> memref<1x79x128xi32, #tpu.memory_space<hbm>>
      %dma_start3A_19 = tpu.memref_squeeze %dma_start3A_18 : memref<1x79x128xi32, #tpu.memory_space<hbm>> -> memref<79x128xi32, #tpu.memory_space<hbm>>
      tpu.enqueue_dma source(%dma_start3A_19 : memref<79x128xi32, #tpu.memory_space<hbm>>) target(%arg6 : memref<79x128xi32, #tpu.memory_space<vmem>>) target_semaphore(%run_scoped3A : memref<!tpu.dma_semaphore, #tpu.memory_space<semaphore_mem>>)
      %dma_wait3A = arith.constant 0 : i32
      %dma_wait3A_20 = arith.constant 0 : i32
      %dma_wait3A_21 = tpu.memref_slice %arg2[%add3A, %dma_wait3A, %dma_wait3A_20] : memref<32x79x128xi32, #tpu.memory_space<hbm>> -> memref<1x79x128xi32, #tpu.memory_space<hbm>>
      %dma_wait3A_22 = tpu.memref_squeeze %dma_wait3A_21 : memref<1x79x128xi32, #tpu.memory_space<hbm>> -> memref<79x128xi32, #tpu.memory_space<hbm>>
      %dma_wait3A_23 = arith.constant 0 : i32
      %dma_wait3A_24 = arith.constant 0 : i32
      %dma_wait3A_25 = tpu.memref_slice %arg2[%add3A, %dma_wait3A_23, %dma_wait3A_24] : memref<32x79x128xi32, #tpu.memory_space<hbm>> -> memref<1x79x128xi32, #tpu.memory_space<hbm>>
      %dma_wait3A_26 = tpu.memref_squeeze %dma_wait3A_25 : memref<1x79x128xi32, #tpu.memory_space<hbm>> -> memref<79x128xi32, #tpu.memory_space<hbm>>
      tpu.wait_dma2 semaphore(%run_scoped3A : memref<!tpu.dma_semaphore, #tpu.memory_space<semaphore_mem>>) src(%dma_wait3A_26 : memref<79x128xi32, #tpu.memory_space<hbm>>) dst(%arg6 : memref<79x128xi32, #tpu.memory_space<vmem>>)
      tpu.yield
    }) : () -> ()
    "tpu.region"() ({
      %run_scoped3A = tpu.sem_alloc : memref<!tpu.dma_semaphore, #tpu.memory_space<semaphore_mem>>
      tpu.enqueue_dma source(%arg3 : memref<128x128xf32, #tpu.memory_space<hbm>>) target(%arg7 : memref<128x128xf32, #tpu.memory_space<vmem>>) target_semaphore(%run_scoped3A : memref<!tpu.dma_semaphore, #tpu.memory_space<semaphore_mem>>)
      tpu.wait_dma2 semaphore(%run_scoped3A : memref<!tpu.dma_semaphore, #tpu.memory_space<semaphore_mem>>) src(%arg3 : memref<128x128xf32, #tpu.memory_space<hbm>>) dst(%arg7 : memref<128x128xf32, #tpu.memory_space<vmem>>)
      tpu.yield
    }) : () -> ()
    %mul3A_1 = arith.constant 632 : i32
    %mul3A_2 = arith.muli %arg1, %mul3A_1 : i32
    "tpu.region"() ({
      %run_scoped3A = tpu.sem_alloc : memref<!tpu.dma_semaphore, #tpu.memory_space<semaphore_mem>>
      %dma_start3A = arith.constant 0 : i32
      %dma_start3A_13 = tpu.memref_slice %arg8[%mul3A_2, %dma_start3A] : memref<10112x128xf32, #tpu.memory_space<vmem_shared>> -> memref<632x128xf32, #tpu.memory_space<vmem_shared>>
      tpu.enqueue_dma source(%arg4 : memref<632x128xf32, #tpu.memory_space<hbm>>) target(%dma_start3A_13 : memref<632x128xf32, #tpu.memory_space<vmem_shared>>) target_semaphore(%run_scoped3A : memref<!tpu.dma_semaphore, #tpu.memory_space<semaphore_mem>>)
      %dma_wait3A = arith.constant 0 : i32
      %dma_wait3A_14 = tpu.memref_slice %arg8[%mul3A_2, %dma_wait3A] : memref<10112x128xf32, #tpu.memory_space<vmem_shared>> -> memref<632x128xf32, #tpu.memory_space<vmem_shared>>
      tpu.wait_dma2 semaphore(%run_scoped3A : memref<!tpu.dma_semaphore, #tpu.memory_space<semaphore_mem>>) src(%arg4 : memref<632x128xf32, #tpu.memory_space<hbm>>) dst(%dma_wait3A_14 : memref<632x128xf32, #tpu.memory_space<vmem_shared>>)
      tpu.yield
    }) : () -> ()
    %barrier3A = arith.constant 0 : index
    tpu.barrier barrier_id(%barrier3A)
    %scan3A = arith.constant 0 : i32
    %scan3A_3 = arith.constant 0 : i32
    %scan3A_4 = arith.constant 79 : i32
    %scan3A_5 = arith.addi %scan3A_3, %scan3A_4 : i32
    %scan3A_6 = arith.constant 1 : i32
    scf.for %scan3A_13 = %scan3A_3 to %scan3A_5 step %scan3A_6  : i32 {
      "tpu.region"() ({
        %run_scoped3A = tpu.sem_alloc : memref<!tpu.dma_semaphore, #tpu.memory_space<semaphore_mem>>
        %dma_start3A = arith.constant 0 : i32
        %dma_start3A_14 = tpu.memref_slice %arg6[%scan3A_13, %dma_start3A] : memref<79x128xi32, #tpu.memory_space<vmem>> -> memref<1x128xi32, #tpu.memory_space<vmem>>
        %dma_start3A_15 = tpu.memref_squeeze %dma_start3A_14 : memref<1x128xi32, #tpu.memory_space<vmem>> -> memref<128xi32, #tpu.memory_space<vmem>>
        %dma_start3A_16 = arith.constant 0 : i32
        %dma_start3A_17 = arith.constant 0 : i32
        %dma_start3A_18 = tpu.memref_slice %arg8[%dma_start3A_16, %dma_start3A_17] : memref<10112x128xf32, #tpu.memory_space<vmem_shared>> -> memref<10112x128xf32, #tpu.memory_space<vmem_shared>>
        tpu.enqueue_indirect_dma source(%arg7 : memref<128x128xf32, #tpu.memory_space<vmem>>) target(%dma_start3A_18 : memref<10112x128xf32, #tpu.memory_space<vmem_shared>>) offsets(%dma_start3A_15 : memref<128xi32, #tpu.memory_space<vmem>>) semaphore(%run_scoped3A : memref<!tpu.dma_semaphore, #tpu.memory_space<semaphore_mem>>) {add = true}
        %dma_wait3A = arith.constant 0 : i32
        %dma_wait3A_19 = tpu.memref_slice %arg6[%scan3A_13, %dma_wait3A] : memref<79x128xi32, #tpu.memory_space<vmem>> -> memref<1x128xi32, #tpu.memory_space<vmem>>
        %dma_wait3A_20 = tpu.memref_squeeze %dma_wait3A_19 : memref<1x128xi32, #tpu.memory_space<vmem>> -> memref<128xi32, #tpu.memory_space<vmem>>
        %dma_wait3A_21 = arith.constant 0 : i32
        %dma_wait3A_22 = arith.constant 0 : i32
        %dma_wait3A_23 = tpu.memref_slice %arg8[%dma_wait3A_21, %dma_wait3A_22] : memref<10112x128xf32, #tpu.memory_space<vmem_shared>> -> memref<10112x128xf32, #tpu.memory_space<vmem_shared>>
        tpu.wait_indirect_dma semaphore(%run_scoped3A : memref<!tpu.dma_semaphore, #tpu.memory_space<semaphore_mem>>) src(%arg7 : memref<128x128xf32, #tpu.memory_space<vmem>>) dst(%dma_wait3A_23 : memref<10112x128xf32, #tpu.memory_space<vmem_shared>>)
        tpu.yield
      }) : () -> ()
    }
    %scan3A_7 = arith.constant 79 : i32
    %barrier3A_8 = arith.constant 0 : index
    tpu.barrier barrier_id(%barrier3A_8)
    %mul3A_9 = arith.constant 632 : i32
    %mul3A_10 = arith.muli %arg1, %mul3A_9 : i32
    %mul3A_11 = arith.constant 632 : i32
    %mul3A_12 = arith.muli %arg1, %mul3A_11 : i32
    "tpu.region"() ({
      %run_scoped3A = tpu.sem_alloc : memref<!tpu.dma_semaphore, #tpu.memory_space<semaphore_mem>>
      %dma_start3A = arith.constant 0 : i32
      %dma_start3A_13 = tpu.memref_slice %arg5[%arg0, %mul3A_12, %dma_start3A] : memref<2x10112x128xf32, #tpu.memory_space<hbm>> -> memref<1x632x128xf32, #tpu.memory_space<hbm>>
      %dma_start3A_14 = tpu.memref_squeeze %dma_start3A_13 : memref<1x632x128xf32, #tpu.memory_space<hbm>> -> memref<632x128xf32, #tpu.memory_space<hbm>>
      %dma_start3A_15 = arith.constant 0 : i32
      %dma_start3A_16 = tpu.memref_slice %arg8[%mul3A_10, %dma_start3A_15] : memref<10112x128xf32, #tpu.memory_space<vmem_shared>> -> memref<632x128xf32, #tpu.memory_space<vmem_shared>>
      tpu.enqueue_dma source(%dma_start3A_16 : memref<632x128xf32, #tpu.memory_space<vmem_shared>>) target(%dma_start3A_14 : memref<632x128xf32, #tpu.memory_space<hbm>>) target_semaphore(%run_scoped3A : memref<!tpu.dma_semaphore, #tpu.memory_space<semaphore_mem>>)
      %dma_wait3A = arith.constant 0 : i32
      %dma_wait3A_17 = tpu.memref_slice %arg5[%arg0, %mul3A_12, %dma_wait3A] : memref<2x10112x128xf32, #tpu.memory_space<hbm>> -> memref<1x632x128xf32, #tpu.memory_space<hbm>>
      %dma_wait3A_18 = tpu.memref_squeeze %dma_wait3A_17 : memref<1x632x128xf32, #tpu.memory_space<hbm>> -> memref<632x128xf32, #tpu.memory_space<hbm>>
      %dma_wait3A_19 = arith.constant 0 : i32
      %dma_wait3A_20 = tpu.memref_slice %arg8[%mul3A_10, %dma_wait3A_19] : memref<10112x128xf32, #tpu.memory_space<vmem_shared>> -> memref<632x128xf32, #tpu.memory_space<vmem_shared>>
      tpu.wait_dma2 semaphore(%run_scoped3A : memref<!tpu.dma_semaphore, #tpu.memory_space<semaphore_mem>>) src(%dma_wait3A_20 : memref<632x128xf32, #tpu.memory_space<vmem_shared>>) dst(%dma_wait3A_18 : memref<632x128xf32, #tpu.memory_space<hbm>>)
      tpu.yield
    }) : () -> ()
    return
  }
}

#map = affine_map<(d0, d1) -> (0, 0, 0)>
#map1 = affine_map<(d0, d1) -> (0, 0)>
module attributes {stable_mosaic.version = 14 : i64} {
  func.func @run(%arg0: i32, %arg1: i32, %arg2: memref<32x108x128xi32, #tpu.memory_space<hbm>>, %arg3: memref<3456x1x128xi32, #tpu.memory_space<hbm>>, %arg4: memref<10000x128xf32, #tpu.memory_space<hbm>>, %arg5: memref<632x128xf32, #tpu.memory_space<hbm>>, %arg6: memref<2x10112x128xf32, #tpu.memory_space<hbm>>, %arg7: memref<108x128xi32, #tpu.memory_space<vmem>>, %arg8: memref<1x128xi32, #tpu.memory_space<vmem>>, %arg9: memref<1x128xi32, #tpu.memory_space<vmem>>, %arg10: memref<128x128xf32, #tpu.memory_space<vmem>>, %arg11: memref<128x128xf32, #tpu.memory_space<vmem>>, %arg12: memref<10112x128xf32, #tpu.memory_space<vmem_shared>>, %arg13: memref<!tpu.dma_semaphore, #tpu.memory_space<semaphore_mem>>, %arg14: memref<!tpu.dma_semaphore, #tpu.memory_space<semaphore_mem>>, %arg15: memref<!tpu.dma_semaphore, #tpu.memory_space<semaphore_mem>>, %arg16: memref<!tpu.dma_semaphore, #tpu.memory_space<semaphore_mem>>) attributes {dimension_semantics = [#tpu.dimension_semantics<core_parallel>, #tpu.dimension_semantics<subcore_parallel>], iteration_bounds = array<i64: 2, 16>, scalar_prefetch = 0 : i64, scratch_operands = 10 : i64, tpu.core_type = #tpu.core_type<sc_vector_subcore>, window_params = [{transform_indices = #map}, {transform_indices = #map}, {transform_indices = #map1}, {transform_indices = #map1}, {transform_indices = #map}]} {
    %mul3A = arith.constant 16 : i32
    %mul3A_0 = arith.muli %arg0, %mul3A : i32
    %add3A = arith.addi %mul3A_0, %arg1 : i32
    %mul3A_1 = arith.constant 108 : i32
    %mul3A_2 = arith.muli %add3A, %mul3A_1 : i32
    %eq3A = arith.constant 0 : i32
    %eq3A_3 = arith.cmpi eq, %arg0, %eq3A : i32
    %jit3A = arith.constant 108 : i32
    %jit3A_4 = arith.constant 50 : i32
    %select_n3A = arith.select %eq3A_3, %jit3A, %jit3A_4 : i32
    "tpu.region"() ({
      %run_scoped3A = tpu.sem_alloc : memref<!tpu.dma_semaphore, #tpu.memory_space<semaphore_mem>>
      %dma_start3A_53 = arith.constant 0 : i32
      %dma_start3A_54 = arith.constant 0 : i32
      %dma_start3A_55 = tpu.memref_slice %arg2[%add3A, %dma_start3A_53, %dma_start3A_54] : memref<32x108x128xi32, #tpu.memory_space<hbm>> -> memref<1x108x128xi32, #tpu.memory_space<hbm>>
      %dma_start3A_56 = tpu.memref_squeeze %dma_start3A_55 : memref<1x108x128xi32, #tpu.memory_space<hbm>> -> memref<108x128xi32, #tpu.memory_space<hbm>>
      %dma_start3A_57 = arith.constant 0 : i32
      %dma_start3A_58 = arith.constant 0 : i32
      %dma_start3A_59 = tpu.memref_slice %arg2[%add3A, %dma_start3A_57, %dma_start3A_58] : memref<32x108x128xi32, #tpu.memory_space<hbm>> -> memref<1x108x128xi32, #tpu.memory_space<hbm>>
      %dma_start3A_60 = tpu.memref_squeeze %dma_start3A_59 : memref<1x108x128xi32, #tpu.memory_space<hbm>> -> memref<108x128xi32, #tpu.memory_space<hbm>>
      tpu.enqueue_dma source(%dma_start3A_60 : memref<108x128xi32, #tpu.memory_space<hbm>>) target(%arg7 : memref<108x128xi32, #tpu.memory_space<vmem>>) target_semaphore(%run_scoped3A : memref<!tpu.dma_semaphore, #tpu.memory_space<semaphore_mem>>)
      %dma_wait3A = arith.constant 0 : i32
      %dma_wait3A_61 = arith.constant 0 : i32
      %dma_wait3A_62 = tpu.memref_slice %arg2[%add3A, %dma_wait3A, %dma_wait3A_61] : memref<32x108x128xi32, #tpu.memory_space<hbm>> -> memref<1x108x128xi32, #tpu.memory_space<hbm>>
      %dma_wait3A_63 = tpu.memref_squeeze %dma_wait3A_62 : memref<1x108x128xi32, #tpu.memory_space<hbm>> -> memref<108x128xi32, #tpu.memory_space<hbm>>
      %dma_wait3A_64 = arith.constant 0 : i32
      %dma_wait3A_65 = arith.constant 0 : i32
      %dma_wait3A_66 = tpu.memref_slice %arg2[%add3A, %dma_wait3A_64, %dma_wait3A_65] : memref<32x108x128xi32, #tpu.memory_space<hbm>> -> memref<1x108x128xi32, #tpu.memory_space<hbm>>
      %dma_wait3A_67 = tpu.memref_squeeze %dma_wait3A_66 : memref<1x108x128xi32, #tpu.memory_space<hbm>> -> memref<108x128xi32, #tpu.memory_space<hbm>>
      tpu.wait_dma2 semaphore(%run_scoped3A : memref<!tpu.dma_semaphore, #tpu.memory_space<semaphore_mem>>) src(%dma_wait3A_67 : memref<108x128xi32, #tpu.memory_space<hbm>>) dst(%arg7 : memref<108x128xi32, #tpu.memory_space<vmem>>)
      tpu.yield
    }) : () -> ()
    %mul3A_5 = arith.constant 632 : i32
    %mul3A_6 = arith.muli %arg1, %mul3A_5 : i32
    "tpu.region"() ({
      %run_scoped3A = tpu.sem_alloc : memref<!tpu.dma_semaphore, #tpu.memory_space<semaphore_mem>>
      %dma_start3A_53 = arith.constant 0 : i32
      %dma_start3A_54 = tpu.memref_slice %arg12[%mul3A_6, %dma_start3A_53] : memref<10112x128xf32, #tpu.memory_space<vmem_shared>> -> memref<632x128xf32, #tpu.memory_space<vmem_shared>>
      tpu.enqueue_dma source(%arg5 : memref<632x128xf32, #tpu.memory_space<hbm>>) target(%dma_start3A_54 : memref<632x128xf32, #tpu.memory_space<vmem_shared>>) target_semaphore(%run_scoped3A : memref<!tpu.dma_semaphore, #tpu.memory_space<semaphore_mem>>)
      %dma_wait3A = arith.constant 0 : i32
      %dma_wait3A_55 = tpu.memref_slice %arg12[%mul3A_6, %dma_wait3A] : memref<10112x128xf32, #tpu.memory_space<vmem_shared>> -> memref<632x128xf32, #tpu.memory_space<vmem_shared>>
      tpu.wait_dma2 semaphore(%run_scoped3A : memref<!tpu.dma_semaphore, #tpu.memory_space<semaphore_mem>>) src(%arg5 : memref<632x128xf32, #tpu.memory_space<hbm>>) dst(%dma_wait3A_55 : memref<632x128xf32, #tpu.memory_space<vmem_shared>>)
      tpu.yield
    }) : () -> ()
    %barrier3A = arith.constant 0 : index
    tpu.barrier barrier_id(%barrier3A)
    %dma_start3A = arith.constant 0 : i32
    %dma_start3A_7 = arith.constant 0 : i32
    %dma_start3A_8 = tpu.memref_slice %arg7[%dma_start3A, %dma_start3A_7] : memref<108x128xi32, #tpu.memory_space<vmem>> -> memref<1x128xi32, #tpu.memory_space<vmem>>
    %dma_start3A_9 = tpu.memref_squeeze %dma_start3A_8 : memref<1x128xi32, #tpu.memory_space<vmem>> -> memref<128xi32, #tpu.memory_space<vmem>>
    %dma_start3A_10 = arith.constant 0 : i32
    %dma_start3A_11 = arith.constant 0 : i32
    %dma_start3A_12 = tpu.memref_slice %arg4[%dma_start3A_10, %dma_start3A_11] : memref<10000x128xf32, #tpu.memory_space<hbm>> -> memref<10000x128xf32, #tpu.memory_space<hbm>>
    tpu.enqueue_indirect_dma source(%dma_start3A_12 : memref<10000x128xf32, #tpu.memory_space<hbm>>) target(%arg10 : memref<128x128xf32, #tpu.memory_space<vmem>>) offsets(%dma_start3A_9 : memref<128xi32, #tpu.memory_space<vmem>>) semaphore(%arg13 : memref<!tpu.dma_semaphore, #tpu.memory_space<semaphore_mem>>)
    %dma_start3A_13 = arith.constant 0 : i32
    %dma_start3A_14 = arith.constant 0 : i32
    %dma_start3A_15 = tpu.memref_slice %arg3[%mul3A_2, %dma_start3A_13, %dma_start3A_14] : memref<3456x1x128xi32, #tpu.memory_space<hbm>> -> memref<1x1x128xi32, #tpu.memory_space<hbm>>
    %dma_start3A_16 = tpu.memref_squeeze %dma_start3A_15 : memref<1x1x128xi32, #tpu.memory_space<hbm>> -> memref<1x128xi32, #tpu.memory_space<hbm>>
    %dma_start3A_17 = arith.constant 0 : i32
    %dma_start3A_18 = arith.constant 0 : i32
    %dma_start3A_19 = tpu.memref_slice %arg3[%mul3A_2, %dma_start3A_17, %dma_start3A_18] : memref<3456x1x128xi32, #tpu.memory_space<hbm>> -> memref<1x1x128xi32, #tpu.memory_space<hbm>>
    %dma_start3A_20 = tpu.memref_squeeze %dma_start3A_19 : memref<1x1x128xi32, #tpu.memory_space<hbm>> -> memref<1x128xi32, #tpu.memory_space<hbm>>
    tpu.enqueue_dma source(%dma_start3A_20 : memref<1x128xi32, #tpu.memory_space<hbm>>) target(%arg8 : memref<1x128xi32, #tpu.memory_space<vmem>>) target_semaphore(%arg15 : memref<!tpu.dma_semaphore, #tpu.memory_space<semaphore_mem>>)
    %jit3A_21 = arith.constant 2 : i32
    %div3A = arith.divsi %select_n3A, %jit3A_21 : i32
    %sign3A = arith.constant 0 : i32
    %sign3A_22 = arith.cmpi sgt, %select_n3A, %sign3A : i32
    %sign3A_23 = arith.extui %sign3A_22 : i1 to i32
    %sign3A_24 = arith.constant 0 : i32
    %sign3A_25 = arith.cmpi slt, %select_n3A, %sign3A_24 : i32
    %sign3A_26 = arith.extui %sign3A_25 : i1 to i32
    %sign3A_27 = arith.subi %sign3A_23, %sign3A_26 : i32
    %sign3A_28 = arith.constant 0 : i32
    %sign3A_29 = arith.cmpi sgt, %jit3A_21, %sign3A_28 : i32
    %sign3A_30 = arith.extui %sign3A_29 : i1 to i32
    %sign3A_31 = arith.constant 0 : i32
    %sign3A_32 = arith.cmpi slt, %jit3A_21, %sign3A_31 : i32
    %sign3A_33 = arith.extui %sign3A_32 : i1 to i32
    %sign3A_34 = arith.subi %sign3A_30, %sign3A_33 : i32
    %ne3A = arith.cmpi ne, %sign3A_27, %sign3A_34 : i32
    %rem3A = arith.remsi %select_n3A, %jit3A_21 : i32
    %ne3A_35 = arith.constant 0 : i32
    %ne3A_36 = arith.cmpi ne, %rem3A, %ne3A_35 : i32
    %and3A = arith.andi %ne3A, %ne3A_36 : i1
    %sub3A = arith.constant 1 : i32
    %sub3A_37 = arith.subi %div3A, %sub3A : i32
    %select_n3A_38 = arith.select %and3A, %sub3A_37, %div3A : i32
    %while3A = arith.constant 0 : i32
    %while3A_39 = arith.constant 0 : i32
    %while3A_40 = arith.subi %select_n3A_38, %while3A_39 : i32
    %while3A_41 = arith.addi %while3A_39, %while3A_40 : i32
    %while3A_42 = arith.constant 1 : i32
    %while3A_43 = arith.divsi %while3A_40, %while3A_42 : i32
    %while3A_44 = arith.muli %while3A_43, %while3A_42 : i32
    %while3A_45 = arith.addi %while3A_39, %while3A_44 : i32
    %while3A_46 = arith.constant 1 : i32
    scf.for %while3A_53 = %while3A_39 to %while3A_45 step %while3A_46  : i32 {
      %mul3A_54 = arith.constant 2 : i32
      %mul3A_55 = arith.muli %mul3A_54, %while3A_53 : i32
      %add3A_56 = arith.constant 1 : i32
      %add3A_57 = arith.addi %mul3A_55, %add3A_56 : i32
      %dma_start3A_58 = arith.constant 0 : i32
      %dma_start3A_59 = tpu.memref_slice %arg7[%add3A_57, %dma_start3A_58] : memref<108x128xi32, #tpu.memory_space<vmem>> -> memref<1x128xi32, #tpu.memory_space<vmem>>
      %dma_start3A_60 = tpu.memref_squeeze %dma_start3A_59 : memref<1x128xi32, #tpu.memory_space<vmem>> -> memref<128xi32, #tpu.memory_space<vmem>>
      %dma_start3A_61 = arith.constant 0 : i32
      %dma_start3A_62 = arith.constant 0 : i32
      %dma_start3A_63 = tpu.memref_slice %arg4[%dma_start3A_61, %dma_start3A_62] : memref<10000x128xf32, #tpu.memory_space<hbm>> -> memref<10000x128xf32, #tpu.memory_space<hbm>>
      tpu.enqueue_indirect_dma source(%dma_start3A_63 : memref<10000x128xf32, #tpu.memory_space<hbm>>) target(%arg11 : memref<128x128xf32, #tpu.memory_space<vmem>>) offsets(%dma_start3A_60 : memref<128xi32, #tpu.memory_space<vmem>>) semaphore(%arg14 : memref<!tpu.dma_semaphore, #tpu.memory_space<semaphore_mem>>)
      %add3A_64 = arith.addi %mul3A_2, %mul3A_55 : i32
      %add3A_65 = arith.constant 1 : i32
      %add3A_66 = arith.addi %add3A_64, %add3A_65 : i32
      %dma_start3A_67 = arith.constant 0 : i32
      %dma_start3A_68 = arith.constant 0 : i32
      %dma_start3A_69 = tpu.memref_slice %arg3[%add3A_66, %dma_start3A_67, %dma_start3A_68] : memref<3456x1x128xi32, #tpu.memory_space<hbm>> -> memref<1x1x128xi32, #tpu.memory_space<hbm>>
      %dma_start3A_70 = tpu.memref_squeeze %dma_start3A_69 : memref<1x1x128xi32, #tpu.memory_space<hbm>> -> memref<1x128xi32, #tpu.memory_space<hbm>>
      %dma_start3A_71 = arith.constant 0 : i32
      %dma_start3A_72 = arith.constant 0 : i32
      %dma_start3A_73 = tpu.memref_slice %arg3[%add3A_66, %dma_start3A_71, %dma_start3A_72] : memref<3456x1x128xi32, #tpu.memory_space<hbm>> -> memref<1x1x128xi32, #tpu.memory_space<hbm>>
      %dma_start3A_74 = tpu.memref_squeeze %dma_start3A_73 : memref<1x1x128xi32, #tpu.memory_space<hbm>> -> memref<1x128xi32, #tpu.memory_space<hbm>>
      tpu.enqueue_dma source(%dma_start3A_74 : memref<1x128xi32, #tpu.memory_space<hbm>>) target(%arg9 : memref<1x128xi32, #tpu.memory_space<vmem>>) target_semaphore(%arg16 : memref<!tpu.dma_semaphore, #tpu.memory_space<semaphore_mem>>)
      %dma_wait3A = arith.constant 0 : i32
      %dma_wait3A_75 = tpu.memref_slice %arg7[%mul3A_55, %dma_wait3A] : memref<108x128xi32, #tpu.memory_space<vmem>> -> memref<1x128xi32, #tpu.memory_space<vmem>>
      %dma_wait3A_76 = tpu.memref_squeeze %dma_wait3A_75 : memref<1x128xi32, #tpu.memory_space<vmem>> -> memref<128xi32, #tpu.memory_space<vmem>>
      %dma_wait3A_77 = arith.constant 0 : i32
      %dma_wait3A_78 = arith.constant 0 : i32
      %dma_wait3A_79 = tpu.memref_slice %arg4[%dma_wait3A_77, %dma_wait3A_78] : memref<10000x128xf32, #tpu.memory_space<hbm>> -> memref<10000x128xf32, #tpu.memory_space<hbm>>
      tpu.wait_indirect_dma semaphore(%arg13 : memref<!tpu.dma_semaphore, #tpu.memory_space<semaphore_mem>>) src(%dma_wait3A_79 : memref<10000x128xf32, #tpu.memory_space<hbm>>) dst(%arg10 : memref<128x128xf32, #tpu.memory_space<vmem>>)
      %add3A_80 = arith.addi %mul3A_2, %mul3A_55 : i32
      %dma_wait3A_81 = arith.constant 0 : i32
      %dma_wait3A_82 = arith.constant 0 : i32
      %dma_wait3A_83 = tpu.memref_slice %arg3[%add3A_80, %dma_wait3A_81, %dma_wait3A_82] : memref<3456x1x128xi32, #tpu.memory_space<hbm>> -> memref<1x1x128xi32, #tpu.memory_space<hbm>>
      %dma_wait3A_84 = tpu.memref_squeeze %dma_wait3A_83 : memref<1x1x128xi32, #tpu.memory_space<hbm>> -> memref<1x128xi32, #tpu.memory_space<hbm>>
      %dma_wait3A_85 = arith.constant 0 : i32
      %dma_wait3A_86 = arith.constant 0 : i32
      %dma_wait3A_87 = tpu.memref_slice %arg3[%add3A_80, %dma_wait3A_85, %dma_wait3A_86] : memref<3456x1x128xi32, #tpu.memory_space<hbm>> -> memref<1x1x128xi32, #tpu.memory_space<hbm>>
      %dma_wait3A_88 = tpu.memref_squeeze %dma_wait3A_87 : memref<1x1x128xi32, #tpu.memory_space<hbm>> -> memref<1x128xi32, #tpu.memory_space<hbm>>
      tpu.wait_dma2 semaphore(%arg15 : memref<!tpu.dma_semaphore, #tpu.memory_space<semaphore_mem>>) src(%dma_wait3A_88 : memref<1x128xi32, #tpu.memory_space<hbm>>) dst(%arg8 : memref<1x128xi32, #tpu.memory_space<vmem>>)
      %run_scoped3A = arith.constant 0 : i32
      "tpu.region"() ({
        %run_scoped3A_112 = tpu.sem_alloc : memref<!tpu.dma_semaphore, #tpu.memory_space<semaphore_mem>>
        %dma_start3A_113 = arith.constant 0 : i32
        %dma_start3A_114 = tpu.memref_slice %arg8[%run_scoped3A, %dma_start3A_113] : memref<1x128xi32, #tpu.memory_space<vmem>> -> memref<1x128xi32, #tpu.memory_space<vmem>>
        %dma_start3A_115 = tpu.memref_squeeze %dma_start3A_114 : memref<1x128xi32, #tpu.memory_space<vmem>> -> memref<128xi32, #tpu.memory_space<vmem>>
        %dma_start3A_116 = arith.constant 0 : i32
        %dma_start3A_117 = arith.constant 0 : i32
        %dma_start3A_118 = tpu.memref_slice %arg12[%dma_start3A_116, %dma_start3A_117] : memref<10112x128xf32, #tpu.memory_space<vmem_shared>> -> memref<10112x128xf32, #tpu.memory_space<vmem_shared>>
        tpu.enqueue_indirect_dma source(%arg10 : memref<128x128xf32, #tpu.memory_space<vmem>>) target(%dma_start3A_118 : memref<10112x128xf32, #tpu.memory_space<vmem_shared>>) offsets(%dma_start3A_115 : memref<128xi32, #tpu.memory_space<vmem>>) semaphore(%run_scoped3A_112 : memref<!tpu.dma_semaphore, #tpu.memory_space<semaphore_mem>>) {add = true}
        %dma_wait3A_119 = arith.constant 0 : i32
        %dma_wait3A_120 = tpu.memref_slice %arg8[%run_scoped3A, %dma_wait3A_119] : memref<1x128xi32, #tpu.memory_space<vmem>> -> memref<1x128xi32, #tpu.memory_space<vmem>>
        %dma_wait3A_121 = tpu.memref_squeeze %dma_wait3A_120 : memref<1x128xi32, #tpu.memory_space<vmem>> -> memref<128xi32, #tpu.memory_space<vmem>>
        %dma_wait3A_122 = arith.constant 0 : i32
        %dma_wait3A_123 = arith.constant 0 : i32
        %dma_wait3A_124 = tpu.memref_slice %arg12[%dma_wait3A_122, %dma_wait3A_123] : memref<10112x128xf32, #tpu.memory_space<vmem_shared>> -> memref<10112x128xf32, #tpu.memory_space<vmem_shared>>
        tpu.wait_indirect_dma semaphore(%run_scoped3A_112 : memref<!tpu.dma_semaphore, #tpu.memory_space<semaphore_mem>>) src(%arg10 : memref<128x128xf32, #tpu.memory_space<vmem>>) dst(%dma_wait3A_124 : memref<10112x128xf32, #tpu.memory_space<vmem_shared>>)
        tpu.yield
      }) : () -> ()
      %add3A_89 = arith.constant 2 : i32
      %add3A_90 = arith.addi %mul3A_55, %add3A_89 : i32
      %lt3A = arith.cmpi slt, %add3A_90, %select_n3A : i32
      %convert_element_type3A = arith.extui %lt3A : i1 to i32
      %cond3A = arith.constant 0 : i32
      %cond3A_91 = arith.cmpi ne, %convert_element_type3A, %cond3A : i32
      scf.if %cond3A_91 {
        %add3A_112 = arith.constant 2 : i32
        %add3A_113 = arith.addi %mul3A_55, %add3A_112 : i32
        %dma_start3A_114 = arith.constant 0 : i32
        %dma_start3A_115 = tpu.memref_slice %arg7[%add3A_113, %dma_start3A_114] : memref<108x128xi32, #tpu.memory_space<vmem>> -> memref<1x128xi32, #tpu.memory_space<vmem>>
        %dma_start3A_116 = tpu.memref_squeeze %dma_start3A_115 : memref<1x128xi32, #tpu.memory_space<vmem>> -> memref<128xi32, #tpu.memory_space<vmem>>
        %dma_start3A_117 = arith.constant 0 : i32
        %dma_start3A_118 = arith.constant 0 : i32
        %dma_start3A_119 = tpu.memref_slice %arg4[%dma_start3A_117, %dma_start3A_118] : memref<10000x128xf32, #tpu.memory_space<hbm>> -> memref<10000x128xf32, #tpu.memory_space<hbm>>
        tpu.enqueue_indirect_dma source(%dma_start3A_119 : memref<10000x128xf32, #tpu.memory_space<hbm>>) target(%arg10 : memref<128x128xf32, #tpu.memory_space<vmem>>) offsets(%dma_start3A_116 : memref<128xi32, #tpu.memory_space<vmem>>) semaphore(%arg13 : memref<!tpu.dma_semaphore, #tpu.memory_space<semaphore_mem>>)
        %add3A_120 = arith.addi %mul3A_2, %mul3A_55 : i32
        %add3A_121 = arith.constant 2 : i32
        %add3A_122 = arith.addi %add3A_120, %add3A_121 : i32
        %dma_start3A_123 = arith.constant 0 : i32
        %dma_start3A_124 = arith.constant 0 : i32
        %dma_start3A_125 = tpu.memref_slice %arg3[%add3A_122, %dma_start3A_123, %dma_start3A_124] : memref<3456x1x128xi32, #tpu.memory_space<hbm>> -> memref<1x1x128xi32, #tpu.memory_space<hbm>>
        %dma_start3A_126 = tpu.memref_squeeze %dma_start3A_125 : memref<1x1x128xi32, #tpu.memory_space<hbm>> -> memref<1x128xi32, #tpu.memory_space<hbm>>
        %dma_start3A_127 = arith.constant 0 : i32
        %dma_start3A_128 = arith.constant 0 : i32
        %dma_start3A_129 = tpu.memref_slice %arg3[%add3A_122, %dma_start3A_127, %dma_start3A_128] : memref<3456x1x128xi32, #tpu.memory_space<hbm>> -> memref<1x1x128xi32, #tpu.memory_space<hbm>>
        %dma_start3A_130 = tpu.memref_squeeze %dma_start3A_129 : memref<1x1x128xi32, #tpu.memory_space<hbm>> -> memref<1x128xi32, #tpu.memory_space<hbm>>
        tpu.enqueue_dma source(%dma_start3A_130 : memref<1x128xi32, #tpu.memory_space<hbm>>) target(%arg8 : memref<1x128xi32, #tpu.memory_space<vmem>>) target_semaphore(%arg15 : memref<!tpu.dma_semaphore, #tpu.memory_space<semaphore_mem>>)
      } else {
      }
      %add3A_92 = arith.constant 1 : i32
      %add3A_93 = arith.addi %mul3A_55, %add3A_92 : i32
      %dma_wait3A_94 = arith.constant 0 : i32
      %dma_wait3A_95 = tpu.memref_slice %arg7[%add3A_93, %dma_wait3A_94] : memref<108x128xi32, #tpu.memory_space<vmem>> -> memref<1x128xi32, #tpu.memory_space<vmem>>
      %dma_wait3A_96 = tpu.memref_squeeze %dma_wait3A_95 : memref<1x128xi32, #tpu.memory_space<vmem>> -> memref<128xi32, #tpu.memory_space<vmem>>
      %dma_wait3A_97 = arith.constant 0 : i32
      %dma_wait3A_98 = arith.constant 0 : i32
      %dma_wait3A_99 = tpu.memref_slice %arg4[%dma_wait3A_97, %dma_wait3A_98] : memref<10000x128xf32, #tpu.memory_space<hbm>> -> memref<10000x128xf32, #tpu.memory_space<hbm>>
      tpu.wait_indirect_dma semaphore(%arg14 : memref<!tpu.dma_semaphore, #tpu.memory_space<semaphore_mem>>) src(%dma_wait3A_99 : memref<10000x128xf32, #tpu.memory_space<hbm>>) dst(%arg11 : memref<128x128xf32, #tpu.memory_space<vmem>>)
      %add3A_100 = arith.addi %mul3A_2, %mul3A_55 : i32
      %add3A_101 = arith.constant 1 : i32
      %add3A_102 = arith.addi %add3A_100, %add3A_101 : i32
      %dma_wait3A_103 = arith.constant 0 : i32
      %dma_wait3A_104 = arith.constant 0 : i32
      %dma_wait3A_105 = tpu.memref_slice %arg3[%add3A_102, %dma_wait3A_103, %dma_wait3A_104] : memref<3456x1x128xi32, #tpu.memory_space<hbm>> -> memref<1x1x128xi32, #tpu.memory_space<hbm>>
      %dma_wait3A_106 = tpu.memref_squeeze %dma_wait3A_105 : memref<1x1x128xi32, #tpu.memory_space<hbm>> -> memref<1x128xi32, #tpu.memory_space<hbm>>
      %dma_wait3A_107 = arith.constant 0 : i32
      %dma_wait3A_108 = arith.constant 0 : i32
      %dma_wait3A_109 = tpu.memref_slice %arg3[%add3A_102, %dma_wait3A_107, %dma_wait3A_108] : memref<3456x1x128xi32, #tpu.memory_space<hbm>> -> memref<1x1x128xi32, #tpu.memory_space<hbm>>
      %dma_wait3A_110 = tpu.memref_squeeze %dma_wait3A_109 : memref<1x1x128xi32, #tpu.memory_space<hbm>> -> memref<1x128xi32, #tpu.memory_space<hbm>>
      tpu.wait_dma2 semaphore(%arg16 : memref<!tpu.dma_semaphore, #tpu.memory_space<semaphore_mem>>) src(%dma_wait3A_110 : memref<1x128xi32, #tpu.memory_space<hbm>>) dst(%arg9 : memref<1x128xi32, #tpu.memory_space<vmem>>)
      %run_scoped3A_111 = arith.constant 0 : i32
      "tpu.region"() ({
        %run_scoped3A_112 = tpu.sem_alloc : memref<!tpu.dma_semaphore, #tpu.memory_space<semaphore_mem>>
        %dma_start3A_113 = arith.constant 0 : i32
        %dma_start3A_114 = tpu.memref_slice %arg9[%run_scoped3A_111, %dma_start3A_113] : memref<1x128xi32, #tpu.memory_space<vmem>> -> memref<1x128xi32, #tpu.memory_space<vmem>>
        %dma_start3A_115 = tpu.memref_squeeze %dma_start3A_114 : memref<1x128xi32, #tpu.memory_space<vmem>> -> memref<128xi32, #tpu.memory_space<vmem>>
        %dma_start3A_116 = arith.constant 0 : i32
        %dma_start3A_117 = arith.constant 0 : i32
        %dma_start3A_118 = tpu.memref_slice %arg12[%dma_start3A_116, %dma_start3A_117] : memref<10112x128xf32, #tpu.memory_space<vmem_shared>> -> memref<10112x128xf32, #tpu.memory_space<vmem_shared>>
        tpu.enqueue_indirect_dma source(%arg11 : memref<128x128xf32, #tpu.memory_space<vmem>>) target(%dma_start3A_118 : memref<10112x128xf32, #tpu.memory_space<vmem_shared>>) offsets(%dma_start3A_115 : memref<128xi32, #tpu.memory_space<vmem>>) semaphore(%run_scoped3A_112 : memref<!tpu.dma_semaphore, #tpu.memory_space<semaphore_mem>>) {add = true}
        %dma_wait3A_119 = arith.constant 0 : i32
        %dma_wait3A_120 = tpu.memref_slice %arg9[%run_scoped3A_111, %dma_wait3A_119] : memref<1x128xi32, #tpu.memory_space<vmem>> -> memref<1x128xi32, #tpu.memory_space<vmem>>
        %dma_wait3A_121 = tpu.memref_squeeze %dma_wait3A_120 : memref<1x128xi32, #tpu.memory_space<vmem>> -> memref<128xi32, #tpu.memory_space<vmem>>
        %dma_wait3A_122 = arith.constant 0 : i32
        %dma_wait3A_123 = arith.constant 0 : i32
        %dma_wait3A_124 = tpu.memref_slice %arg12[%dma_wait3A_122, %dma_wait3A_123] : memref<10112x128xf32, #tpu.memory_space<vmem_shared>> -> memref<10112x128xf32, #tpu.memory_space<vmem_shared>>
        tpu.wait_indirect_dma semaphore(%run_scoped3A_112 : memref<!tpu.dma_semaphore, #tpu.memory_space<semaphore_mem>>) src(%arg11 : memref<128x128xf32, #tpu.memory_space<vmem>>) dst(%dma_wait3A_124 : memref<10112x128xf32, #tpu.memory_space<vmem_shared>>)
        tpu.yield
      }) : () -> ()
    }
    %while3A_47 = arith.constant 1 : i32
    scf.for %while3A_53 = %while3A_45 to %while3A_41 step %while3A_47  : i32 {
      %mul3A_54 = arith.constant 2 : i32
      %mul3A_55 = arith.muli %mul3A_54, %while3A_53 : i32
      %add3A_56 = arith.constant 1 : i32
      %add3A_57 = arith.addi %mul3A_55, %add3A_56 : i32
      %dma_start3A_58 = arith.constant 0 : i32
      %dma_start3A_59 = tpu.memref_slice %arg7[%add3A_57, %dma_start3A_58] : memref<108x128xi32, #tpu.memory_space<vmem>> -> memref<1x128xi32, #tpu.memory_space<vmem>>
      %dma_start3A_60 = tpu.memref_squeeze %dma_start3A_59 : memref<1x128xi32, #tpu.memory_space<vmem>> -> memref<128xi32, #tpu.memory_space<vmem>>
      %dma_start3A_61 = arith.constant 0 : i32
      %dma_start3A_62 = arith.constant 0 : i32
      %dma_start3A_63 = tpu.memref_slice %arg4[%dma_start3A_61, %dma_start3A_62] : memref<10000x128xf32, #tpu.memory_space<hbm>> -> memref<10000x128xf32, #tpu.memory_space<hbm>>
      tpu.enqueue_indirect_dma source(%dma_start3A_63 : memref<10000x128xf32, #tpu.memory_space<hbm>>) target(%arg11 : memref<128x128xf32, #tpu.memory_space<vmem>>) offsets(%dma_start3A_60 : memref<128xi32, #tpu.memory_space<vmem>>) semaphore(%arg14 : memref<!tpu.dma_semaphore, #tpu.memory_space<semaphore_mem>>)
      %add3A_64 = arith.addi %mul3A_2, %mul3A_55 : i32
      %add3A_65 = arith.constant 1 : i32
      %add3A_66 = arith.addi %add3A_64, %add3A_65 : i32
      %dma_start3A_67 = arith.constant 0 : i32
      %dma_start3A_68 = arith.constant 0 : i32
      %dma_start3A_69 = tpu.memref_slice %arg3[%add3A_66, %dma_start3A_67, %dma_start3A_68] : memref<3456x1x128xi32, #tpu.memory_space<hbm>> -> memref<1x1x128xi32, #tpu.memory_space<hbm>>
      %dma_start3A_70 = tpu.memref_squeeze %dma_start3A_69 : memref<1x1x128xi32, #tpu.memory_space<hbm>> -> memref<1x128xi32, #tpu.memory_space<hbm>>
      %dma_start3A_71 = arith.constant 0 : i32
      %dma_start3A_72 = arith.constant 0 : i32
      %dma_start3A_73 = tpu.memref_slice %arg3[%add3A_66, %dma_start3A_71, %dma_start3A_72] : memref<3456x1x128xi32, #tpu.memory_space<hbm>> -> memref<1x1x128xi32, #tpu.memory_space<hbm>>
      %dma_start3A_74 = tpu.memref_squeeze %dma_start3A_73 : memref<1x1x128xi32, #tpu.memory_space<hbm>> -> memref<1x128xi32, #tpu.memory_space<hbm>>
      tpu.enqueue_dma source(%dma_start3A_74 : memref<1x128xi32, #tpu.memory_space<hbm>>) target(%arg9 : memref<1x128xi32, #tpu.memory_space<vmem>>) target_semaphore(%arg16 : memref<!tpu.dma_semaphore, #tpu.memory_space<semaphore_mem>>)
      %dma_wait3A = arith.constant 0 : i32
      %dma_wait3A_75 = tpu.memref_slice %arg7[%mul3A_55, %dma_wait3A] : memref<108x128xi32, #tpu.memory_space<vmem>> -> memref<1x128xi32, #tpu.memory_space<vmem>>
      %dma_wait3A_76 = tpu.memref_squeeze %dma_wait3A_75 : memref<1x128xi32, #tpu.memory_space<vmem>> -> memref<128xi32, #tpu.memory_space<vmem>>
      %dma_wait3A_77 = arith.constant 0 : i32
      %dma_wait3A_78 = arith.constant 0 : i32
      %dma_wait3A_79 = tpu.memref_slice %arg4[%dma_wait3A_77, %dma_wait3A_78] : memref<10000x128xf32, #tpu.memory_space<hbm>> -> memref<10000x128xf32, #tpu.memory_space<hbm>>
      tpu.wait_indirect_dma semaphore(%arg13 : memref<!tpu.dma_semaphore, #tpu.memory_space<semaphore_mem>>) src(%dma_wait3A_79 : memref<10000x128xf32, #tpu.memory_space<hbm>>) dst(%arg10 : memref<128x128xf32, #tpu.memory_space<vmem>>)
      %add3A_80 = arith.addi %mul3A_2, %mul3A_55 : i32
      %dma_wait3A_81 = arith.constant 0 : i32
      %dma_wait3A_82 = arith.constant 0 : i32
      %dma_wait3A_83 = tpu.memref_slice %arg3[%add3A_80, %dma_wait3A_81, %dma_wait3A_82] : memref<3456x1x128xi32, #tpu.memory_space<hbm>> -> memref<1x1x128xi32, #tpu.memory_space<hbm>>
      %dma_wait3A_84 = tpu.memref_squeeze %dma_wait3A_83 : memref<1x1x128xi32, #tpu.memory_space<hbm>> -> memref<1x128xi32, #tpu.memory_space<hbm>>
      %dma_wait3A_85 = arith.constant 0 : i32
      %dma_wait3A_86 = arith.constant 0 : i32
      %dma_wait3A_87 = tpu.memref_slice %arg3[%add3A_80, %dma_wait3A_85, %dma_wait3A_86] : memref<3456x1x128xi32, #tpu.memory_space<hbm>> -> memref<1x1x128xi32, #tpu.memory_space<hbm>>
      %dma_wait3A_88 = tpu.memref_squeeze %dma_wait3A_87 : memref<1x1x128xi32, #tpu.memory_space<hbm>> -> memref<1x128xi32, #tpu.memory_space<hbm>>
      tpu.wait_dma2 semaphore(%arg15 : memref<!tpu.dma_semaphore, #tpu.memory_space<semaphore_mem>>) src(%dma_wait3A_88 : memref<1x128xi32, #tpu.memory_space<hbm>>) dst(%arg8 : memref<1x128xi32, #tpu.memory_space<vmem>>)
      %run_scoped3A = arith.constant 0 : i32
      "tpu.region"() ({
        %run_scoped3A_112 = tpu.sem_alloc : memref<!tpu.dma_semaphore, #tpu.memory_space<semaphore_mem>>
        %dma_start3A_113 = arith.constant 0 : i32
        %dma_start3A_114 = tpu.memref_slice %arg8[%run_scoped3A, %dma_start3A_113] : memref<1x128xi32, #tpu.memory_space<vmem>> -> memref<1x128xi32, #tpu.memory_space<vmem>>
        %dma_start3A_115 = tpu.memref_squeeze %dma_start3A_114 : memref<1x128xi32, #tpu.memory_space<vmem>> -> memref<128xi32, #tpu.memory_space<vmem>>
        %dma_start3A_116 = arith.constant 0 : i32
        %dma_start3A_117 = arith.constant 0 : i32
        %dma_start3A_118 = tpu.memref_slice %arg12[%dma_start3A_116, %dma_start3A_117] : memref<10112x128xf32, #tpu.memory_space<vmem_shared>> -> memref<10112x128xf32, #tpu.memory_space<vmem_shared>>
        tpu.enqueue_indirect_dma source(%arg10 : memref<128x128xf32, #tpu.memory_space<vmem>>) target(%dma_start3A_118 : memref<10112x128xf32, #tpu.memory_space<vmem_shared>>) offsets(%dma_start3A_115 : memref<128xi32, #tpu.memory_space<vmem>>) semaphore(%run_scoped3A_112 : memref<!tpu.dma_semaphore, #tpu.memory_space<semaphore_mem>>) {add = true}
        %dma_wait3A_119 = arith.constant 0 : i32
        %dma_wait3A_120 = tpu.memref_slice %arg8[%run_scoped3A, %dma_wait3A_119] : memref<1x128xi32, #tpu.memory_space<vmem>> -> memref<1x128xi32, #tpu.memory_space<vmem>>
        %dma_wait3A_121 = tpu.memref_squeeze %dma_wait3A_120 : memref<1x128xi32, #tpu.memory_space<vmem>> -> memref<128xi32, #tpu.memory_space<vmem>>
        %dma_wait3A_122 = arith.constant 0 : i32
        %dma_wait3A_123 = arith.constant 0 : i32
        %dma_wait3A_124 = tpu.memref_slice %arg12[%dma_wait3A_122, %dma_wait3A_123] : memref<10112x128xf32, #tpu.memory_space<vmem_shared>> -> memref<10112x128xf32, #tpu.memory_space<vmem_shared>>
        tpu.wait_indirect_dma semaphore(%run_scoped3A_112 : memref<!tpu.dma_semaphore, #tpu.memory_space<semaphore_mem>>) src(%arg10 : memref<128x128xf32, #tpu.memory_space<vmem>>) dst(%dma_wait3A_124 : memref<10112x128xf32, #tpu.memory_space<vmem_shared>>)
        tpu.yield
      }) : () -> ()
      %add3A_89 = arith.constant 2 : i32
      %add3A_90 = arith.addi %mul3A_55, %add3A_89 : i32
      %lt3A = arith.cmpi slt, %add3A_90, %select_n3A : i32
      %convert_element_type3A = arith.extui %lt3A : i1 to i32
      %cond3A = arith.constant 0 : i32
      %cond3A_91 = arith.cmpi ne, %convert_element_type3A, %cond3A : i32
      scf.if %cond3A_91 {
        %add3A_112 = arith.constant 2 : i32
        %add3A_113 = arith.addi %mul3A_55, %add3A_112 : i32
        %dma_start3A_114 = arith.constant 0 : i32
        %dma_start3A_115 = tpu.memref_slice %arg7[%add3A_113, %dma_start3A_114] : memref<108x128xi32, #tpu.memory_space<vmem>> -> memref<1x128xi32, #tpu.memory_space<vmem>>
        %dma_start3A_116 = tpu.memref_squeeze %dma_start3A_115 : memref<1x128xi32, #tpu.memory_space<vmem>> -> memref<128xi32, #tpu.memory_space<vmem>>
        %dma_start3A_117 = arith.constant 0 : i32
        %dma_start3A_118 = arith.constant 0 : i32
        %dma_start3A_119 = tpu.memref_slice %arg4[%dma_start3A_117, %dma_start3A_118] : memref<10000x128xf32, #tpu.memory_space<hbm>> -> memref<10000x128xf32, #tpu.memory_space<hbm>>
        tpu.enqueue_indirect_dma source(%dma_start3A_119 : memref<10000x128xf32, #tpu.memory_space<hbm>>) target(%arg10 : memref<128x128xf32, #tpu.memory_space<vmem>>) offsets(%dma_start3A_116 : memref<128xi32, #tpu.memory_space<vmem>>) semaphore(%arg13 : memref<!tpu.dma_semaphore, #tpu.memory_space<semaphore_mem>>)
        %add3A_120 = arith.addi %mul3A_2, %mul3A_55 : i32
        %add3A_121 = arith.constant 2 : i32
        %add3A_122 = arith.addi %add3A_120, %add3A_121 : i32
        %dma_start3A_123 = arith.constant 0 : i32
        %dma_start3A_124 = arith.constant 0 : i32
        %dma_start3A_125 = tpu.memref_slice %arg3[%add3A_122, %dma_start3A_123, %dma_start3A_124] : memref<3456x1x128xi32, #tpu.memory_space<hbm>> -> memref<1x1x128xi32, #tpu.memory_space<hbm>>
        %dma_start3A_126 = tpu.memref_squeeze %dma_start3A_125 : memref<1x1x128xi32, #tpu.memory_space<hbm>> -> memref<1x128xi32, #tpu.memory_space<hbm>>
        %dma_start3A_127 = arith.constant 0 : i32
        %dma_start3A_128 = arith.constant 0 : i32
        %dma_start3A_129 = tpu.memref_slice %arg3[%add3A_122, %dma_start3A_127, %dma_start3A_128] : memref<3456x1x128xi32, #tpu.memory_space<hbm>> -> memref<1x1x128xi32, #tpu.memory_space<hbm>>
        %dma_start3A_130 = tpu.memref_squeeze %dma_start3A_129 : memref<1x1x128xi32, #tpu.memory_space<hbm>> -> memref<1x128xi32, #tpu.memory_space<hbm>>
        tpu.enqueue_dma source(%dma_start3A_130 : memref<1x128xi32, #tpu.memory_space<hbm>>) target(%arg8 : memref<1x128xi32, #tpu.memory_space<vmem>>) target_semaphore(%arg15 : memref<!tpu.dma_semaphore, #tpu.memory_space<semaphore_mem>>)
      } else {
      }
      %add3A_92 = arith.constant 1 : i32
      %add3A_93 = arith.addi %mul3A_55, %add3A_92 : i32
      %dma_wait3A_94 = arith.constant 0 : i32
      %dma_wait3A_95 = tpu.memref_slice %arg7[%add3A_93, %dma_wait3A_94] : memref<108x128xi32, #tpu.memory_space<vmem>> -> memref<1x128xi32, #tpu.memory_space<vmem>>
      %dma_wait3A_96 = tpu.memref_squeeze %dma_wait3A_95 : memref<1x128xi32, #tpu.memory_space<vmem>> -> memref<128xi32, #tpu.memory_space<vmem>>
      %dma_wait3A_97 = arith.constant 0 : i32
      %dma_wait3A_98 = arith.constant 0 : i32
      %dma_wait3A_99 = tpu.memref_slice %arg4[%dma_wait3A_97, %dma_wait3A_98] : memref<10000x128xf32, #tpu.memory_space<hbm>> -> memref<10000x128xf32, #tpu.memory_space<hbm>>
      tpu.wait_indirect_dma semaphore(%arg14 : memref<!tpu.dma_semaphore, #tpu.memory_space<semaphore_mem>>) src(%dma_wait3A_99 : memref<10000x128xf32, #tpu.memory_space<hbm>>) dst(%arg11 : memref<128x128xf32, #tpu.memory_space<vmem>>)
      %add3A_100 = arith.addi %mul3A_2, %mul3A_55 : i32
      %add3A_101 = arith.constant 1 : i32
      %add3A_102 = arith.addi %add3A_100, %add3A_101 : i32
      %dma_wait3A_103 = arith.constant 0 : i32
      %dma_wait3A_104 = arith.constant 0 : i32
      %dma_wait3A_105 = tpu.memref_slice %arg3[%add3A_102, %dma_wait3A_103, %dma_wait3A_104] : memref<3456x1x128xi32, #tpu.memory_space<hbm>> -> memref<1x1x128xi32, #tpu.memory_space<hbm>>
      %dma_wait3A_106 = tpu.memref_squeeze %dma_wait3A_105 : memref<1x1x128xi32, #tpu.memory_space<hbm>> -> memref<1x128xi32, #tpu.memory_space<hbm>>
      %dma_wait3A_107 = arith.constant 0 : i32
      %dma_wait3A_108 = arith.constant 0 : i32
      %dma_wait3A_109 = tpu.memref_slice %arg3[%add3A_102, %dma_wait3A_107, %dma_wait3A_108] : memref<3456x1x128xi32, #tpu.memory_space<hbm>> -> memref<1x1x128xi32, #tpu.memory_space<hbm>>
      %dma_wait3A_110 = tpu.memref_squeeze %dma_wait3A_109 : memref<1x1x128xi32, #tpu.memory_space<hbm>> -> memref<1x128xi32, #tpu.memory_space<hbm>>
      tpu.wait_dma2 semaphore(%arg16 : memref<!tpu.dma_semaphore, #tpu.memory_space<semaphore_mem>>) src(%dma_wait3A_110 : memref<1x128xi32, #tpu.memory_space<hbm>>) dst(%arg9 : memref<1x128xi32, #tpu.memory_space<vmem>>)
      %run_scoped3A_111 = arith.constant 0 : i32
      "tpu.region"() ({
        %run_scoped3A_112 = tpu.sem_alloc : memref<!tpu.dma_semaphore, #tpu.memory_space<semaphore_mem>>
        %dma_start3A_113 = arith.constant 0 : i32
        %dma_start3A_114 = tpu.memref_slice %arg9[%run_scoped3A_111, %dma_start3A_113] : memref<1x128xi32, #tpu.memory_space<vmem>> -> memref<1x128xi32, #tpu.memory_space<vmem>>
        %dma_start3A_115 = tpu.memref_squeeze %dma_start3A_114 : memref<1x128xi32, #tpu.memory_space<vmem>> -> memref<128xi32, #tpu.memory_space<vmem>>
        %dma_start3A_116 = arith.constant 0 : i32
        %dma_start3A_117 = arith.constant 0 : i32
        %dma_start3A_118 = tpu.memref_slice %arg12[%dma_start3A_116, %dma_start3A_117] : memref<10112x128xf32, #tpu.memory_space<vmem_shared>> -> memref<10112x128xf32, #tpu.memory_space<vmem_shared>>
        tpu.enqueue_indirect_dma source(%arg11 : memref<128x128xf32, #tpu.memory_space<vmem>>) target(%dma_start3A_118 : memref<10112x128xf32, #tpu.memory_space<vmem_shared>>) offsets(%dma_start3A_115 : memref<128xi32, #tpu.memory_space<vmem>>) semaphore(%run_scoped3A_112 : memref<!tpu.dma_semaphore, #tpu.memory_space<semaphore_mem>>) {add = true}
        %dma_wait3A_119 = arith.constant 0 : i32
        %dma_wait3A_120 = tpu.memref_slice %arg9[%run_scoped3A_111, %dma_wait3A_119] : memref<1x128xi32, #tpu.memory_space<vmem>> -> memref<1x128xi32, #tpu.memory_space<vmem>>
        %dma_wait3A_121 = tpu.memref_squeeze %dma_wait3A_120 : memref<1x128xi32, #tpu.memory_space<vmem>> -> memref<128xi32, #tpu.memory_space<vmem>>
        %dma_wait3A_122 = arith.constant 0 : i32
        %dma_wait3A_123 = arith.constant 0 : i32
        %dma_wait3A_124 = tpu.memref_slice %arg12[%dma_wait3A_122, %dma_wait3A_123] : memref<10112x128xf32, #tpu.memory_space<vmem_shared>> -> memref<10112x128xf32, #tpu.memory_space<vmem_shared>>
        tpu.wait_indirect_dma semaphore(%run_scoped3A_112 : memref<!tpu.dma_semaphore, #tpu.memory_space<semaphore_mem>>) src(%arg11 : memref<128x128xf32, #tpu.memory_space<vmem>>) dst(%dma_wait3A_124 : memref<10112x128xf32, #tpu.memory_space<vmem_shared>>)
        tpu.yield
      }) : () -> ()
    }
    %barrier3A_48 = arith.constant 0 : index
    tpu.barrier barrier_id(%barrier3A_48)
    %mul3A_49 = arith.constant 632 : i32
    %mul3A_50 = arith.muli %arg1, %mul3A_49 : i32
    %mul3A_51 = arith.constant 632 : i32
    %mul3A_52 = arith.muli %arg1, %mul3A_51 : i32
    "tpu.region"() ({
      %run_scoped3A = tpu.sem_alloc : memref<!tpu.dma_semaphore, #tpu.memory_space<semaphore_mem>>
      %dma_start3A_53 = arith.constant 0 : i32
      %dma_start3A_54 = tpu.memref_slice %arg6[%arg0, %mul3A_52, %dma_start3A_53] : memref<2x10112x128xf32, #tpu.memory_space<hbm>> -> memref<1x632x128xf32, #tpu.memory_space<hbm>>
      %dma_start3A_55 = tpu.memref_squeeze %dma_start3A_54 : memref<1x632x128xf32, #tpu.memory_space<hbm>> -> memref<632x128xf32, #tpu.memory_space<hbm>>
      %dma_start3A_56 = arith.constant 0 : i32
      %dma_start3A_57 = tpu.memref_slice %arg12[%mul3A_50, %dma_start3A_56] : memref<10112x128xf32, #tpu.memory_space<vmem_shared>> -> memref<632x128xf32, #tpu.memory_space<vmem_shared>>
      tpu.enqueue_dma source(%dma_start3A_57 : memref<632x128xf32, #tpu.memory_space<vmem_shared>>) target(%dma_start3A_55 : memref<632x128xf32, #tpu.memory_space<hbm>>) target_semaphore(%run_scoped3A : memref<!tpu.dma_semaphore, #tpu.memory_space<semaphore_mem>>)
      %dma_wait3A = arith.constant 0 : i32
      %dma_wait3A_58 = tpu.memref_slice %arg6[%arg0, %mul3A_52, %dma_wait3A] : memref<2x10112x128xf32, #tpu.memory_space<hbm>> -> memref<1x632x128xf32, #tpu.memory_space<hbm>>
      %dma_wait3A_59 = tpu.memref_squeeze %dma_wait3A_58 : memref<1x632x128xf32, #tpu.memory_space<hbm>> -> memref<632x128xf32, #tpu.memory_space<hbm>>
      %dma_wait3A_60 = arith.constant 0 : i32
      %dma_wait3A_61 = tpu.memref_slice %arg12[%mul3A_50, %dma_wait3A_60] : memref<10112x128xf32, #tpu.memory_space<vmem_shared>> -> memref<632x128xf32, #tpu.memory_space<vmem_shared>>
      tpu.wait_dma2 semaphore(%run_scoped3A : memref<!tpu.dma_semaphore, #tpu.memory_space<semaphore_mem>>) src(%dma_wait3A_61 : memref<632x128xf32, #tpu.memory_space<vmem_shared>>) dst(%dma_wait3A_59 : memref<632x128xf32, #tpu.memory_space<hbm>>)
      tpu.yield
    }) : () -> ()
    return
  }
}

#map = affine_map<(d0, d1) -> (0, 0, 0)>
#map1 = affine_map<(d0, d1) -> (0, 0)>
module attributes {stable_mosaic.version = 14 : i64} {
  func.func @run(%arg0: i32, %arg1: i32, %arg2: memref<32x108x128xi32, #tpu.memory_space<hbm>>, %arg3: memref<3456x1x128xi32, #tpu.memory_space<hbm>>, %arg4: memref<10000x128xf32, #tpu.memory_space<hbm>>, %arg5: memref<632x128xf32, #tpu.memory_space<hbm>>, %arg6: memref<2x10112x128xf32, #tpu.memory_space<hbm>>, %arg7: memref<108x128xi32, #tpu.memory_space<vmem>>, %arg8: memref<1x128xi32, #tpu.memory_space<vmem>>, %arg9: memref<1x128xi32, #tpu.memory_space<vmem>>, %arg10: memref<128x128xf32, #tpu.memory_space<vmem>>, %arg11: memref<128x128xf32, #tpu.memory_space<vmem>>, %arg12: memref<10112x128xf32, #tpu.memory_space<vmem_shared>>, %arg13: memref<!tpu.dma_semaphore, #tpu.memory_space<semaphore_mem>>, %arg14: memref<!tpu.dma_semaphore, #tpu.memory_space<semaphore_mem>>, %arg15: memref<!tpu.dma_semaphore, #tpu.memory_space<semaphore_mem>>, %arg16: memref<!tpu.dma_semaphore, #tpu.memory_space<semaphore_mem>>) attributes {dimension_semantics = [#tpu.dimension_semantics<core_parallel>, #tpu.dimension_semantics<subcore_parallel>], iteration_bounds = array<i64: 2, 16>, scalar_prefetch = 0 : i64, scratch_operands = 10 : i64, tpu.core_type = #tpu.core_type<sc_vector_subcore>, window_params = [{transform_indices = #map}, {transform_indices = #map}, {transform_indices = #map1}, {transform_indices = #map1}, {transform_indices = #map}]} {
    %mul3A = arith.constant 16 : i32
    %mul3A_0 = arith.muli %arg0, %mul3A : i32
    %add3A = arith.addi %mul3A_0, %arg1 : i32
    %mul3A_1 = arith.constant 108 : i32
    %mul3A_2 = arith.muli %add3A, %mul3A_1 : i32
    %eq3A = arith.constant 0 : i32
    %eq3A_3 = arith.cmpi eq, %arg0, %eq3A : i32
    %jit3A = arith.constant 108 : i32
    %jit3A_4 = arith.constant 50 : i32
    %select_n3A = arith.select %eq3A_3, %jit3A, %jit3A_4 : i32
    "tpu.region"() ({
      %run_scoped3A = tpu.sem_alloc : memref<!tpu.dma_semaphore, #tpu.memory_space<semaphore_mem>>
      %dma_start3A_53 = arith.constant 0 : i32
      %dma_start3A_54 = arith.constant 0 : i32
      %dma_start3A_55 = tpu.memref_slice %arg2[%add3A, %dma_start3A_53, %dma_start3A_54] : memref<32x108x128xi32, #tpu.memory_space<hbm>> -> memref<1x108x128xi32, #tpu.memory_space<hbm>>
      %dma_start3A_56 = tpu.memref_squeeze %dma_start3A_55 : memref<1x108x128xi32, #tpu.memory_space<hbm>> -> memref<108x128xi32, #tpu.memory_space<hbm>>
      %dma_start3A_57 = arith.constant 0 : i32
      %dma_start3A_58 = arith.constant 0 : i32
      %dma_start3A_59 = tpu.memref_slice %arg2[%add3A, %dma_start3A_57, %dma_start3A_58] : memref<32x108x128xi32, #tpu.memory_space<hbm>> -> memref<1x108x128xi32, #tpu.memory_space<hbm>>
      %dma_start3A_60 = tpu.memref_squeeze %dma_start3A_59 : memref<1x108x128xi32, #tpu.memory_space<hbm>> -> memref<108x128xi32, #tpu.memory_space<hbm>>
      tpu.enqueue_dma source(%dma_start3A_60 : memref<108x128xi32, #tpu.memory_space<hbm>>) target(%arg7 : memref<108x128xi32, #tpu.memory_space<vmem>>) target_semaphore(%run_scoped3A : memref<!tpu.dma_semaphore, #tpu.memory_space<semaphore_mem>>)
      %dma_wait3A = arith.constant 0 : i32
      %dma_wait3A_61 = arith.constant 0 : i32
      %dma_wait3A_62 = tpu.memref_slice %arg2[%add3A, %dma_wait3A, %dma_wait3A_61] : memref<32x108x128xi32, #tpu.memory_space<hbm>> -> memref<1x108x128xi32, #tpu.memory_space<hbm>>
      %dma_wait3A_63 = tpu.memref_squeeze %dma_wait3A_62 : memref<1x108x128xi32, #tpu.memory_space<hbm>> -> memref<108x128xi32, #tpu.memory_space<hbm>>
      %dma_wait3A_64 = arith.constant 0 : i32
      %dma_wait3A_65 = arith.constant 0 : i32
      %dma_wait3A_66 = tpu.memref_slice %arg2[%add3A, %dma_wait3A_64, %dma_wait3A_65] : memref<32x108x128xi32, #tpu.memory_space<hbm>> -> memref<1x108x128xi32, #tpu.memory_space<hbm>>
      %dma_wait3A_67 = tpu.memref_squeeze %dma_wait3A_66 : memref<1x108x128xi32, #tpu.memory_space<hbm>> -> memref<108x128xi32, #tpu.memory_space<hbm>>
      tpu.wait_dma2 semaphore(%run_scoped3A : memref<!tpu.dma_semaphore, #tpu.memory_space<semaphore_mem>>) src(%dma_wait3A_67 : memref<108x128xi32, #tpu.memory_space<hbm>>) dst(%arg7 : memref<108x128xi32, #tpu.memory_space<vmem>>)
      tpu.yield
    }) : () -> ()
    %mul3A_5 = arith.constant 632 : i32
    %mul3A_6 = arith.muli %arg1, %mul3A_5 : i32
    "tpu.region"() ({
      %run_scoped3A = tpu.sem_alloc : memref<!tpu.dma_semaphore, #tpu.memory_space<semaphore_mem>>
      %dma_start3A_53 = arith.constant 0 : i32
      %dma_start3A_54 = tpu.memref_slice %arg12[%mul3A_6, %dma_start3A_53] : memref<10112x128xf32, #tpu.memory_space<vmem_shared>> -> memref<632x128xf32, #tpu.memory_space<vmem_shared>>
      tpu.enqueue_dma source(%arg5 : memref<632x128xf32, #tpu.memory_space<hbm>>) target(%dma_start3A_54 : memref<632x128xf32, #tpu.memory_space<vmem_shared>>) target_semaphore(%run_scoped3A : memref<!tpu.dma_semaphore, #tpu.memory_space<semaphore_mem>>)
      %dma_wait3A = arith.constant 0 : i32
      %dma_wait3A_55 = tpu.memref_slice %arg12[%mul3A_6, %dma_wait3A] : memref<10112x128xf32, #tpu.memory_space<vmem_shared>> -> memref<632x128xf32, #tpu.memory_space<vmem_shared>>
      tpu.wait_dma2 semaphore(%run_scoped3A : memref<!tpu.dma_semaphore, #tpu.memory_space<semaphore_mem>>) src(%arg5 : memref<632x128xf32, #tpu.memory_space<hbm>>) dst(%dma_wait3A_55 : memref<632x128xf32, #tpu.memory_space<vmem_shared>>)
      tpu.yield
    }) : () -> ()
    %barrier3A = arith.constant 0 : index
    tpu.barrier barrier_id(%barrier3A)
    %dma_start3A = arith.constant 0 : i32
    %dma_start3A_7 = arith.constant 0 : i32
    %dma_start3A_8 = tpu.memref_slice %arg7[%dma_start3A, %dma_start3A_7] : memref<108x128xi32, #tpu.memory_space<vmem>> -> memref<1x128xi32, #tpu.memory_space<vmem>>
    %dma_start3A_9 = tpu.memref_squeeze %dma_start3A_8 : memref<1x128xi32, #tpu.memory_space<vmem>> -> memref<128xi32, #tpu.memory_space<vmem>>
    %dma_start3A_10 = arith.constant 0 : i32
    %dma_start3A_11 = arith.constant 0 : i32
    %dma_start3A_12 = tpu.memref_slice %arg4[%dma_start3A_10, %dma_start3A_11] : memref<10000x128xf32, #tpu.memory_space<hbm>> -> memref<10000x128xf32, #tpu.memory_space<hbm>>
    tpu.enqueue_indirect_dma source(%dma_start3A_12 : memref<10000x128xf32, #tpu.memory_space<hbm>>) target(%arg10 : memref<128x128xf32, #tpu.memory_space<vmem>>) offsets(%dma_start3A_9 : memref<128xi32, #tpu.memory_space<vmem>>) semaphore(%arg13 : memref<!tpu.dma_semaphore, #tpu.memory_space<semaphore_mem>>)
    %dma_start3A_13 = arith.constant 0 : i32
    %dma_start3A_14 = arith.constant 0 : i32
    %dma_start3A_15 = tpu.memref_slice %arg3[%mul3A_2, %dma_start3A_13, %dma_start3A_14] : memref<3456x1x128xi32, #tpu.memory_space<hbm>> -> memref<1x1x128xi32, #tpu.memory_space<hbm>>
    %dma_start3A_16 = tpu.memref_squeeze %dma_start3A_15 : memref<1x1x128xi32, #tpu.memory_space<hbm>> -> memref<1x128xi32, #tpu.memory_space<hbm>>
    %dma_start3A_17 = arith.constant 0 : i32
    %dma_start3A_18 = arith.constant 0 : i32
    %dma_start3A_19 = tpu.memref_slice %arg3[%mul3A_2, %dma_start3A_17, %dma_start3A_18] : memref<3456x1x128xi32, #tpu.memory_space<hbm>> -> memref<1x1x128xi32, #tpu.memory_space<hbm>>
    %dma_start3A_20 = tpu.memref_squeeze %dma_start3A_19 : memref<1x1x128xi32, #tpu.memory_space<hbm>> -> memref<1x128xi32, #tpu.memory_space<hbm>>
    tpu.enqueue_dma source(%dma_start3A_20 : memref<1x128xi32, #tpu.memory_space<hbm>>) target(%arg8 : memref<1x128xi32, #tpu.memory_space<vmem>>) target_semaphore(%arg15 : memref<!tpu.dma_semaphore, #tpu.memory_space<semaphore_mem>>)
    %jit3A_21 = arith.constant 2 : i32
    %div3A = arith.divsi %select_n3A, %jit3A_21 : i32
    %sign3A = arith.constant 0 : i32
    %sign3A_22 = arith.cmpi sgt, %select_n3A, %sign3A : i32
    %sign3A_23 = arith.extui %sign3A_22 : i1 to i32
    %sign3A_24 = arith.constant 0 : i32
    %sign3A_25 = arith.cmpi slt, %select_n3A, %sign3A_24 : i32
    %sign3A_26 = arith.extui %sign3A_25 : i1 to i32
    %sign3A_27 = arith.subi %sign3A_23, %sign3A_26 : i32
    %sign3A_28 = arith.constant 0 : i32
    %sign3A_29 = arith.cmpi sgt, %jit3A_21, %sign3A_28 : i32
    %sign3A_30 = arith.extui %sign3A_29 : i1 to i32
    %sign3A_31 = arith.constant 0 : i32
    %sign3A_32 = arith.cmpi slt, %jit3A_21, %sign3A_31 : i32
    %sign3A_33 = arith.extui %sign3A_32 : i1 to i32
    %sign3A_34 = arith.subi %sign3A_30, %sign3A_33 : i32
    %ne3A = arith.cmpi ne, %sign3A_27, %sign3A_34 : i32
    %rem3A = arith.remsi %select_n3A, %jit3A_21 : i32
    %ne3A_35 = arith.constant 0 : i32
    %ne3A_36 = arith.cmpi ne, %rem3A, %ne3A_35 : i32
    %and3A = arith.andi %ne3A, %ne3A_36 : i1
    %sub3A = arith.constant 1 : i32
    %sub3A_37 = arith.subi %div3A, %sub3A : i32
    %select_n3A_38 = arith.select %and3A, %sub3A_37, %div3A : i32
    %while3A = arith.constant 0 : i32
    %while3A_39 = arith.constant 0 : i32
    %while3A_40 = arith.subi %select_n3A_38, %while3A_39 : i32
    %while3A_41 = arith.addi %while3A_39, %while3A_40 : i32
    %while3A_42 = arith.constant 1 : i32
    %while3A_43 = arith.divsi %while3A_40, %while3A_42 : i32
    %while3A_44 = arith.muli %while3A_43, %while3A_42 : i32
    %while3A_45 = arith.addi %while3A_39, %while3A_44 : i32
    %while3A_46 = arith.constant 1 : i32
    scf.for %while3A_53 = %while3A_39 to %while3A_45 step %while3A_46  : i32 {
      %mul3A_54 = arith.constant 2 : i32
      %mul3A_55 = arith.muli %mul3A_54, %while3A_53 : i32
      %add3A_56 = arith.constant 1 : i32
      %add3A_57 = arith.addi %mul3A_55, %add3A_56 : i32
      %dma_start3A_58 = arith.constant 0 : i32
      %dma_start3A_59 = tpu.memref_slice %arg7[%add3A_57, %dma_start3A_58] : memref<108x128xi32, #tpu.memory_space<vmem>> -> memref<1x128xi32, #tpu.memory_space<vmem>>
      %dma_start3A_60 = tpu.memref_squeeze %dma_start3A_59 : memref<1x128xi32, #tpu.memory_space<vmem>> -> memref<128xi32, #tpu.memory_space<vmem>>
      %dma_start3A_61 = arith.constant 0 : i32
      %dma_start3A_62 = arith.constant 0 : i32
      %dma_start3A_63 = tpu.memref_slice %arg4[%dma_start3A_61, %dma_start3A_62] : memref<10000x128xf32, #tpu.memory_space<hbm>> -> memref<10000x128xf32, #tpu.memory_space<hbm>>
      tpu.enqueue_indirect_dma source(%dma_start3A_63 : memref<10000x128xf32, #tpu.memory_space<hbm>>) target(%arg11 : memref<128x128xf32, #tpu.memory_space<vmem>>) offsets(%dma_start3A_60 : memref<128xi32, #tpu.memory_space<vmem>>) semaphore(%arg14 : memref<!tpu.dma_semaphore, #tpu.memory_space<semaphore_mem>>)
      %add3A_64 = arith.addi %mul3A_2, %mul3A_55 : i32
      %add3A_65 = arith.constant 1 : i32
      %add3A_66 = arith.addi %add3A_64, %add3A_65 : i32
      %dma_start3A_67 = arith.constant 0 : i32
      %dma_start3A_68 = arith.constant 0 : i32
      %dma_start3A_69 = tpu.memref_slice %arg3[%add3A_66, %dma_start3A_67, %dma_start3A_68] : memref<3456x1x128xi32, #tpu.memory_space<hbm>> -> memref<1x1x128xi32, #tpu.memory_space<hbm>>
      %dma_start3A_70 = tpu.memref_squeeze %dma_start3A_69 : memref<1x1x128xi32, #tpu.memory_space<hbm>> -> memref<1x128xi32, #tpu.memory_space<hbm>>
      %dma_start3A_71 = arith.constant 0 : i32
      %dma_start3A_72 = arith.constant 0 : i32
      %dma_start3A_73 = tpu.memref_slice %arg3[%add3A_66, %dma_start3A_71, %dma_start3A_72] : memref<3456x1x128xi32, #tpu.memory_space<hbm>> -> memref<1x1x128xi32, #tpu.memory_space<hbm>>
      %dma_start3A_74 = tpu.memref_squeeze %dma_start3A_73 : memref<1x1x128xi32, #tpu.memory_space<hbm>> -> memref<1x128xi32, #tpu.memory_space<hbm>>
      tpu.enqueue_dma source(%dma_start3A_74 : memref<1x128xi32, #tpu.memory_space<hbm>>) target(%arg9 : memref<1x128xi32, #tpu.memory_space<vmem>>) target_semaphore(%arg16 : memref<!tpu.dma_semaphore, #tpu.memory_space<semaphore_mem>>)
      %dma_wait3A = arith.constant 0 : i32
      %dma_wait3A_75 = tpu.memref_slice %arg7[%mul3A_55, %dma_wait3A] : memref<108x128xi32, #tpu.memory_space<vmem>> -> memref<1x128xi32, #tpu.memory_space<vmem>>
      %dma_wait3A_76 = tpu.memref_squeeze %dma_wait3A_75 : memref<1x128xi32, #tpu.memory_space<vmem>> -> memref<128xi32, #tpu.memory_space<vmem>>
      %dma_wait3A_77 = arith.constant 0 : i32
      %dma_wait3A_78 = arith.constant 0 : i32
      %dma_wait3A_79 = tpu.memref_slice %arg4[%dma_wait3A_77, %dma_wait3A_78] : memref<10000x128xf32, #tpu.memory_space<hbm>> -> memref<10000x128xf32, #tpu.memory_space<hbm>>
      tpu.wait_indirect_dma semaphore(%arg13 : memref<!tpu.dma_semaphore, #tpu.memory_space<semaphore_mem>>) src(%dma_wait3A_79 : memref<10000x128xf32, #tpu.memory_space<hbm>>) dst(%arg10 : memref<128x128xf32, #tpu.memory_space<vmem>>)
      %add3A_80 = arith.addi %mul3A_2, %mul3A_55 : i32
      %dma_wait3A_81 = arith.constant 0 : i32
      %dma_wait3A_82 = arith.constant 0 : i32
      %dma_wait3A_83 = tpu.memref_slice %arg3[%add3A_80, %dma_wait3A_81, %dma_wait3A_82] : memref<3456x1x128xi32, #tpu.memory_space<hbm>> -> memref<1x1x128xi32, #tpu.memory_space<hbm>>
      %dma_wait3A_84 = tpu.memref_squeeze %dma_wait3A_83 : memref<1x1x128xi32, #tpu.memory_space<hbm>> -> memref<1x128xi32, #tpu.memory_space<hbm>>
      %dma_wait3A_85 = arith.constant 0 : i32
      %dma_wait3A_86 = arith.constant 0 : i32
      %dma_wait3A_87 = tpu.memref_slice %arg3[%add3A_80, %dma_wait3A_85, %dma_wait3A_86] : memref<3456x1x128xi32, #tpu.memory_space<hbm>> -> memref<1x1x128xi32, #tpu.memory_space<hbm>>
      %dma_wait3A_88 = tpu.memref_squeeze %dma_wait3A_87 : memref<1x1x128xi32, #tpu.memory_space<hbm>> -> memref<1x128xi32, #tpu.memory_space<hbm>>
      tpu.wait_dma2 semaphore(%arg15 : memref<!tpu.dma_semaphore, #tpu.memory_space<semaphore_mem>>) src(%dma_wait3A_88 : memref<1x128xi32, #tpu.memory_space<hbm>>) dst(%arg8 : memref<1x128xi32, #tpu.memory_space<vmem>>)
      %run_scoped3A = arith.constant 0 : i32
      "tpu.region"() ({
        %run_scoped3A_112 = tpu.sem_alloc : memref<!tpu.dma_semaphore, #tpu.memory_space<semaphore_mem>>
        %dma_start3A_113 = arith.constant 0 : i32
        %dma_start3A_114 = tpu.memref_slice %arg8[%run_scoped3A, %dma_start3A_113] : memref<1x128xi32, #tpu.memory_space<vmem>> -> memref<1x128xi32, #tpu.memory_space<vmem>>
        %dma_start3A_115 = tpu.memref_squeeze %dma_start3A_114 : memref<1x128xi32, #tpu.memory_space<vmem>> -> memref<128xi32, #tpu.memory_space<vmem>>
        %dma_start3A_116 = arith.constant 0 : i32
        %dma_start3A_117 = arith.constant 0 : i32
        %dma_start3A_118 = tpu.memref_slice %arg12[%dma_start3A_116, %dma_start3A_117] : memref<10112x128xf32, #tpu.memory_space<vmem_shared>> -> memref<10112x128xf32, #tpu.memory_space<vmem_shared>>
        tpu.enqueue_indirect_dma source(%arg10 : memref<128x128xf32, #tpu.memory_space<vmem>>) target(%dma_start3A_118 : memref<10112x128xf32, #tpu.memory_space<vmem_shared>>) offsets(%dma_start3A_115 : memref<128xi32, #tpu.memory_space<vmem>>) semaphore(%run_scoped3A_112 : memref<!tpu.dma_semaphore, #tpu.memory_space<semaphore_mem>>) {add = true}
        %dma_wait3A_119 = arith.constant 0 : i32
        %dma_wait3A_120 = tpu.memref_slice %arg8[%run_scoped3A, %dma_wait3A_119] : memref<1x128xi32, #tpu.memory_space<vmem>> -> memref<1x128xi32, #tpu.memory_space<vmem>>
        %dma_wait3A_121 = tpu.memref_squeeze %dma_wait3A_120 : memref<1x128xi32, #tpu.memory_space<vmem>> -> memref<128xi32, #tpu.memory_space<vmem>>
        %dma_wait3A_122 = arith.constant 0 : i32
        %dma_wait3A_123 = arith.constant 0 : i32
        %dma_wait3A_124 = tpu.memref_slice %arg12[%dma_wait3A_122, %dma_wait3A_123] : memref<10112x128xf32, #tpu.memory_space<vmem_shared>> -> memref<10112x128xf32, #tpu.memory_space<vmem_shared>>
        tpu.wait_indirect_dma semaphore(%run_scoped3A_112 : memref<!tpu.dma_semaphore, #tpu.memory_space<semaphore_mem>>) src(%arg10 : memref<128x128xf32, #tpu.memory_space<vmem>>) dst(%dma_wait3A_124 : memref<10112x128xf32, #tpu.memory_space<vmem_shared>>)
        tpu.yield
      }) : () -> ()
      %add3A_89 = arith.constant 2 : i32
      %add3A_90 = arith.addi %mul3A_55, %add3A_89 : i32
      %lt3A = arith.cmpi slt, %add3A_90, %select_n3A : i32
      %convert_element_type3A = arith.extui %lt3A : i1 to i32
      %cond3A = arith.constant 0 : i32
      %cond3A_91 = arith.cmpi ne, %convert_element_type3A, %cond3A : i32
      scf.if %cond3A_91 {
        %add3A_112 = arith.constant 2 : i32
        %add3A_113 = arith.addi %mul3A_55, %add3A_112 : i32
        %dma_start3A_114 = arith.constant 0 : i32
        %dma_start3A_115 = tpu.memref_slice %arg7[%add3A_113, %dma_start3A_114] : memref<108x128xi32, #tpu.memory_space<vmem>> -> memref<1x128xi32, #tpu.memory_space<vmem>>
        %dma_start3A_116 = tpu.memref_squeeze %dma_start3A_115 : memref<1x128xi32, #tpu.memory_space<vmem>> -> memref<128xi32, #tpu.memory_space<vmem>>
        %dma_start3A_117 = arith.constant 0 : i32
        %dma_start3A_118 = arith.constant 0 : i32
        %dma_start3A_119 = tpu.memref_slice %arg4[%dma_start3A_117, %dma_start3A_118] : memref<10000x128xf32, #tpu.memory_space<hbm>> -> memref<10000x128xf32, #tpu.memory_space<hbm>>
        tpu.enqueue_indirect_dma source(%dma_start3A_119 : memref<10000x128xf32, #tpu.memory_space<hbm>>) target(%arg10 : memref<128x128xf32, #tpu.memory_space<vmem>>) offsets(%dma_start3A_116 : memref<128xi32, #tpu.memory_space<vmem>>) semaphore(%arg13 : memref<!tpu.dma_semaphore, #tpu.memory_space<semaphore_mem>>)
        %add3A_120 = arith.addi %mul3A_2, %mul3A_55 : i32
        %add3A_121 = arith.constant 2 : i32
        %add3A_122 = arith.addi %add3A_120, %add3A_121 : i32
        %dma_start3A_123 = arith.constant 0 : i32
        %dma_start3A_124 = arith.constant 0 : i32
        %dma_start3A_125 = tpu.memref_slice %arg3[%add3A_122, %dma_start3A_123, %dma_start3A_124] : memref<3456x1x128xi32, #tpu.memory_space<hbm>> -> memref<1x1x128xi32, #tpu.memory_space<hbm>>
        %dma_start3A_126 = tpu.memref_squeeze %dma_start3A_125 : memref<1x1x128xi32, #tpu.memory_space<hbm>> -> memref<1x128xi32, #tpu.memory_space<hbm>>
        %dma_start3A_127 = arith.constant 0 : i32
        %dma_start3A_128 = arith.constant 0 : i32
        %dma_start3A_129 = tpu.memref_slice %arg3[%add3A_122, %dma_start3A_127, %dma_start3A_128] : memref<3456x1x128xi32, #tpu.memory_space<hbm>> -> memref<1x1x128xi32, #tpu.memory_space<hbm>>
        %dma_start3A_130 = tpu.memref_squeeze %dma_start3A_129 : memref<1x1x128xi32, #tpu.memory_space<hbm>> -> memref<1x128xi32, #tpu.memory_space<hbm>>
        tpu.enqueue_dma source(%dma_start3A_130 : memref<1x128xi32, #tpu.memory_space<hbm>>) target(%arg8 : memref<1x128xi32, #tpu.memory_space<vmem>>) target_semaphore(%arg15 : memref<!tpu.dma_semaphore, #tpu.memory_space<semaphore_mem>>)
      } else {
      }
      %add3A_92 = arith.constant 1 : i32
      %add3A_93 = arith.addi %mul3A_55, %add3A_92 : i32
      %dma_wait3A_94 = arith.constant 0 : i32
      %dma_wait3A_95 = tpu.memref_slice %arg7[%add3A_93, %dma_wait3A_94] : memref<108x128xi32, #tpu.memory_space<vmem>> -> memref<1x128xi32, #tpu.memory_space<vmem>>
      %dma_wait3A_96 = tpu.memref_squeeze %dma_wait3A_95 : memref<1x128xi32, #tpu.memory_space<vmem>> -> memref<128xi32, #tpu.memory_space<vmem>>
      %dma_wait3A_97 = arith.constant 0 : i32
      %dma_wait3A_98 = arith.constant 0 : i32
      %dma_wait3A_99 = tpu.memref_slice %arg4[%dma_wait3A_97, %dma_wait3A_98] : memref<10000x128xf32, #tpu.memory_space<hbm>> -> memref<10000x128xf32, #tpu.memory_space<hbm>>
      tpu.wait_indirect_dma semaphore(%arg14 : memref<!tpu.dma_semaphore, #tpu.memory_space<semaphore_mem>>) src(%dma_wait3A_99 : memref<10000x128xf32, #tpu.memory_space<hbm>>) dst(%arg11 : memref<128x128xf32, #tpu.memory_space<vmem>>)
      %add3A_100 = arith.addi %mul3A_2, %mul3A_55 : i32
      %add3A_101 = arith.constant 1 : i32
      %add3A_102 = arith.addi %add3A_100, %add3A_101 : i32
      %dma_wait3A_103 = arith.constant 0 : i32
      %dma_wait3A_104 = arith.constant 0 : i32
      %dma_wait3A_105 = tpu.memref_slice %arg3[%add3A_102, %dma_wait3A_103, %dma_wait3A_104] : memref<3456x1x128xi32, #tpu.memory_space<hbm>> -> memref<1x1x128xi32, #tpu.memory_space<hbm>>
      %dma_wait3A_106 = tpu.memref_squeeze %dma_wait3A_105 : memref<1x1x128xi32, #tpu.memory_space<hbm>> -> memref<1x128xi32, #tpu.memory_space<hbm>>
      %dma_wait3A_107 = arith.constant 0 : i32
      %dma_wait3A_108 = arith.constant 0 : i32
      %dma_wait3A_109 = tpu.memref_slice %arg3[%add3A_102, %dma_wait3A_107, %dma_wait3A_108] : memref<3456x1x128xi32, #tpu.memory_space<hbm>> -> memref<1x1x128xi32, #tpu.memory_space<hbm>>
      %dma_wait3A_110 = tpu.memref_squeeze %dma_wait3A_109 : memref<1x1x128xi32, #tpu.memory_space<hbm>> -> memref<1x128xi32, #tpu.memory_space<hbm>>
      tpu.wait_dma2 semaphore(%arg16 : memref<!tpu.dma_semaphore, #tpu.memory_space<semaphore_mem>>) src(%dma_wait3A_110 : memref<1x128xi32, #tpu.memory_space<hbm>>) dst(%arg9 : memref<1x128xi32, #tpu.memory_space<vmem>>)
      %run_scoped3A_111 = arith.constant 0 : i32
      "tpu.region"() ({
        %run_scoped3A_112 = tpu.sem_alloc : memref<!tpu.dma_semaphore, #tpu.memory_space<semaphore_mem>>
        %dma_start3A_113 = arith.constant 0 : i32
        %dma_start3A_114 = tpu.memref_slice %arg9[%run_scoped3A_111, %dma_start3A_113] : memref<1x128xi32, #tpu.memory_space<vmem>> -> memref<1x128xi32, #tpu.memory_space<vmem>>
        %dma_start3A_115 = tpu.memref_squeeze %dma_start3A_114 : memref<1x128xi32, #tpu.memory_space<vmem>> -> memref<128xi32, #tpu.memory_space<vmem>>
        %dma_start3A_116 = arith.constant 0 : i32
        %dma_start3A_117 = arith.constant 0 : i32
        %dma_start3A_118 = tpu.memref_slice %arg12[%dma_start3A_116, %dma_start3A_117] : memref<10112x128xf32, #tpu.memory_space<vmem_shared>> -> memref<10112x128xf32, #tpu.memory_space<vmem_shared>>
        tpu.enqueue_indirect_dma source(%arg11 : memref<128x128xf32, #tpu.memory_space<vmem>>) target(%dma_start3A_118 : memref<10112x128xf32, #tpu.memory_space<vmem_shared>>) offsets(%dma_start3A_115 : memref<128xi32, #tpu.memory_space<vmem>>) semaphore(%run_scoped3A_112 : memref<!tpu.dma_semaphore, #tpu.memory_space<semaphore_mem>>) {add = true}
        %dma_wait3A_119 = arith.constant 0 : i32
        %dma_wait3A_120 = tpu.memref_slice %arg9[%run_scoped3A_111, %dma_wait3A_119] : memref<1x128xi32, #tpu.memory_space<vmem>> -> memref<1x128xi32, #tpu.memory_space<vmem>>
        %dma_wait3A_121 = tpu.memref_squeeze %dma_wait3A_120 : memref<1x128xi32, #tpu.memory_space<vmem>> -> memref<128xi32, #tpu.memory_space<vmem>>
        %dma_wait3A_122 = arith.constant 0 : i32
        %dma_wait3A_123 = arith.constant 0 : i32
        %dma_wait3A_124 = tpu.memref_slice %arg12[%dma_wait3A_122, %dma_wait3A_123] : memref<10112x128xf32, #tpu.memory_space<vmem_shared>> -> memref<10112x128xf32, #tpu.memory_space<vmem_shared>>
        tpu.wait_indirect_dma semaphore(%run_scoped3A_112 : memref<!tpu.dma_semaphore, #tpu.memory_space<semaphore_mem>>) src(%arg11 : memref<128x128xf32, #tpu.memory_space<vmem>>) dst(%dma_wait3A_124 : memref<10112x128xf32, #tpu.memory_space<vmem_shared>>)
        tpu.yield
      }) : () -> ()
    }
    %while3A_47 = arith.constant 1 : i32
    scf.for %while3A_53 = %while3A_45 to %while3A_41 step %while3A_47  : i32 {
      %mul3A_54 = arith.constant 2 : i32
      %mul3A_55 = arith.muli %mul3A_54, %while3A_53 : i32
      %add3A_56 = arith.constant 1 : i32
      %add3A_57 = arith.addi %mul3A_55, %add3A_56 : i32
      %dma_start3A_58 = arith.constant 0 : i32
      %dma_start3A_59 = tpu.memref_slice %arg7[%add3A_57, %dma_start3A_58] : memref<108x128xi32, #tpu.memory_space<vmem>> -> memref<1x128xi32, #tpu.memory_space<vmem>>
      %dma_start3A_60 = tpu.memref_squeeze %dma_start3A_59 : memref<1x128xi32, #tpu.memory_space<vmem>> -> memref<128xi32, #tpu.memory_space<vmem>>
      %dma_start3A_61 = arith.constant 0 : i32
      %dma_start3A_62 = arith.constant 0 : i32
      %dma_start3A_63 = tpu.memref_slice %arg4[%dma_start3A_61, %dma_start3A_62] : memref<10000x128xf32, #tpu.memory_space<hbm>> -> memref<10000x128xf32, #tpu.memory_space<hbm>>
      tpu.enqueue_indirect_dma source(%dma_start3A_63 : memref<10000x128xf32, #tpu.memory_space<hbm>>) target(%arg11 : memref<128x128xf32, #tpu.memory_space<vmem>>) offsets(%dma_start3A_60 : memref<128xi32, #tpu.memory_space<vmem>>) semaphore(%arg14 : memref<!tpu.dma_semaphore, #tpu.memory_space<semaphore_mem>>)
      %add3A_64 = arith.addi %mul3A_2, %mul3A_55 : i32
      %add3A_65 = arith.constant 1 : i32
      %add3A_66 = arith.addi %add3A_64, %add3A_65 : i32
      %dma_start3A_67 = arith.constant 0 : i32
      %dma_start3A_68 = arith.constant 0 : i32
      %dma_start3A_69 = tpu.memref_slice %arg3[%add3A_66, %dma_start3A_67, %dma_start3A_68] : memref<3456x1x128xi32, #tpu.memory_space<hbm>> -> memref<1x1x128xi32, #tpu.memory_space<hbm>>
      %dma_start3A_70 = tpu.memref_squeeze %dma_start3A_69 : memref<1x1x128xi32, #tpu.memory_space<hbm>> -> memref<1x128xi32, #tpu.memory_space<hbm>>
      %dma_start3A_71 = arith.constant 0 : i32
      %dma_start3A_72 = arith.constant 0 : i32
      %dma_start3A_73 = tpu.memref_slice %arg3[%add3A_66, %dma_start3A_71, %dma_start3A_72] : memref<3456x1x128xi32, #tpu.memory_space<hbm>> -> memref<1x1x128xi32, #tpu.memory_space<hbm>>
      %dma_start3A_74 = tpu.memref_squeeze %dma_start3A_73 : memref<1x1x128xi32, #tpu.memory_space<hbm>> -> memref<1x128xi32, #tpu.memory_space<hbm>>
      tpu.enqueue_dma source(%dma_start3A_74 : memref<1x128xi32, #tpu.memory_space<hbm>>) target(%arg9 : memref<1x128xi32, #tpu.memory_space<vmem>>) target_semaphore(%arg16 : memref<!tpu.dma_semaphore, #tpu.memory_space<semaphore_mem>>)
      %dma_wait3A = arith.constant 0 : i32
      %dma_wait3A_75 = tpu.memref_slice %arg7[%mul3A_55, %dma_wait3A] : memref<108x128xi32, #tpu.memory_space<vmem>> -> memref<1x128xi32, #tpu.memory_space<vmem>>
      %dma_wait3A_76 = tpu.memref_squeeze %dma_wait3A_75 : memref<1x128xi32, #tpu.memory_space<vmem>> -> memref<128xi32, #tpu.memory_space<vmem>>
      %dma_wait3A_77 = arith.constant 0 : i32
      %dma_wait3A_78 = arith.constant 0 : i32
      %dma_wait3A_79 = tpu.memref_slice %arg4[%dma_wait3A_77, %dma_wait3A_78] : memref<10000x128xf32, #tpu.memory_space<hbm>> -> memref<10000x128xf32, #tpu.memory_space<hbm>>
      tpu.wait_indirect_dma semaphore(%arg13 : memref<!tpu.dma_semaphore, #tpu.memory_space<semaphore_mem>>) src(%dma_wait3A_79 : memref<10000x128xf32, #tpu.memory_space<hbm>>) dst(%arg10 : memref<128x128xf32, #tpu.memory_space<vmem>>)
      %add3A_80 = arith.addi %mul3A_2, %mul3A_55 : i32
      %dma_wait3A_81 = arith.constant 0 : i32
      %dma_wait3A_82 = arith.constant 0 : i32
      %dma_wait3A_83 = tpu.memref_slice %arg3[%add3A_80, %dma_wait3A_81, %dma_wait3A_82] : memref<3456x1x128xi32, #tpu.memory_space<hbm>> -> memref<1x1x128xi32, #tpu.memory_space<hbm>>
      %dma_wait3A_84 = tpu.memref_squeeze %dma_wait3A_83 : memref<1x1x128xi32, #tpu.memory_space<hbm>> -> memref<1x128xi32, #tpu.memory_space<hbm>>
      %dma_wait3A_85 = arith.constant 0 : i32
      %dma_wait3A_86 = arith.constant 0 : i32
      %dma_wait3A_87 = tpu.memref_slice %arg3[%add3A_80, %dma_wait3A_85, %dma_wait3A_86] : memref<3456x1x128xi32, #tpu.memory_space<hbm>> -> memref<1x1x128xi32, #tpu.memory_space<hbm>>
      %dma_wait3A_88 = tpu.memref_squeeze %dma_wait3A_87 : memref<1x1x128xi32, #tpu.memory_space<hbm>> -> memref<1x128xi32, #tpu.memory_space<hbm>>
      tpu.wait_dma2 semaphore(%arg15 : memref<!tpu.dma_semaphore, #tpu.memory_space<semaphore_mem>>) src(%dma_wait3A_88 : memref<1x128xi32, #tpu.memory_space<hbm>>) dst(%arg8 : memref<1x128xi32, #tpu.memory_space<vmem>>)
      %run_scoped3A = arith.constant 0 : i32
      "tpu.region"() ({
        %run_scoped3A_112 = tpu.sem_alloc : memref<!tpu.dma_semaphore, #tpu.memory_space<semaphore_mem>>
        %dma_start3A_113 = arith.constant 0 : i32
        %dma_start3A_114 = tpu.memref_slice %arg8[%run_scoped3A, %dma_start3A_113] : memref<1x128xi32, #tpu.memory_space<vmem>> -> memref<1x128xi32, #tpu.memory_space<vmem>>
        %dma_start3A_115 = tpu.memref_squeeze %dma_start3A_114 : memref<1x128xi32, #tpu.memory_space<vmem>> -> memref<128xi32, #tpu.memory_space<vmem>>
        %dma_start3A_116 = arith.constant 0 : i32
        %dma_start3A_117 = arith.constant 0 : i32
        %dma_start3A_118 = tpu.memref_slice %arg12[%dma_start3A_116, %dma_start3A_117] : memref<10112x128xf32, #tpu.memory_space<vmem_shared>> -> memref<10112x128xf32, #tpu.memory_space<vmem_shared>>
        tpu.enqueue_indirect_dma source(%arg10 : memref<128x128xf32, #tpu.memory_space<vmem>>) target(%dma_start3A_118 : memref<10112x128xf32, #tpu.memory_space<vmem_shared>>) offsets(%dma_start3A_115 : memref<128xi32, #tpu.memory_space<vmem>>) semaphore(%run_scoped3A_112 : memref<!tpu.dma_semaphore, #tpu.memory_space<semaphore_mem>>) {add = true}
        %dma_wait3A_119 = arith.constant 0 : i32
        %dma_wait3A_120 = tpu.memref_slice %arg8[%run_scoped3A, %dma_wait3A_119] : memref<1x128xi32, #tpu.memory_space<vmem>> -> memref<1x128xi32, #tpu.memory_space<vmem>>
        %dma_wait3A_121 = tpu.memref_squeeze %dma_wait3A_120 : memref<1x128xi32, #tpu.memory_space<vmem>> -> memref<128xi32, #tpu.memory_space<vmem>>
        %dma_wait3A_122 = arith.constant 0 : i32
        %dma_wait3A_123 = arith.constant 0 : i32
        %dma_wait3A_124 = tpu.memref_slice %arg12[%dma_wait3A_122, %dma_wait3A_123] : memref<10112x128xf32, #tpu.memory_space<vmem_shared>> -> memref<10112x128xf32, #tpu.memory_space<vmem_shared>>
        tpu.wait_indirect_dma semaphore(%run_scoped3A_112 : memref<!tpu.dma_semaphore, #tpu.memory_space<semaphore_mem>>) src(%arg10 : memref<128x128xf32, #tpu.memory_space<vmem>>) dst(%dma_wait3A_124 : memref<10112x128xf32, #tpu.memory_space<vmem_shared>>)
        tpu.yield
      }) : () -> ()
      %add3A_89 = arith.constant 2 : i32
      %add3A_90 = arith.addi %mul3A_55, %add3A_89 : i32
      %lt3A = arith.cmpi slt, %add3A_90, %select_n3A : i32
      %convert_element_type3A = arith.extui %lt3A : i1 to i32
      %cond3A = arith.constant 0 : i32
      %cond3A_91 = arith.cmpi ne, %convert_element_type3A, %cond3A : i32
      scf.if %cond3A_91 {
        %add3A_112 = arith.constant 2 : i32
        %add3A_113 = arith.addi %mul3A_55, %add3A_112 : i32
        %dma_start3A_114 = arith.constant 0 : i32
        %dma_start3A_115 = tpu.memref_slice %arg7[%add3A_113, %dma_start3A_114] : memref<108x128xi32, #tpu.memory_space<vmem>> -> memref<1x128xi32, #tpu.memory_space<vmem>>
        %dma_start3A_116 = tpu.memref_squeeze %dma_start3A_115 : memref<1x128xi32, #tpu.memory_space<vmem>> -> memref<128xi32, #tpu.memory_space<vmem>>
        %dma_start3A_117 = arith.constant 0 : i32
        %dma_start3A_118 = arith.constant 0 : i32
        %dma_start3A_119 = tpu.memref_slice %arg4[%dma_start3A_117, %dma_start3A_118] : memref<10000x128xf32, #tpu.memory_space<hbm>> -> memref<10000x128xf32, #tpu.memory_space<hbm>>
        tpu.enqueue_indirect_dma source(%dma_start3A_119 : memref<10000x128xf32, #tpu.memory_space<hbm>>) target(%arg10 : memref<128x128xf32, #tpu.memory_space<vmem>>) offsets(%dma_start3A_116 : memref<128xi32, #tpu.memory_space<vmem>>) semaphore(%arg13 : memref<!tpu.dma_semaphore, #tpu.memory_space<semaphore_mem>>)
        %add3A_120 = arith.addi %mul3A_2, %mul3A_55 : i32
        %add3A_121 = arith.constant 2 : i32
        %add3A_122 = arith.addi %add3A_120, %add3A_121 : i32
        %dma_start3A_123 = arith.constant 0 : i32
        %dma_start3A_124 = arith.constant 0 : i32
        %dma_start3A_125 = tpu.memref_slice %arg3[%add3A_122, %dma_start3A_123, %dma_start3A_124] : memref<3456x1x128xi32, #tpu.memory_space<hbm>> -> memref<1x1x128xi32, #tpu.memory_space<hbm>>
        %dma_start3A_126 = tpu.memref_squeeze %dma_start3A_125 : memref<1x1x128xi32, #tpu.memory_space<hbm>> -> memref<1x128xi32, #tpu.memory_space<hbm>>
        %dma_start3A_127 = arith.constant 0 : i32
        %dma_start3A_128 = arith.constant 0 : i32
        %dma_start3A_129 = tpu.memref_slice %arg3[%add3A_122, %dma_start3A_127, %dma_start3A_128] : memref<3456x1x128xi32, #tpu.memory_space<hbm>> -> memref<1x1x128xi32, #tpu.memory_space<hbm>>
        %dma_start3A_130 = tpu.memref_squeeze %dma_start3A_129 : memref<1x1x128xi32, #tpu.memory_space<hbm>> -> memref<1x128xi32, #tpu.memory_space<hbm>>
        tpu.enqueue_dma source(%dma_start3A_130 : memref<1x128xi32, #tpu.memory_space<hbm>>) target(%arg8 : memref<1x128xi32, #tpu.memory_space<vmem>>) target_semaphore(%arg15 : memref<!tpu.dma_semaphore, #tpu.memory_space<semaphore_mem>>)
      } else {
      }
      %add3A_92 = arith.constant 1 : i32
      %add3A_93 = arith.addi %mul3A_55, %add3A_92 : i32
      %dma_wait3A_94 = arith.constant 0 : i32
      %dma_wait3A_95 = tpu.memref_slice %arg7[%add3A_93, %dma_wait3A_94] : memref<108x128xi32, #tpu.memory_space<vmem>> -> memref<1x128xi32, #tpu.memory_space<vmem>>
      %dma_wait3A_96 = tpu.memref_squeeze %dma_wait3A_95 : memref<1x128xi32, #tpu.memory_space<vmem>> -> memref<128xi32, #tpu.memory_space<vmem>>
      %dma_wait3A_97 = arith.constant 0 : i32
      %dma_wait3A_98 = arith.constant 0 : i32
      %dma_wait3A_99 = tpu.memref_slice %arg4[%dma_wait3A_97, %dma_wait3A_98] : memref<10000x128xf32, #tpu.memory_space<hbm>> -> memref<10000x128xf32, #tpu.memory_space<hbm>>
      tpu.wait_indirect_dma semaphore(%arg14 : memref<!tpu.dma_semaphore, #tpu.memory_space<semaphore_mem>>) src(%dma_wait3A_99 : memref<10000x128xf32, #tpu.memory_space<hbm>>) dst(%arg11 : memref<128x128xf32, #tpu.memory_space<vmem>>)
      %add3A_100 = arith.addi %mul3A_2, %mul3A_55 : i32
      %add3A_101 = arith.constant 1 : i32
      %add3A_102 = arith.addi %add3A_100, %add3A_101 : i32
      %dma_wait3A_103 = arith.constant 0 : i32
      %dma_wait3A_104 = arith.constant 0 : i32
      %dma_wait3A_105 = tpu.memref_slice %arg3[%add3A_102, %dma_wait3A_103, %dma_wait3A_104] : memref<3456x1x128xi32, #tpu.memory_space<hbm>> -> memref<1x1x128xi32, #tpu.memory_space<hbm>>
      %dma_wait3A_106 = tpu.memref_squeeze %dma_wait3A_105 : memref<1x1x128xi32, #tpu.memory_space<hbm>> -> memref<1x128xi32, #tpu.memory_space<hbm>>
      %dma_wait3A_107 = arith.constant 0 : i32
      %dma_wait3A_108 = arith.constant 0 : i32
      %dma_wait3A_109 = tpu.memref_slice %arg3[%add3A_102, %dma_wait3A_107, %dma_wait3A_108] : memref<3456x1x128xi32, #tpu.memory_space<hbm>> -> memref<1x1x128xi32, #tpu.memory_space<hbm>>
      %dma_wait3A_110 = tpu.memref_squeeze %dma_wait3A_109 : memref<1x1x128xi32, #tpu.memory_space<hbm>> -> memref<1x128xi32, #tpu.memory_space<hbm>>
      tpu.wait_dma2 semaphore(%arg16 : memref<!tpu.dma_semaphore, #tpu.memory_space<semaphore_mem>>) src(%dma_wait3A_110 : memref<1x128xi32, #tpu.memory_space<hbm>>) dst(%arg9 : memref<1x128xi32, #tpu.memory_space<vmem>>)
      %run_scoped3A_111 = arith.constant 0 : i32
      "tpu.region"() ({
        %run_scoped3A_112 = tpu.sem_alloc : memref<!tpu.dma_semaphore, #tpu.memory_space<semaphore_mem>>
        %dma_start3A_113 = arith.constant 0 : i32
        %dma_start3A_114 = tpu.memref_slice %arg9[%run_scoped3A_111, %dma_start3A_113] : memref<1x128xi32, #tpu.memory_space<vmem>> -> memref<1x128xi32, #tpu.memory_space<vmem>>
        %dma_start3A_115 = tpu.memref_squeeze %dma_start3A_114 : memref<1x128xi32, #tpu.memory_space<vmem>> -> memref<128xi32, #tpu.memory_space<vmem>>
        %dma_start3A_116 = arith.constant 0 : i32
        %dma_start3A_117 = arith.constant 0 : i32
        %dma_start3A_118 = tpu.memref_slice %arg12[%dma_start3A_116, %dma_start3A_117] : memref<10112x128xf32, #tpu.memory_space<vmem_shared>> -> memref<10112x128xf32, #tpu.memory_space<vmem_shared>>
        tpu.enqueue_indirect_dma source(%arg11 : memref<128x128xf32, #tpu.memory_space<vmem>>) target(%dma_start3A_118 : memref<10112x128xf32, #tpu.memory_space<vmem_shared>>) offsets(%dma_start3A_115 : memref<128xi32, #tpu.memory_space<vmem>>) semaphore(%run_scoped3A_112 : memref<!tpu.dma_semaphore, #tpu.memory_space<semaphore_mem>>) {add = true}
        %dma_wait3A_119 = arith.constant 0 : i32
        %dma_wait3A_120 = tpu.memref_slice %arg9[%run_scoped3A_111, %dma_wait3A_119] : memref<1x128xi32, #tpu.memory_space<vmem>> -> memref<1x128xi32, #tpu.memory_space<vmem>>
        %dma_wait3A_121 = tpu.memref_squeeze %dma_wait3A_120 : memref<1x128xi32, #tpu.memory_space<vmem>> -> memref<128xi32, #tpu.memory_space<vmem>>
        %dma_wait3A_122 = arith.constant 0 : i32
        %dma_wait3A_123 = arith.constant 0 : i32
        %dma_wait3A_124 = tpu.memref_slice %arg12[%dma_wait3A_122, %dma_wait3A_123] : memref<10112x128xf32, #tpu.memory_space<vmem_shared>> -> memref<10112x128xf32, #tpu.memory_space<vmem_shared>>
        tpu.wait_indirect_dma semaphore(%run_scoped3A_112 : memref<!tpu.dma_semaphore, #tpu.memory_space<semaphore_mem>>) src(%arg11 : memref<128x128xf32, #tpu.memory_space<vmem>>) dst(%dma_wait3A_124 : memref<10112x128xf32, #tpu.memory_space<vmem_shared>>)
        tpu.yield
      }) : () -> ()
    }
    %barrier3A_48 = arith.constant 0 : index
    tpu.barrier barrier_id(%barrier3A_48)
    %mul3A_49 = arith.constant 632 : i32
    %mul3A_50 = arith.muli %arg1, %mul3A_49 : i32
    %mul3A_51 = arith.constant 632 : i32
    %mul3A_52 = arith.muli %arg1, %mul3A_51 : i32
    "tpu.region"() ({
      %run_scoped3A = tpu.sem_alloc : memref<!tpu.dma_semaphore, #tpu.memory_space<semaphore_mem>>
      %dma_start3A_53 = arith.constant 0 : i32
      %dma_start3A_54 = tpu.memref_slice %arg6[%arg0, %mul3A_52, %dma_start3A_53] : memref<2x10112x128xf32, #tpu.memory_space<hbm>> -> memref<1x632x128xf32, #tpu.memory_space<hbm>>
      %dma_start3A_55 = tpu.memref_squeeze %dma_start3A_54 : memref<1x632x128xf32, #tpu.memory_space<hbm>> -> memref<632x128xf32, #tpu.memory_space<hbm>>
      %dma_start3A_56 = arith.constant 0 : i32
      %dma_start3A_57 = tpu.memref_slice %arg12[%mul3A_50, %dma_start3A_56] : memref<10112x128xf32, #tpu.memory_space<vmem_shared>> -> memref<632x128xf32, #tpu.memory_space<vmem_shared>>
      tpu.enqueue_dma source(%dma_start3A_57 : memref<632x128xf32, #tpu.memory_space<vmem_shared>>) target(%dma_start3A_55 : memref<632x128xf32, #tpu.memory_space<hbm>>) target_semaphore(%run_scoped3A : memref<!tpu.dma_semaphore, #tpu.memory_space<semaphore_mem>>)
      %dma_wait3A = arith.constant 0 : i32
      %dma_wait3A_58 = tpu.memref_slice %arg6[%arg0, %mul3A_52, %dma_wait3A] : memref<2x10112x128xf32, #tpu.memory_space<hbm>> -> memref<1x632x128xf32, #tpu.memory_space<hbm>>
      %dma_wait3A_59 = tpu.memref_squeeze %dma_wait3A_58 : memref<1x632x128xf32, #tpu.memory_space<hbm>> -> memref<632x128xf32, #tpu.memory_space<hbm>>
      %dma_wait3A_60 = arith.constant 0 : i32
      %dma_wait3A_61 = tpu.memref_slice %arg12[%mul3A_50, %dma_wait3A_60] : memref<10112x128xf32, #tpu.memory_space<vmem_shared>> -> memref<632x128xf32, #tpu.memory_space<vmem_shared>>
      tpu.wait_dma2 semaphore(%run_scoped3A : memref<!tpu.dma_semaphore, #tpu.memory_space<semaphore_mem>>) src(%dma_wait3A_61 : memref<632x128xf32, #tpu.memory_space<vmem_shared>>) dst(%dma_wait3A_59 : memref<632x128xf32, #tpu.memory_space<hbm>>)
      tpu.yield
    }) : () -> ()
    return
  }
}

#map = affine_map<(d0, d1) -> (0, 0, 0)>
#map1 = affine_map<(d0, d1) -> (0, 0)>
module attributes {stable_mosaic.version = 14 : i64} {
  func.func @run(%arg0: i32, %arg1: i32, %arg2: memref<32x108x128xi32, #tpu.memory_space<hbm>>, %arg3: memref<3456x1x128xi32, #tpu.memory_space<hbm>>, %arg4: memref<10000x128xf32, #tpu.memory_space<hbm>>, %arg5: memref<632x128xf32, #tpu.memory_space<hbm>>, %arg6: memref<2x10112x128xf32, #tpu.memory_space<hbm>>, %arg7: memref<108x128xi32, #tpu.memory_space<vmem>>, %arg8: memref<1x128xi32, #tpu.memory_space<vmem>>, %arg9: memref<1x128xi32, #tpu.memory_space<vmem>>, %arg10: memref<128x128xf32, #tpu.memory_space<vmem>>, %arg11: memref<128x128xf32, #tpu.memory_space<vmem>>, %arg12: memref<10112x128xf32, #tpu.memory_space<vmem_shared>>, %arg13: memref<!tpu.dma_semaphore, #tpu.memory_space<semaphore_mem>>, %arg14: memref<!tpu.dma_semaphore, #tpu.memory_space<semaphore_mem>>, %arg15: memref<!tpu.dma_semaphore, #tpu.memory_space<semaphore_mem>>, %arg16: memref<!tpu.dma_semaphore, #tpu.memory_space<semaphore_mem>>) attributes {dimension_semantics = [#tpu.dimension_semantics<core_parallel>, #tpu.dimension_semantics<subcore_parallel>], iteration_bounds = array<i64: 2, 16>, scalar_prefetch = 0 : i64, scratch_operands = 10 : i64, tpu.core_type = #tpu.core_type<sc_vector_subcore>, window_params = [{transform_indices = #map}, {transform_indices = #map}, {transform_indices = #map1}, {transform_indices = #map1}, {transform_indices = #map}]} {
    %mul3A = arith.constant 16 : i32
    %mul3A_0 = arith.muli %arg0, %mul3A : i32
    %add3A = arith.addi %mul3A_0, %arg1 : i32
    %mul3A_1 = arith.constant 108 : i32
    %mul3A_2 = arith.muli %add3A, %mul3A_1 : i32
    %eq3A = arith.constant 0 : i32
    %eq3A_3 = arith.cmpi eq, %arg0, %eq3A : i32
    %jit3A = arith.constant 108 : i32
    %jit3A_4 = arith.constant 50 : i32
    %select_n3A = arith.select %eq3A_3, %jit3A, %jit3A_4 : i32
    "tpu.region"() ({
      %run_scoped3A = tpu.sem_alloc : memref<!tpu.dma_semaphore, #tpu.memory_space<semaphore_mem>>
      %dma_start3A_53 = arith.constant 0 : i32
      %dma_start3A_54 = arith.constant 0 : i32
      %dma_start3A_55 = tpu.memref_slice %arg2[%add3A, %dma_start3A_53, %dma_start3A_54] : memref<32x108x128xi32, #tpu.memory_space<hbm>> -> memref<1x108x128xi32, #tpu.memory_space<hbm>>
      %dma_start3A_56 = tpu.memref_squeeze %dma_start3A_55 : memref<1x108x128xi32, #tpu.memory_space<hbm>> -> memref<108x128xi32, #tpu.memory_space<hbm>>
      %dma_start3A_57 = arith.constant 0 : i32
      %dma_start3A_58 = arith.constant 0 : i32
      %dma_start3A_59 = tpu.memref_slice %arg2[%add3A, %dma_start3A_57, %dma_start3A_58] : memref<32x108x128xi32, #tpu.memory_space<hbm>> -> memref<1x108x128xi32, #tpu.memory_space<hbm>>
      %dma_start3A_60 = tpu.memref_squeeze %dma_start3A_59 : memref<1x108x128xi32, #tpu.memory_space<hbm>> -> memref<108x128xi32, #tpu.memory_space<hbm>>
      tpu.enqueue_dma source(%dma_start3A_60 : memref<108x128xi32, #tpu.memory_space<hbm>>) target(%arg7 : memref<108x128xi32, #tpu.memory_space<vmem>>) target_semaphore(%run_scoped3A : memref<!tpu.dma_semaphore, #tpu.memory_space<semaphore_mem>>)
      %dma_wait3A = arith.constant 0 : i32
      %dma_wait3A_61 = arith.constant 0 : i32
      %dma_wait3A_62 = tpu.memref_slice %arg2[%add3A, %dma_wait3A, %dma_wait3A_61] : memref<32x108x128xi32, #tpu.memory_space<hbm>> -> memref<1x108x128xi32, #tpu.memory_space<hbm>>
      %dma_wait3A_63 = tpu.memref_squeeze %dma_wait3A_62 : memref<1x108x128xi32, #tpu.memory_space<hbm>> -> memref<108x128xi32, #tpu.memory_space<hbm>>
      %dma_wait3A_64 = arith.constant 0 : i32
      %dma_wait3A_65 = arith.constant 0 : i32
      %dma_wait3A_66 = tpu.memref_slice %arg2[%add3A, %dma_wait3A_64, %dma_wait3A_65] : memref<32x108x128xi32, #tpu.memory_space<hbm>> -> memref<1x108x128xi32, #tpu.memory_space<hbm>>
      %dma_wait3A_67 = tpu.memref_squeeze %dma_wait3A_66 : memref<1x108x128xi32, #tpu.memory_space<hbm>> -> memref<108x128xi32, #tpu.memory_space<hbm>>
      tpu.wait_dma2 semaphore(%run_scoped3A : memref<!tpu.dma_semaphore, #tpu.memory_space<semaphore_mem>>) src(%dma_wait3A_67 : memref<108x128xi32, #tpu.memory_space<hbm>>) dst(%arg7 : memref<108x128xi32, #tpu.memory_space<vmem>>)
      tpu.yield
    }) : () -> ()
    %mul3A_5 = arith.constant 632 : i32
    %mul3A_6 = arith.muli %arg1, %mul3A_5 : i32
    "tpu.region"() ({
      %run_scoped3A = tpu.sem_alloc : memref<!tpu.dma_semaphore, #tpu.memory_space<semaphore_mem>>
      %dma_start3A_53 = arith.constant 0 : i32
      %dma_start3A_54 = tpu.memref_slice %arg12[%mul3A_6, %dma_start3A_53] : memref<10112x128xf32, #tpu.memory_space<vmem_shared>> -> memref<632x128xf32, #tpu.memory_space<vmem_shared>>
      tpu.enqueue_dma source(%arg5 : memref<632x128xf32, #tpu.memory_space<hbm>>) target(%dma_start3A_54 : memref<632x128xf32, #tpu.memory_space<vmem_shared>>) target_semaphore(%run_scoped3A : memref<!tpu.dma_semaphore, #tpu.memory_space<semaphore_mem>>)
      %dma_wait3A = arith.constant 0 : i32
      %dma_wait3A_55 = tpu.memref_slice %arg12[%mul3A_6, %dma_wait3A] : memref<10112x128xf32, #tpu.memory_space<vmem_shared>> -> memref<632x128xf32, #tpu.memory_space<vmem_shared>>
      tpu.wait_dma2 semaphore(%run_scoped3A : memref<!tpu.dma_semaphore, #tpu.memory_space<semaphore_mem>>) src(%arg5 : memref<632x128xf32, #tpu.memory_space<hbm>>) dst(%dma_wait3A_55 : memref<632x128xf32, #tpu.memory_space<vmem_shared>>)
      tpu.yield
    }) : () -> ()
    %barrier3A = arith.constant 0 : index
    tpu.barrier barrier_id(%barrier3A)
    %dma_start3A = arith.constant 0 : i32
    %dma_start3A_7 = arith.constant 0 : i32
    %dma_start3A_8 = tpu.memref_slice %arg7[%dma_start3A, %dma_start3A_7] : memref<108x128xi32, #tpu.memory_space<vmem>> -> memref<1x128xi32, #tpu.memory_space<vmem>>
    %dma_start3A_9 = tpu.memref_squeeze %dma_start3A_8 : memref<1x128xi32, #tpu.memory_space<vmem>> -> memref<128xi32, #tpu.memory_space<vmem>>
    %dma_start3A_10 = arith.constant 0 : i32
    %dma_start3A_11 = arith.constant 0 : i32
    %dma_start3A_12 = tpu.memref_slice %arg4[%dma_start3A_10, %dma_start3A_11] : memref<10000x128xf32, #tpu.memory_space<hbm>> -> memref<10000x128xf32, #tpu.memory_space<hbm>>
    tpu.enqueue_indirect_dma source(%dma_start3A_12 : memref<10000x128xf32, #tpu.memory_space<hbm>>) target(%arg10 : memref<128x128xf32, #tpu.memory_space<vmem>>) offsets(%dma_start3A_9 : memref<128xi32, #tpu.memory_space<vmem>>) semaphore(%arg13 : memref<!tpu.dma_semaphore, #tpu.memory_space<semaphore_mem>>)
    %dma_start3A_13 = arith.constant 0 : i32
    %dma_start3A_14 = arith.constant 0 : i32
    %dma_start3A_15 = tpu.memref_slice %arg3[%mul3A_2, %dma_start3A_13, %dma_start3A_14] : memref<3456x1x128xi32, #tpu.memory_space<hbm>> -> memref<1x1x128xi32, #tpu.memory_space<hbm>>
    %dma_start3A_16 = tpu.memref_squeeze %dma_start3A_15 : memref<1x1x128xi32, #tpu.memory_space<hbm>> -> memref<1x128xi32, #tpu.memory_space<hbm>>
    %dma_start3A_17 = arith.constant 0 : i32
    %dma_start3A_18 = arith.constant 0 : i32
    %dma_start3A_19 = tpu.memref_slice %arg3[%mul3A_2, %dma_start3A_17, %dma_start3A_18] : memref<3456x1x128xi32, #tpu.memory_space<hbm>> -> memref<1x1x128xi32, #tpu.memory_space<hbm>>
    %dma_start3A_20 = tpu.memref_squeeze %dma_start3A_19 : memref<1x1x128xi32, #tpu.memory_space<hbm>> -> memref<1x128xi32, #tpu.memory_space<hbm>>
    tpu.enqueue_dma source(%dma_start3A_20 : memref<1x128xi32, #tpu.memory_space<hbm>>) target(%arg8 : memref<1x128xi32, #tpu.memory_space<vmem>>) target_semaphore(%arg15 : memref<!tpu.dma_semaphore, #tpu.memory_space<semaphore_mem>>)
    %jit3A_21 = arith.constant 2 : i32
    %div3A = arith.divsi %select_n3A, %jit3A_21 : i32
    %sign3A = arith.constant 0 : i32
    %sign3A_22 = arith.cmpi sgt, %select_n3A, %sign3A : i32
    %sign3A_23 = arith.extui %sign3A_22 : i1 to i32
    %sign3A_24 = arith.constant 0 : i32
    %sign3A_25 = arith.cmpi slt, %select_n3A, %sign3A_24 : i32
    %sign3A_26 = arith.extui %sign3A_25 : i1 to i32
    %sign3A_27 = arith.subi %sign3A_23, %sign3A_26 : i32
    %sign3A_28 = arith.constant 0 : i32
    %sign3A_29 = arith.cmpi sgt, %jit3A_21, %sign3A_28 : i32
    %sign3A_30 = arith.extui %sign3A_29 : i1 to i32
    %sign3A_31 = arith.constant 0 : i32
    %sign3A_32 = arith.cmpi slt, %jit3A_21, %sign3A_31 : i32
    %sign3A_33 = arith.extui %sign3A_32 : i1 to i32
    %sign3A_34 = arith.subi %sign3A_30, %sign3A_33 : i32
    %ne3A = arith.cmpi ne, %sign3A_27, %sign3A_34 : i32
    %rem3A = arith.remsi %select_n3A, %jit3A_21 : i32
    %ne3A_35 = arith.constant 0 : i32
    %ne3A_36 = arith.cmpi ne, %rem3A, %ne3A_35 : i32
    %and3A = arith.andi %ne3A, %ne3A_36 : i1
    %sub3A = arith.constant 1 : i32
    %sub3A_37 = arith.subi %div3A, %sub3A : i32
    %select_n3A_38 = arith.select %and3A, %sub3A_37, %div3A : i32
    %while3A = arith.constant 0 : i32
    %while3A_39 = arith.constant 0 : i32
    %while3A_40 = arith.subi %select_n3A_38, %while3A_39 : i32
    %while3A_41 = arith.addi %while3A_39, %while3A_40 : i32
    %while3A_42 = arith.constant 1 : i32
    %while3A_43 = arith.divsi %while3A_40, %while3A_42 : i32
    %while3A_44 = arith.muli %while3A_43, %while3A_42 : i32
    %while3A_45 = arith.addi %while3A_39, %while3A_44 : i32
    %while3A_46 = arith.constant 1 : i32
    scf.for %while3A_53 = %while3A_39 to %while3A_45 step %while3A_46  : i32 {
      %mul3A_54 = arith.constant 2 : i32
      %mul3A_55 = arith.muli %mul3A_54, %while3A_53 : i32
      %add3A_56 = arith.constant 1 : i32
      %add3A_57 = arith.addi %mul3A_55, %add3A_56 : i32
      %dma_start3A_58 = arith.constant 0 : i32
      %dma_start3A_59 = tpu.memref_slice %arg7[%add3A_57, %dma_start3A_58] : memref<108x128xi32, #tpu.memory_space<vmem>> -> memref<1x128xi32, #tpu.memory_space<vmem>>
      %dma_start3A_60 = tpu.memref_squeeze %dma_start3A_59 : memref<1x128xi32, #tpu.memory_space<vmem>> -> memref<128xi32, #tpu.memory_space<vmem>>
      %dma_start3A_61 = arith.constant 0 : i32
      %dma_start3A_62 = arith.constant 0 : i32
      %dma_start3A_63 = tpu.memref_slice %arg4[%dma_start3A_61, %dma_start3A_62] : memref<10000x128xf32, #tpu.memory_space<hbm>> -> memref<10000x128xf32, #tpu.memory_space<hbm>>
      tpu.enqueue_indirect_dma source(%dma_start3A_63 : memref<10000x128xf32, #tpu.memory_space<hbm>>) target(%arg11 : memref<128x128xf32, #tpu.memory_space<vmem>>) offsets(%dma_start3A_60 : memref<128xi32, #tpu.memory_space<vmem>>) semaphore(%arg14 : memref<!tpu.dma_semaphore, #tpu.memory_space<semaphore_mem>>)
      %add3A_64 = arith.addi %mul3A_2, %mul3A_55 : i32
      %add3A_65 = arith.constant 1 : i32
      %add3A_66 = arith.addi %add3A_64, %add3A_65 : i32
      %dma_start3A_67 = arith.constant 0 : i32
      %dma_start3A_68 = arith.constant 0 : i32
      %dma_start3A_69 = tpu.memref_slice %arg3[%add3A_66, %dma_start3A_67, %dma_start3A_68] : memref<3456x1x128xi32, #tpu.memory_space<hbm>> -> memref<1x1x128xi32, #tpu.memory_space<hbm>>
      %dma_start3A_70 = tpu.memref_squeeze %dma_start3A_69 : memref<1x1x128xi32, #tpu.memory_space<hbm>> -> memref<1x128xi32, #tpu.memory_space<hbm>>
      %dma_start3A_71 = arith.constant 0 : i32
      %dma_start3A_72 = arith.constant 0 : i32
      %dma_start3A_73 = tpu.memref_slice %arg3[%add3A_66, %dma_start3A_71, %dma_start3A_72] : memref<3456x1x128xi32, #tpu.memory_space<hbm>> -> memref<1x1x128xi32, #tpu.memory_space<hbm>>
      %dma_start3A_74 = tpu.memref_squeeze %dma_start3A_73 : memref<1x1x128xi32, #tpu.memory_space<hbm>> -> memref<1x128xi32, #tpu.memory_space<hbm>>
      tpu.enqueue_dma source(%dma_start3A_74 : memref<1x128xi32, #tpu.memory_space<hbm>>) target(%arg9 : memref<1x128xi32, #tpu.memory_space<vmem>>) target_semaphore(%arg16 : memref<!tpu.dma_semaphore, #tpu.memory_space<semaphore_mem>>)
      %dma_wait3A = arith.constant 0 : i32
      %dma_wait3A_75 = tpu.memref_slice %arg7[%mul3A_55, %dma_wait3A] : memref<108x128xi32, #tpu.memory_space<vmem>> -> memref<1x128xi32, #tpu.memory_space<vmem>>
      %dma_wait3A_76 = tpu.memref_squeeze %dma_wait3A_75 : memref<1x128xi32, #tpu.memory_space<vmem>> -> memref<128xi32, #tpu.memory_space<vmem>>
      %dma_wait3A_77 = arith.constant 0 : i32
      %dma_wait3A_78 = arith.constant 0 : i32
      %dma_wait3A_79 = tpu.memref_slice %arg4[%dma_wait3A_77, %dma_wait3A_78] : memref<10000x128xf32, #tpu.memory_space<hbm>> -> memref<10000x128xf32, #tpu.memory_space<hbm>>
      tpu.wait_indirect_dma semaphore(%arg13 : memref<!tpu.dma_semaphore, #tpu.memory_space<semaphore_mem>>) src(%dma_wait3A_79 : memref<10000x128xf32, #tpu.memory_space<hbm>>) dst(%arg10 : memref<128x128xf32, #tpu.memory_space<vmem>>)
      %add3A_80 = arith.addi %mul3A_2, %mul3A_55 : i32
      %dma_wait3A_81 = arith.constant 0 : i32
      %dma_wait3A_82 = arith.constant 0 : i32
      %dma_wait3A_83 = tpu.memref_slice %arg3[%add3A_80, %dma_wait3A_81, %dma_wait3A_82] : memref<3456x1x128xi32, #tpu.memory_space<hbm>> -> memref<1x1x128xi32, #tpu.memory_space<hbm>>
      %dma_wait3A_84 = tpu.memref_squeeze %dma_wait3A_83 : memref<1x1x128xi32, #tpu.memory_space<hbm>> -> memref<1x128xi32, #tpu.memory_space<hbm>>
      %dma_wait3A_85 = arith.constant 0 : i32
      %dma_wait3A_86 = arith.constant 0 : i32
      %dma_wait3A_87 = tpu.memref_slice %arg3[%add3A_80, %dma_wait3A_85, %dma_wait3A_86] : memref<3456x1x128xi32, #tpu.memory_space<hbm>> -> memref<1x1x128xi32, #tpu.memory_space<hbm>>
      %dma_wait3A_88 = tpu.memref_squeeze %dma_wait3A_87 : memref<1x1x128xi32, #tpu.memory_space<hbm>> -> memref<1x128xi32, #tpu.memory_space<hbm>>
      tpu.wait_dma2 semaphore(%arg15 : memref<!tpu.dma_semaphore, #tpu.memory_space<semaphore_mem>>) src(%dma_wait3A_88 : memref<1x128xi32, #tpu.memory_space<hbm>>) dst(%arg8 : memref<1x128xi32, #tpu.memory_space<vmem>>)
      %run_scoped3A = arith.constant 0 : i32
      "tpu.region"() ({
        %run_scoped3A_112 = tpu.sem_alloc : memref<!tpu.dma_semaphore, #tpu.memory_space<semaphore_mem>>
        %dma_start3A_113 = arith.constant 0 : i32
        %dma_start3A_114 = tpu.memref_slice %arg8[%run_scoped3A, %dma_start3A_113] : memref<1x128xi32, #tpu.memory_space<vmem>> -> memref<1x128xi32, #tpu.memory_space<vmem>>
        %dma_start3A_115 = tpu.memref_squeeze %dma_start3A_114 : memref<1x128xi32, #tpu.memory_space<vmem>> -> memref<128xi32, #tpu.memory_space<vmem>>
        %dma_start3A_116 = arith.constant 0 : i32
        %dma_start3A_117 = arith.constant 0 : i32
        %dma_start3A_118 = tpu.memref_slice %arg12[%dma_start3A_116, %dma_start3A_117] : memref<10112x128xf32, #tpu.memory_space<vmem_shared>> -> memref<10112x128xf32, #tpu.memory_space<vmem_shared>>
        tpu.enqueue_indirect_dma source(%arg10 : memref<128x128xf32, #tpu.memory_space<vmem>>) target(%dma_start3A_118 : memref<10112x128xf32, #tpu.memory_space<vmem_shared>>) offsets(%dma_start3A_115 : memref<128xi32, #tpu.memory_space<vmem>>) semaphore(%run_scoped3A_112 : memref<!tpu.dma_semaphore, #tpu.memory_space<semaphore_mem>>) {add = true}
        %dma_wait3A_119 = arith.constant 0 : i32
        %dma_wait3A_120 = tpu.memref_slice %arg8[%run_scoped3A, %dma_wait3A_119] : memref<1x128xi32, #tpu.memory_space<vmem>> -> memref<1x128xi32, #tpu.memory_space<vmem>>
        %dma_wait3A_121 = tpu.memref_squeeze %dma_wait3A_120 : memref<1x128xi32, #tpu.memory_space<vmem>> -> memref<128xi32, #tpu.memory_space<vmem>>
        %dma_wait3A_122 = arith.constant 0 : i32
        %dma_wait3A_123 = arith.constant 0 : i32
        %dma_wait3A_124 = tpu.memref_slice %arg12[%dma_wait3A_122, %dma_wait3A_123] : memref<10112x128xf32, #tpu.memory_space<vmem_shared>> -> memref<10112x128xf32, #tpu.memory_space<vmem_shared>>
        tpu.wait_indirect_dma semaphore(%run_scoped3A_112 : memref<!tpu.dma_semaphore, #tpu.memory_space<semaphore_mem>>) src(%arg10 : memref<128x128xf32, #tpu.memory_space<vmem>>) dst(%dma_wait3A_124 : memref<10112x128xf32, #tpu.memory_space<vmem_shared>>)
        tpu.yield
      }) : () -> ()
      %add3A_89 = arith.constant 2 : i32
      %add3A_90 = arith.addi %mul3A_55, %add3A_89 : i32
      %lt3A = arith.cmpi slt, %add3A_90, %select_n3A : i32
      %convert_element_type3A = arith.extui %lt3A : i1 to i32
      %cond3A = arith.constant 0 : i32
      %cond3A_91 = arith.cmpi ne, %convert_element_type3A, %cond3A : i32
      scf.if %cond3A_91 {
        %add3A_112 = arith.constant 2 : i32
        %add3A_113 = arith.addi %mul3A_55, %add3A_112 : i32
        %dma_start3A_114 = arith.constant 0 : i32
        %dma_start3A_115 = tpu.memref_slice %arg7[%add3A_113, %dma_start3A_114] : memref<108x128xi32, #tpu.memory_space<vmem>> -> memref<1x128xi32, #tpu.memory_space<vmem>>
        %dma_start3A_116 = tpu.memref_squeeze %dma_start3A_115 : memref<1x128xi32, #tpu.memory_space<vmem>> -> memref<128xi32, #tpu.memory_space<vmem>>
        %dma_start3A_117 = arith.constant 0 : i32
        %dma_start3A_118 = arith.constant 0 : i32
        %dma_start3A_119 = tpu.memref_slice %arg4[%dma_start3A_117, %dma_start3A_118] : memref<10000x128xf32, #tpu.memory_space<hbm>> -> memref<10000x128xf32, #tpu.memory_space<hbm>>
        tpu.enqueue_indirect_dma source(%dma_start3A_119 : memref<10000x128xf32, #tpu.memory_space<hbm>>) target(%arg10 : memref<128x128xf32, #tpu.memory_space<vmem>>) offsets(%dma_start3A_116 : memref<128xi32, #tpu.memory_space<vmem>>) semaphore(%arg13 : memref<!tpu.dma_semaphore, #tpu.memory_space<semaphore_mem>>)
        %add3A_120 = arith.addi %mul3A_2, %mul3A_55 : i32
        %add3A_121 = arith.constant 2 : i32
        %add3A_122 = arith.addi %add3A_120, %add3A_121 : i32
        %dma_start3A_123 = arith.constant 0 : i32
        %dma_start3A_124 = arith.constant 0 : i32
        %dma_start3A_125 = tpu.memref_slice %arg3[%add3A_122, %dma_start3A_123, %dma_start3A_124] : memref<3456x1x128xi32, #tpu.memory_space<hbm>> -> memref<1x1x128xi32, #tpu.memory_space<hbm>>
        %dma_start3A_126 = tpu.memref_squeeze %dma_start3A_125 : memref<1x1x128xi32, #tpu.memory_space<hbm>> -> memref<1x128xi32, #tpu.memory_space<hbm>>
        %dma_start3A_127 = arith.constant 0 : i32
        %dma_start3A_128 = arith.constant 0 : i32
        %dma_start3A_129 = tpu.memref_slice %arg3[%add3A_122, %dma_start3A_127, %dma_start3A_128] : memref<3456x1x128xi32, #tpu.memory_space<hbm>> -> memref<1x1x128xi32, #tpu.memory_space<hbm>>
        %dma_start3A_130 = tpu.memref_squeeze %dma_start3A_129 : memref<1x1x128xi32, #tpu.memory_space<hbm>> -> memref<1x128xi32, #tpu.memory_space<hbm>>
        tpu.enqueue_dma source(%dma_start3A_130 : memref<1x128xi32, #tpu.memory_space<hbm>>) target(%arg8 : memref<1x128xi32, #tpu.memory_space<vmem>>) target_semaphore(%arg15 : memref<!tpu.dma_semaphore, #tpu.memory_space<semaphore_mem>>)
      } else {
      }
      %add3A_92 = arith.constant 1 : i32
      %add3A_93 = arith.addi %mul3A_55, %add3A_92 : i32
      %dma_wait3A_94 = arith.constant 0 : i32
      %dma_wait3A_95 = tpu.memref_slice %arg7[%add3A_93, %dma_wait3A_94] : memref<108x128xi32, #tpu.memory_space<vmem>> -> memref<1x128xi32, #tpu.memory_space<vmem>>
      %dma_wait3A_96 = tpu.memref_squeeze %dma_wait3A_95 : memref<1x128xi32, #tpu.memory_space<vmem>> -> memref<128xi32, #tpu.memory_space<vmem>>
      %dma_wait3A_97 = arith.constant 0 : i32
      %dma_wait3A_98 = arith.constant 0 : i32
      %dma_wait3A_99 = tpu.memref_slice %arg4[%dma_wait3A_97, %dma_wait3A_98] : memref<10000x128xf32, #tpu.memory_space<hbm>> -> memref<10000x128xf32, #tpu.memory_space<hbm>>
      tpu.wait_indirect_dma semaphore(%arg14 : memref<!tpu.dma_semaphore, #tpu.memory_space<semaphore_mem>>) src(%dma_wait3A_99 : memref<10000x128xf32, #tpu.memory_space<hbm>>) dst(%arg11 : memref<128x128xf32, #tpu.memory_space<vmem>>)
      %add3A_100 = arith.addi %mul3A_2, %mul3A_55 : i32
      %add3A_101 = arith.constant 1 : i32
      %add3A_102 = arith.addi %add3A_100, %add3A_101 : i32
      %dma_wait3A_103 = arith.constant 0 : i32
      %dma_wait3A_104 = arith.constant 0 : i32
      %dma_wait3A_105 = tpu.memref_slice %arg3[%add3A_102, %dma_wait3A_103, %dma_wait3A_104] : memref<3456x1x128xi32, #tpu.memory_space<hbm>> -> memref<1x1x128xi32, #tpu.memory_space<hbm>>
      %dma_wait3A_106 = tpu.memref_squeeze %dma_wait3A_105 : memref<1x1x128xi32, #tpu.memory_space<hbm>> -> memref<1x128xi32, #tpu.memory_space<hbm>>
      %dma_wait3A_107 = arith.constant 0 : i32
      %dma_wait3A_108 = arith.constant 0 : i32
      %dma_wait3A_109 = tpu.memref_slice %arg3[%add3A_102, %dma_wait3A_107, %dma_wait3A_108] : memref<3456x1x128xi32, #tpu.memory_space<hbm>> -> memref<1x1x128xi32, #tpu.memory_space<hbm>>
      %dma_wait3A_110 = tpu.memref_squeeze %dma_wait3A_109 : memref<1x1x128xi32, #tpu.memory_space<hbm>> -> memref<1x128xi32, #tpu.memory_space<hbm>>
      tpu.wait_dma2 semaphore(%arg16 : memref<!tpu.dma_semaphore, #tpu.memory_space<semaphore_mem>>) src(%dma_wait3A_110 : memref<1x128xi32, #tpu.memory_space<hbm>>) dst(%arg9 : memref<1x128xi32, #tpu.memory_space<vmem>>)
      %run_scoped3A_111 = arith.constant 0 : i32
      "tpu.region"() ({
        %run_scoped3A_112 = tpu.sem_alloc : memref<!tpu.dma_semaphore, #tpu.memory_space<semaphore_mem>>
        %dma_start3A_113 = arith.constant 0 : i32
        %dma_start3A_114 = tpu.memref_slice %arg9[%run_scoped3A_111, %dma_start3A_113] : memref<1x128xi32, #tpu.memory_space<vmem>> -> memref<1x128xi32, #tpu.memory_space<vmem>>
        %dma_start3A_115 = tpu.memref_squeeze %dma_start3A_114 : memref<1x128xi32, #tpu.memory_space<vmem>> -> memref<128xi32, #tpu.memory_space<vmem>>
        %dma_start3A_116 = arith.constant 0 : i32
        %dma_start3A_117 = arith.constant 0 : i32
        %dma_start3A_118 = tpu.memref_slice %arg12[%dma_start3A_116, %dma_start3A_117] : memref<10112x128xf32, #tpu.memory_space<vmem_shared>> -> memref<10112x128xf32, #tpu.memory_space<vmem_shared>>
        tpu.enqueue_indirect_dma source(%arg11 : memref<128x128xf32, #tpu.memory_space<vmem>>) target(%dma_start3A_118 : memref<10112x128xf32, #tpu.memory_space<vmem_shared>>) offsets(%dma_start3A_115 : memref<128xi32, #tpu.memory_space<vmem>>) semaphore(%run_scoped3A_112 : memref<!tpu.dma_semaphore, #tpu.memory_space<semaphore_mem>>) {add = true}
        %dma_wait3A_119 = arith.constant 0 : i32
        %dma_wait3A_120 = tpu.memref_slice %arg9[%run_scoped3A_111, %dma_wait3A_119] : memref<1x128xi32, #tpu.memory_space<vmem>> -> memref<1x128xi32, #tpu.memory_space<vmem>>
        %dma_wait3A_121 = tpu.memref_squeeze %dma_wait3A_120 : memref<1x128xi32, #tpu.memory_space<vmem>> -> memref<128xi32, #tpu.memory_space<vmem>>
        %dma_wait3A_122 = arith.constant 0 : i32
        %dma_wait3A_123 = arith.constant 0 : i32
        %dma_wait3A_124 = tpu.memref_slice %arg12[%dma_wait3A_122, %dma_wait3A_123] : memref<10112x128xf32, #tpu.memory_space<vmem_shared>> -> memref<10112x128xf32, #tpu.memory_space<vmem_shared>>
        tpu.wait_indirect_dma semaphore(%run_scoped3A_112 : memref<!tpu.dma_semaphore, #tpu.memory_space<semaphore_mem>>) src(%arg11 : memref<128x128xf32, #tpu.memory_space<vmem>>) dst(%dma_wait3A_124 : memref<10112x128xf32, #tpu.memory_space<vmem_shared>>)
        tpu.yield
      }) : () -> ()
    }
    %while3A_47 = arith.constant 1 : i32
    scf.for %while3A_53 = %while3A_45 to %while3A_41 step %while3A_47  : i32 {
      %mul3A_54 = arith.constant 2 : i32
      %mul3A_55 = arith.muli %mul3A_54, %while3A_53 : i32
      %add3A_56 = arith.constant 1 : i32
      %add3A_57 = arith.addi %mul3A_55, %add3A_56 : i32
      %dma_start3A_58 = arith.constant 0 : i32
      %dma_start3A_59 = tpu.memref_slice %arg7[%add3A_57, %dma_start3A_58] : memref<108x128xi32, #tpu.memory_space<vmem>> -> memref<1x128xi32, #tpu.memory_space<vmem>>
      %dma_start3A_60 = tpu.memref_squeeze %dma_start3A_59 : memref<1x128xi32, #tpu.memory_space<vmem>> -> memref<128xi32, #tpu.memory_space<vmem>>
      %dma_start3A_61 = arith.constant 0 : i32
      %dma_start3A_62 = arith.constant 0 : i32
      %dma_start3A_63 = tpu.memref_slice %arg4[%dma_start3A_61, %dma_start3A_62] : memref<10000x128xf32, #tpu.memory_space<hbm>> -> memref<10000x128xf32, #tpu.memory_space<hbm>>
      tpu.enqueue_indirect_dma source(%dma_start3A_63 : memref<10000x128xf32, #tpu.memory_space<hbm>>) target(%arg11 : memref<128x128xf32, #tpu.memory_space<vmem>>) offsets(%dma_start3A_60 : memref<128xi32, #tpu.memory_space<vmem>>) semaphore(%arg14 : memref<!tpu.dma_semaphore, #tpu.memory_space<semaphore_mem>>)
      %add3A_64 = arith.addi %mul3A_2, %mul3A_55 : i32
      %add3A_65 = arith.constant 1 : i32
      %add3A_66 = arith.addi %add3A_64, %add3A_65 : i32
      %dma_start3A_67 = arith.constant 0 : i32
      %dma_start3A_68 = arith.constant 0 : i32
      %dma_start3A_69 = tpu.memref_slice %arg3[%add3A_66, %dma_start3A_67, %dma_start3A_68] : memref<3456x1x128xi32, #tpu.memory_space<hbm>> -> memref<1x1x128xi32, #tpu.memory_space<hbm>>
      %dma_start3A_70 = tpu.memref_squeeze %dma_start3A_69 : memref<1x1x128xi32, #tpu.memory_space<hbm>> -> memref<1x128xi32, #tpu.memory_space<hbm>>
      %dma_start3A_71 = arith.constant 0 : i32
      %dma_start3A_72 = arith.constant 0 : i32
      %dma_start3A_73 = tpu.memref_slice %arg3[%add3A_66, %dma_start3A_71, %dma_start3A_72] : memref<3456x1x128xi32, #tpu.memory_space<hbm>> -> memref<1x1x128xi32, #tpu.memory_space<hbm>>
      %dma_start3A_74 = tpu.memref_squeeze %dma_start3A_73 : memref<1x1x128xi32, #tpu.memory_space<hbm>> -> memref<1x128xi32, #tpu.memory_space<hbm>>
      tpu.enqueue_dma source(%dma_start3A_74 : memref<1x128xi32, #tpu.memory_space<hbm>>) target(%arg9 : memref<1x128xi32, #tpu.memory_space<vmem>>) target_semaphore(%arg16 : memref<!tpu.dma_semaphore, #tpu.memory_space<semaphore_mem>>)
      %dma_wait3A = arith.constant 0 : i32
      %dma_wait3A_75 = tpu.memref_slice %arg7[%mul3A_55, %dma_wait3A] : memref<108x128xi32, #tpu.memory_space<vmem>> -> memref<1x128xi32, #tpu.memory_space<vmem>>
      %dma_wait3A_76 = tpu.memref_squeeze %dma_wait3A_75 : memref<1x128xi32, #tpu.memory_space<vmem>> -> memref<128xi32, #tpu.memory_space<vmem>>
      %dma_wait3A_77 = arith.constant 0 : i32
      %dma_wait3A_78 = arith.constant 0 : i32
      %dma_wait3A_79 = tpu.memref_slice %arg4[%dma_wait3A_77, %dma_wait3A_78] : memref<10000x128xf32, #tpu.memory_space<hbm>> -> memref<10000x128xf32, #tpu.memory_space<hbm>>
      tpu.wait_indirect_dma semaphore(%arg13 : memref<!tpu.dma_semaphore, #tpu.memory_space<semaphore_mem>>) src(%dma_wait3A_79 : memref<10000x128xf32, #tpu.memory_space<hbm>>) dst(%arg10 : memref<128x128xf32, #tpu.memory_space<vmem>>)
      %add3A_80 = arith.addi %mul3A_2, %mul3A_55 : i32
      %dma_wait3A_81 = arith.constant 0 : i32
      %dma_wait3A_82 = arith.constant 0 : i32
      %dma_wait3A_83 = tpu.memref_slice %arg3[%add3A_80, %dma_wait3A_81, %dma_wait3A_82] : memref<3456x1x128xi32, #tpu.memory_space<hbm>> -> memref<1x1x128xi32, #tpu.memory_space<hbm>>
      %dma_wait3A_84 = tpu.memref_squeeze %dma_wait3A_83 : memref<1x1x128xi32, #tpu.memory_space<hbm>> -> memref<1x128xi32, #tpu.memory_space<hbm>>
      %dma_wait3A_85 = arith.constant 0 : i32
      %dma_wait3A_86 = arith.constant 0 : i32
      %dma_wait3A_87 = tpu.memref_slice %arg3[%add3A_80, %dma_wait3A_85, %dma_wait3A_86] : memref<3456x1x128xi32, #tpu.memory_space<hbm>> -> memref<1x1x128xi32, #tpu.memory_space<hbm>>
      %dma_wait3A_88 = tpu.memref_squeeze %dma_wait3A_87 : memref<1x1x128xi32, #tpu.memory_space<hbm>> -> memref<1x128xi32, #tpu.memory_space<hbm>>
      tpu.wait_dma2 semaphore(%arg15 : memref<!tpu.dma_semaphore, #tpu.memory_space<semaphore_mem>>) src(%dma_wait3A_88 : memref<1x128xi32, #tpu.memory_space<hbm>>) dst(%arg8 : memref<1x128xi32, #tpu.memory_space<vmem>>)
      %run_scoped3A = arith.constant 0 : i32
      "tpu.region"() ({
        %run_scoped3A_112 = tpu.sem_alloc : memref<!tpu.dma_semaphore, #tpu.memory_space<semaphore_mem>>
        %dma_start3A_113 = arith.constant 0 : i32
        %dma_start3A_114 = tpu.memref_slice %arg8[%run_scoped3A, %dma_start3A_113] : memref<1x128xi32, #tpu.memory_space<vmem>> -> memref<1x128xi32, #tpu.memory_space<vmem>>
        %dma_start3A_115 = tpu.memref_squeeze %dma_start3A_114 : memref<1x128xi32, #tpu.memory_space<vmem>> -> memref<128xi32, #tpu.memory_space<vmem>>
        %dma_start3A_116 = arith.constant 0 : i32
        %dma_start3A_117 = arith.constant 0 : i32
        %dma_start3A_118 = tpu.memref_slice %arg12[%dma_start3A_116, %dma_start3A_117] : memref<10112x128xf32, #tpu.memory_space<vmem_shared>> -> memref<10112x128xf32, #tpu.memory_space<vmem_shared>>
        tpu.enqueue_indirect_dma source(%arg10 : memref<128x128xf32, #tpu.memory_space<vmem>>) target(%dma_start3A_118 : memref<10112x128xf32, #tpu.memory_space<vmem_shared>>) offsets(%dma_start3A_115 : memref<128xi32, #tpu.memory_space<vmem>>) semaphore(%run_scoped3A_112 : memref<!tpu.dma_semaphore, #tpu.memory_space<semaphore_mem>>) {add = true}
        %dma_wait3A_119 = arith.constant 0 : i32
        %dma_wait3A_120 = tpu.memref_slice %arg8[%run_scoped3A, %dma_wait3A_119] : memref<1x128xi32, #tpu.memory_space<vmem>> -> memref<1x128xi32, #tpu.memory_space<vmem>>
        %dma_wait3A_121 = tpu.memref_squeeze %dma_wait3A_120 : memref<1x128xi32, #tpu.memory_space<vmem>> -> memref<128xi32, #tpu.memory_space<vmem>>
        %dma_wait3A_122 = arith.constant 0 : i32
        %dma_wait3A_123 = arith.constant 0 : i32
        %dma_wait3A_124 = tpu.memref_slice %arg12[%dma_wait3A_122, %dma_wait3A_123] : memref<10112x128xf32, #tpu.memory_space<vmem_shared>> -> memref<10112x128xf32, #tpu.memory_space<vmem_shared>>
        tpu.wait_indirect_dma semaphore(%run_scoped3A_112 : memref<!tpu.dma_semaphore, #tpu.memory_space<semaphore_mem>>) src(%arg10 : memref<128x128xf32, #tpu.memory_space<vmem>>) dst(%dma_wait3A_124 : memref<10112x128xf32, #tpu.memory_space<vmem_shared>>)
        tpu.yield
      }) : () -> ()
      %add3A_89 = arith.constant 2 : i32
      %add3A_90 = arith.addi %mul3A_55, %add3A_89 : i32
      %lt3A = arith.cmpi slt, %add3A_90, %select_n3A : i32
      %convert_element_type3A = arith.extui %lt3A : i1 to i32
      %cond3A = arith.constant 0 : i32
      %cond3A_91 = arith.cmpi ne, %convert_element_type3A, %cond3A : i32
      scf.if %cond3A_91 {
        %add3A_112 = arith.constant 2 : i32
        %add3A_113 = arith.addi %mul3A_55, %add3A_112 : i32
        %dma_start3A_114 = arith.constant 0 : i32
        %dma_start3A_115 = tpu.memref_slice %arg7[%add3A_113, %dma_start3A_114] : memref<108x128xi32, #tpu.memory_space<vmem>> -> memref<1x128xi32, #tpu.memory_space<vmem>>
        %dma_start3A_116 = tpu.memref_squeeze %dma_start3A_115 : memref<1x128xi32, #tpu.memory_space<vmem>> -> memref<128xi32, #tpu.memory_space<vmem>>
        %dma_start3A_117 = arith.constant 0 : i32
        %dma_start3A_118 = arith.constant 0 : i32
        %dma_start3A_119 = tpu.memref_slice %arg4[%dma_start3A_117, %dma_start3A_118] : memref<10000x128xf32, #tpu.memory_space<hbm>> -> memref<10000x128xf32, #tpu.memory_space<hbm>>
        tpu.enqueue_indirect_dma source(%dma_start3A_119 : memref<10000x128xf32, #tpu.memory_space<hbm>>) target(%arg10 : memref<128x128xf32, #tpu.memory_space<vmem>>) offsets(%dma_start3A_116 : memref<128xi32, #tpu.memory_space<vmem>>) semaphore(%arg13 : memref<!tpu.dma_semaphore, #tpu.memory_space<semaphore_mem>>)
        %add3A_120 = arith.addi %mul3A_2, %mul3A_55 : i32
        %add3A_121 = arith.constant 2 : i32
        %add3A_122 = arith.addi %add3A_120, %add3A_121 : i32
        %dma_start3A_123 = arith.constant 0 : i32
        %dma_start3A_124 = arith.constant 0 : i32
        %dma_start3A_125 = tpu.memref_slice %arg3[%add3A_122, %dma_start3A_123, %dma_start3A_124] : memref<3456x1x128xi32, #tpu.memory_space<hbm>> -> memref<1x1x128xi32, #tpu.memory_space<hbm>>
        %dma_start3A_126 = tpu.memref_squeeze %dma_start3A_125 : memref<1x1x128xi32, #tpu.memory_space<hbm>> -> memref<1x128xi32, #tpu.memory_space<hbm>>
        %dma_start3A_127 = arith.constant 0 : i32
        %dma_start3A_128 = arith.constant 0 : i32
        %dma_start3A_129 = tpu.memref_slice %arg3[%add3A_122, %dma_start3A_127, %dma_start3A_128] : memref<3456x1x128xi32, #tpu.memory_space<hbm>> -> memref<1x1x128xi32, #tpu.memory_space<hbm>>
        %dma_start3A_130 = tpu.memref_squeeze %dma_start3A_129 : memref<1x1x128xi32, #tpu.memory_space<hbm>> -> memref<1x128xi32, #tpu.memory_space<hbm>>
        tpu.enqueue_dma source(%dma_start3A_130 : memref<1x128xi32, #tpu.memory_space<hbm>>) target(%arg8 : memref<1x128xi32, #tpu.memory_space<vmem>>) target_semaphore(%arg15 : memref<!tpu.dma_semaphore, #tpu.memory_space<semaphore_mem>>)
      } else {
      }
      %add3A_92 = arith.constant 1 : i32
      %add3A_93 = arith.addi %mul3A_55, %add3A_92 : i32
      %dma_wait3A_94 = arith.constant 0 : i32
      %dma_wait3A_95 = tpu.memref_slice %arg7[%add3A_93, %dma_wait3A_94] : memref<108x128xi32, #tpu.memory_space<vmem>> -> memref<1x128xi32, #tpu.memory_space<vmem>>
      %dma_wait3A_96 = tpu.memref_squeeze %dma_wait3A_95 : memref<1x128xi32, #tpu.memory_space<vmem>> -> memref<128xi32, #tpu.memory_space<vmem>>
      %dma_wait3A_97 = arith.constant 0 : i32
      %dma_wait3A_98 = arith.constant 0 : i32
      %dma_wait3A_99 = tpu.memref_slice %arg4[%dma_wait3A_97, %dma_wait3A_98] : memref<10000x128xf32, #tpu.memory_space<hbm>> -> memref<10000x128xf32, #tpu.memory_space<hbm>>
      tpu.wait_indirect_dma semaphore(%arg14 : memref<!tpu.dma_semaphore, #tpu.memory_space<semaphore_mem>>) src(%dma_wait3A_99 : memref<10000x128xf32, #tpu.memory_space<hbm>>) dst(%arg11 : memref<128x128xf32, #tpu.memory_space<vmem>>)
      %add3A_100 = arith.addi %mul3A_2, %mul3A_55 : i32
      %add3A_101 = arith.constant 1 : i32
      %add3A_102 = arith.addi %add3A_100, %add3A_101 : i32
      %dma_wait3A_103 = arith.constant 0 : i32
      %dma_wait3A_104 = arith.constant 0 : i32
      %dma_wait3A_105 = tpu.memref_slice %arg3[%add3A_102, %dma_wait3A_103, %dma_wait3A_104] : memref<3456x1x128xi32, #tpu.memory_space<hbm>> -> memref<1x1x128xi32, #tpu.memory_space<hbm>>
      %dma_wait3A_106 = tpu.memref_squeeze %dma_wait3A_105 : memref<1x1x128xi32, #tpu.memory_space<hbm>> -> memref<1x128xi32, #tpu.memory_space<hbm>>
      %dma_wait3A_107 = arith.constant 0 : i32
      %dma_wait3A_108 = arith.constant 0 : i32
      %dma_wait3A_109 = tpu.memref_slice %arg3[%add3A_102, %dma_wait3A_107, %dma_wait3A_108] : memref<3456x1x128xi32, #tpu.memory_space<hbm>> -> memref<1x1x128xi32, #tpu.memory_space<hbm>>
      %dma_wait3A_110 = tpu.memref_squeeze %dma_wait3A_109 : memref<1x1x128xi32, #tpu.memory_space<hbm>> -> memref<1x128xi32, #tpu.memory_space<hbm>>
      tpu.wait_dma2 semaphore(%arg16 : memref<!tpu.dma_semaphore, #tpu.memory_space<semaphore_mem>>) src(%dma_wait3A_110 : memref<1x128xi32, #tpu.memory_space<hbm>>) dst(%arg9 : memref<1x128xi32, #tpu.memory_space<vmem>>)
      %run_scoped3A_111 = arith.constant 0 : i32
      "tpu.region"() ({
        %run_scoped3A_112 = tpu.sem_alloc : memref<!tpu.dma_semaphore, #tpu.memory_space<semaphore_mem>>
        %dma_start3A_113 = arith.constant 0 : i32
        %dma_start3A_114 = tpu.memref_slice %arg9[%run_scoped3A_111, %dma_start3A_113] : memref<1x128xi32, #tpu.memory_space<vmem>> -> memref<1x128xi32, #tpu.memory_space<vmem>>
        %dma_start3A_115 = tpu.memref_squeeze %dma_start3A_114 : memref<1x128xi32, #tpu.memory_space<vmem>> -> memref<128xi32, #tpu.memory_space<vmem>>
        %dma_start3A_116 = arith.constant 0 : i32
        %dma_start3A_117 = arith.constant 0 : i32
        %dma_start3A_118 = tpu.memref_slice %arg12[%dma_start3A_116, %dma_start3A_117] : memref<10112x128xf32, #tpu.memory_space<vmem_shared>> -> memref<10112x128xf32, #tpu.memory_space<vmem_shared>>
        tpu.enqueue_indirect_dma source(%arg11 : memref<128x128xf32, #tpu.memory_space<vmem>>) target(%dma_start3A_118 : memref<10112x128xf32, #tpu.memory_space<vmem_shared>>) offsets(%dma_start3A_115 : memref<128xi32, #tpu.memory_space<vmem>>) semaphore(%run_scoped3A_112 : memref<!tpu.dma_semaphore, #tpu.memory_space<semaphore_mem>>) {add = true}
        %dma_wait3A_119 = arith.constant 0 : i32
        %dma_wait3A_120 = tpu.memref_slice %arg9[%run_scoped3A_111, %dma_wait3A_119] : memref<1x128xi32, #tpu.memory_space<vmem>> -> memref<1x128xi32, #tpu.memory_space<vmem>>
        %dma_wait3A_121 = tpu.memref_squeeze %dma_wait3A_120 : memref<1x128xi32, #tpu.memory_space<vmem>> -> memref<128xi32, #tpu.memory_space<vmem>>
        %dma_wait3A_122 = arith.constant 0 : i32
        %dma_wait3A_123 = arith.constant 0 : i32
        %dma_wait3A_124 = tpu.memref_slice %arg12[%dma_wait3A_122, %dma_wait3A_123] : memref<10112x128xf32, #tpu.memory_space<vmem_shared>> -> memref<10112x128xf32, #tpu.memory_space<vmem_shared>>
        tpu.wait_indirect_dma semaphore(%run_scoped3A_112 : memref<!tpu.dma_semaphore, #tpu.memory_space<semaphore_mem>>) src(%arg11 : memref<128x128xf32, #tpu.memory_space<vmem>>) dst(%dma_wait3A_124 : memref<10112x128xf32, #tpu.memory_space<vmem_shared>>)
        tpu.yield
      }) : () -> ()
    }
    %barrier3A_48 = arith.constant 0 : index
    tpu.barrier barrier_id(%barrier3A_48)
    %mul3A_49 = arith.constant 632 : i32
    %mul3A_50 = arith.muli %arg1, %mul3A_49 : i32
    %mul3A_51 = arith.constant 632 : i32
    %mul3A_52 = arith.muli %arg1, %mul3A_51 : i32
    "tpu.region"() ({
      %run_scoped3A = tpu.sem_alloc : memref<!tpu.dma_semaphore, #tpu.memory_space<semaphore_mem>>
      %dma_start3A_53 = arith.constant 0 : i32
      %dma_start3A_54 = tpu.memref_slice %arg6[%arg0, %mul3A_52, %dma_start3A_53] : memref<2x10112x128xf32, #tpu.memory_space<hbm>> -> memref<1x632x128xf32, #tpu.memory_space<hbm>>
      %dma_start3A_55 = tpu.memref_squeeze %dma_start3A_54 : memref<1x632x128xf32, #tpu.memory_space<hbm>> -> memref<632x128xf32, #tpu.memory_space<hbm>>
      %dma_start3A_56 = arith.constant 0 : i32
      %dma_start3A_57 = tpu.memref_slice %arg12[%mul3A_50, %dma_start3A_56] : memref<10112x128xf32, #tpu.memory_space<vmem_shared>> -> memref<632x128xf32, #tpu.memory_space<vmem_shared>>
      tpu.enqueue_dma source(%dma_start3A_57 : memref<632x128xf32, #tpu.memory_space<vmem_shared>>) target(%dma_start3A_55 : memref<632x128xf32, #tpu.memory_space<hbm>>) target_semaphore(%run_scoped3A : memref<!tpu.dma_semaphore, #tpu.memory_space<semaphore_mem>>)
      %dma_wait3A = arith.constant 0 : i32
      %dma_wait3A_58 = tpu.memref_slice %arg6[%arg0, %mul3A_52, %dma_wait3A] : memref<2x10112x128xf32, #tpu.memory_space<hbm>> -> memref<1x632x128xf32, #tpu.memory_space<hbm>>
      %dma_wait3A_59 = tpu.memref_squeeze %dma_wait3A_58 : memref<1x632x128xf32, #tpu.memory_space<hbm>> -> memref<632x128xf32, #tpu.memory_space<hbm>>
      %dma_wait3A_60 = arith.constant 0 : i32
      %dma_wait3A_61 = tpu.memref_slice %arg12[%mul3A_50, %dma_wait3A_60] : memref<10112x128xf32, #tpu.memory_space<vmem_shared>> -> memref<632x128xf32, #tpu.memory_space<vmem_shared>>
      tpu.wait_dma2 semaphore(%run_scoped3A : memref<!tpu.dma_semaphore, #tpu.memory_space<semaphore_mem>>) src(%dma_wait3A_61 : memref<632x128xf32, #tpu.memory_space<vmem_shared>>) dst(%dma_wait3A_59 : memref<632x128xf32, #tpu.memory_space<hbm>>)
      tpu.yield
    }) : () -> ()
    return
  }
}

module attributes {stable_mosaic.version = 14 : i64} {
  func.func @_mm_body(%arg0: i32, %arg1: memref<2000x128xf32, #tpu.memory_space<vmem>>, %arg2: memref<128x128xf32, #tpu.memory_space<vmem>>, %arg3: memref<2000x128xf32, #tpu.memory_space<vmem>>) attributes {dimension_semantics = [#tpu.dimension_semantics<arbitrary>], iteration_bounds = array<i64: 5>, scalar_prefetch = 0 : i64, scratch_operands = 0 : i64, tpu.core_type = #tpu.core_type<tc>, window_params = [{transform_indices = @transform_0, window_bounds = array<i64: 2000, 128>}, {pipeline_mode = #tpu.pipeline_mode<synchronous>, transform_indices = @transform_1, window_bounds = array<i64: 128, 128>}, {transform_indices = @transform_2, window_bounds = array<i64: 2000, 128>}]} {
    %get3A = arith.constant 0 : index
    %get3A_0 = arith.constant 0 : index
    %get3A_1 = vector.load %arg1[%get3A, %get3A_0] : memref<2000x128xf32, #tpu.memory_space<vmem>>, vector<2000x128xf32>
    %get3A_2 = arith.constant 0 : index
    %get3A_3 = arith.constant 0 : index
    %get3A_4 = vector.load %arg2[%get3A_2, %get3A_3] : memref<128x128xf32, #tpu.memory_space<vmem>>, vector<128x128xf32>
    %dot_general3A = arith.constant dense<0.000000e+00> : vector<2000x128xf32>
    %dot_general3A_5 = tpu.matmul %get3A_1, %get3A_4, %dot_general3A {dimension_numbers = #tpu.dot_dimension_numbers<[1], [0], [0], [1], [0, 0, 1, 1], [], []>, transpose_lhs_hint = false} : vector<2000x128xf32>, vector<128x128xf32>, vector<2000x128xf32> -> vector<2000x128xf32>
    %swap3A = arith.constant 0 : index
    %swap3A_6 = arith.constant 0 : index
    %swap3A_7 = vector.load %arg3[%swap3A, %swap3A_6] : memref<2000x128xf32, #tpu.memory_space<vmem>>, vector<2000x128xf32>
    tpu.vector_store %arg3[%swap3A, %swap3A_6], %dot_general3A_5 {strides = array<i32>} : memref<2000x128xf32, #tpu.memory_space<vmem>>, vector<2000x128xf32>,
    return
  }
  func.func @transform_0(%arg0: i32) -> (i32, i32) {
    %c0_i32 = arith.constant 0 : i32
    %c0_i32_0 = arith.constant 0 : i32
    return %arg0, %c0_i32 : i32, i32
  }
  func.func @transform_1(%arg0: i32) -> (i32, i32) {
    %c0_i32 = arith.constant 0 : i32
    %c0_i32_0 = arith.constant 0 : i32
    %c0_i32_1 = arith.constant 0 : i32
    return %c0_i32, %c0_i32_0 : i32, i32
  }
  func.func @transform_2(%arg0: i32) -> (i32, i32) {
    %c0_i32 = arith.constant 0 : i32
    %c0_i32_0 = arith.constant 0 : i32
    return %arg0, %c0_i32 : i32, i32
  }
}

module attributes {stable_mosaic.version = 14 : i64} {
  func.func @_scale_body(%arg0: i32, %arg1: memref<2x2000x128xf32, #tpu.memory_space<vmem>>, %arg2: memref<2000x128xf32, #tpu.memory_space<vmem>>, %arg3: memref<2000x128xf32, #tpu.memory_space<vmem>>) attributes {dimension_semantics = [#tpu.dimension_semantics<arbitrary>], iteration_bounds = array<i64: 5>, scalar_prefetch = 0 : i64, scratch_operands = 0 : i64, tpu.core_type = #tpu.core_type<tc>, window_params = [{transform_indices = @transform_0, window_bounds = array<i64: 2, 2000, 128>}, {transform_indices = @transform_1, window_bounds = array<i64: 2000, 128>}, {transform_indices = @transform_2, window_bounds = array<i64: 2000, 128>}]} {
    %get3A = arith.constant 0 : index
    %get3A_0 = arith.constant 0 : index
    %get3A_1 = vector.load %arg2[%get3A, %get3A_0] : memref<2000x128xf32, #tpu.memory_space<vmem>>, vector<2000x128xf32>
    %get3A_2 = arith.constant 0 : index
    %get3A_3 = arith.constant 0 : index
    %get3A_4 = arith.constant 0 : index
    %get3A_5 = vector.load %arg1[%get3A_2, %get3A_3, %get3A_4] : memref<2x2000x128xf32, #tpu.memory_space<vmem>>, vector<2x2000x128xf32>
    %slice3A = vector.extract_strided_slice %get3A_5 {offsets = [0, 0, 0], sizes = [1, 2000, 128], strides = [1, 1, 1]} : vector<2x2000x128xf32> to vector<1x2000x128xf32>
    %squeeze3A = vector.shape_cast %slice3A : vector<1x2000x128xf32> to vector<2000x128xf32>
    %slice3A_6 = vector.extract_strided_slice %get3A_5 {offsets = [1, 0, 0], sizes = [1, 2000, 128], strides = [1, 1, 1]} : vector<2x2000x128xf32> to vector<1x2000x128xf32>
    %squeeze3A_7 = vector.shape_cast %slice3A_6 : vector<1x2000x128xf32> to vector<2000x128xf32>
    %add3A = arith.addf %squeeze3A, %squeeze3A_7 : vector<2000x128xf32>
    %add3A_8 = arith.constant 1.000000e+00 : f32
    %add3A_9 = vector.broadcast %add3A_8 : f32 to vector<2000x128xf32>
    %add3A_10 = arith.addf %add3A, %add3A_9 : vector<2000x128xf32>
    %rsqrt3A = math.rsqrt %add3A_10 : vector<2000x128xf32>
    %slice3A_11 = vector.extract_strided_slice %rsqrt3A {offsets = [0, 0], sizes = [2000, 1], strides = [1, 1]} : vector<2000x128xf32> to vector<2000x1xf32>
    %mul3A = vector.broadcast %slice3A_11 : vector<2000x1xf32> to vector<2000x128xf32>
    %mul3A_12 = arith.mulf %get3A_1, %mul3A : vector<2000x128xf32>
    %swap3A = arith.constant 0 : index
    %swap3A_13 = arith.constant 0 : index
    %swap3A_14 = vector.load %arg3[%swap3A, %swap3A_13] : memref<2000x128xf32, #tpu.memory_space<vmem>>, vector<2000x128xf32>
    tpu.vector_store %arg3[%swap3A, %swap3A_13], %mul3A_12 {strides = array<i32>} : memref<2000x128xf32, #tpu.memory_space<vmem>>, vector<2000x128xf32>,
    return
  }
  func.func @transform_0(%arg0: i32) -> (i32, i32, i32) {
    %c0_i32 = arith.constant 0 : i32
    %c0_i32_0 = arith.constant 0 : i32
    %c0_i32_1 = arith.constant 0 : i32
    return %c0_i32, %arg0, %c0_i32_0 : i32, i32, i32
  }
  func.func @transform_1(%arg0: i32) -> (i32, i32) {
    %c0_i32 = arith.constant 0 : i32
    %c0_i32_0 = arith.constant 0 : i32
    return %arg0, %c0_i32 : i32, i32
  }
  func.func @transform_2(%arg0: i32) -> (i32, i32) {
    %c0_i32 = arith.constant 0 : i32
    %c0_i32_0 = arith.constant 0 : i32
    return %arg0, %c0_i32 : i32, i32
  }
}

module attributes {stable_mosaic.version = 14 : i64} {
  func.func @_mid_body(%arg0: i32, %arg1: memref<2x2000x128xf32, #tpu.memory_space<vmem>>, %arg2: memref<2000x128xf32, #tpu.memory_space<vmem>>, %arg3: memref<2x2000x128xf32, #tpu.memory_space<vmem>>, %arg4: memref<1x128xf32, #tpu.memory_space<vmem>>, %arg5: memref<128x128xf32, #tpu.memory_space<vmem>>, %arg6: memref<2000x128xf32, #tpu.memory_space<vmem>>) attributes {dimension_semantics = [#tpu.dimension_semantics<arbitrary>], iteration_bounds = array<i64: 5>, scalar_prefetch = 0 : i64, scratch_operands = 0 : i64, tpu.core_type = #tpu.core_type<tc>, window_params = [{transform_indices = @transform_0, window_bounds = array<i64: 2, 2000, 128>}, {transform_indices = @transform_1, window_bounds = array<i64: 2000, 128>}, {transform_indices = @transform_2, window_bounds = array<i64: 2, 2000, 128>}, {pipeline_mode = #tpu.pipeline_mode<synchronous>, transform_indices = @transform_3, window_bounds = array<i64: 1, 128>}, {pipeline_mode = #tpu.pipeline_mode<synchronous>, transform_indices = @transform_4, window_bounds = array<i64: 128, 128>}, {transform_indices = @transform_5, window_bounds = array<i64: 2000, 128>}]} {
    %get3A = arith.constant 0 : index
    %get3A_0 = arith.constant 0 : index
    %get3A_1 = arith.constant 0 : index
    %get3A_2 = vector.load %arg1[%get3A, %get3A_0, %get3A_1] : memref<2x2000x128xf32, #tpu.memory_space<vmem>>, vector<2x2000x128xf32>
    %slice3A = vector.extract_strided_slice %get3A_2 {offsets = [0, 0, 0], sizes = [1, 2000, 128], strides = [1, 1, 1]} : vector<2x2000x128xf32> to vector<1x2000x128xf32>
    %squeeze3A = vector.shape_cast %slice3A : vector<1x2000x128xf32> to vector<2000x128xf32>
    %slice3A_3 = vector.extract_strided_slice %get3A_2 {offsets = [1, 0, 0], sizes = [1, 2000, 128], strides = [1, 1, 1]} : vector<2x2000x128xf32> to vector<1x2000x128xf32>
    %squeeze3A_4 = vector.shape_cast %slice3A_3 : vector<1x2000x128xf32> to vector<2000x128xf32>
    %add3A = arith.addf %squeeze3A, %squeeze3A_4 : vector<2000x128xf32>
    %add3A_5 = arith.constant 1.000000e+00 : f32
    %add3A_6 = vector.broadcast %add3A_5 : f32 to vector<2000x128xf32>
    %add3A_7 = arith.addf %add3A, %add3A_6 : vector<2000x128xf32>
    %rsqrt3A = math.rsqrt %add3A_7 : vector<2000x128xf32>
    %slice3A_8 = vector.extract_strided_slice %rsqrt3A {offsets = [0, 0], sizes = [2000, 1], strides = [1, 1]} : vector<2000x128xf32> to vector<2000x1xf32>
    %get3A_9 = arith.constant 0 : index
    %get3A_10 = arith.constant 0 : index
    %get3A_11 = vector.load %arg2[%get3A_9, %get3A_10] : memref<2000x128xf32, #tpu.memory_space<vmem>>, vector<2000x128xf32>
    %get3A_12 = arith.constant 0 : index
    %get3A_13 = arith.constant 0 : index
    %get3A_14 = arith.constant 0 : index
    %get3A_15 = vector.load %arg3[%get3A_12, %get3A_13, %get3A_14] : memref<2x2000x128xf32, #tpu.memory_space<vmem>>, vector<1x2000x128xf32>
    %get3A_16 = vector.shape_cast %get3A_15 : vector<1x2000x128xf32> to vector<2000x128xf32>
    %add3A_17 = arith.addf %get3A_11, %get3A_16 : vector<2000x128xf32>
    %get3A_18 = arith.constant 1 : index
    %get3A_19 = arith.constant 0 : index
    %get3A_20 = arith.constant 0 : index
    %get3A_21 = vector.load %arg3[%get3A_18, %get3A_19, %get3A_20] : memref<2x2000x128xf32, #tpu.memory_space<vmem>>, vector<1x2000x128xf32>
    %get3A_22 = vector.shape_cast %get3A_21 : vector<1x2000x128xf32> to vector<2000x128xf32>
    %add3A_23 = arith.addf %add3A_17, %get3A_22 : vector<2000x128xf32>
    %mul3A = vector.broadcast %slice3A_8 : vector<2000x1xf32> to vector<2000x128xf32>
    %mul3A_24 = arith.mulf %add3A_23, %mul3A : vector<2000x128xf32>
    %get3A_25 = arith.constant 0 : index
    %get3A_26 = arith.constant 0 : index
    %get3A_27 = vector.load %arg4[%get3A_25, %get3A_26] : memref<1x128xf32, #tpu.memory_space<vmem>>, vector<1x128xf32>
    %add3A_28 = vector.broadcast %get3A_27 : vector<1x128xf32> to vector<2000x128xf32>
    %add3A_29 = arith.addf %mul3A_24, %add3A_28 : vector<2000x128xf32>
    %max3A = arith.constant 0.000000e+00 : f32
    %max3A_30 = vector.broadcast %max3A : f32 to vector<2000x128xf32>
    %max3A_31 = arith.maximumf %add3A_29, %max3A_30 : vector<2000x128xf32>
    %get3A_32 = arith.constant 0 : index
    %get3A_33 = arith.constant 0 : index
    %get3A_34 = vector.load %arg5[%get3A_32, %get3A_33] : memref<128x128xf32, #tpu.memory_space<vmem>>, vector<128x128xf32>
    %dot_general3A = arith.constant dense<0.000000e+00> : vector<2000x128xf32>
    %dot_general3A_35 = tpu.matmul %max3A_31, %get3A_34, %dot_general3A {dimension_numbers = #tpu.dot_dimension_numbers<[1], [0], [0], [1], [0, 0, 1, 1], [], []>, transpose_lhs_hint = false} : vector<2000x128xf32>, vector<128x128xf32>, vector<2000x128xf32> -> vector<2000x128xf32>
    %mul3A_36 = vector.broadcast %slice3A_8 : vector<2000x1xf32> to vector<2000x128xf32>
    %mul3A_37 = arith.mulf %dot_general3A_35, %mul3A_36 : vector<2000x128xf32>
    %swap3A = arith.constant 0 : index
    %swap3A_38 = arith.constant 0 : index
    %swap3A_39 = vector.load %arg6[%swap3A, %swap3A_38] : memref<2000x128xf32, #tpu.memory_space<vmem>>, vector<2000x128xf32>
    tpu.vector_store %arg6[%swap3A, %swap3A_38], %mul3A_37 {strides = array<i32>} : memref<2000x128xf32, #tpu.memory_space<vmem>>, vector<2000x128xf32>,
    return
  }
  func.func @transform_0(%arg0: i32) -> (i32, i32, i32) {
    %c0_i32 = arith.constant 0 : i32
    %c0_i32_0 = arith.constant 0 : i32
    %c0_i32_1 = arith.constant 0 : i32
    return %c0_i32, %arg0, %c0_i32_0 : i32, i32, i32
  }
  func.func @transform_1(%arg0: i32) -> (i32, i32) {
    %c0_i32 = arith.constant 0 : i32
    %c0_i32_0 = arith.constant 0 : i32
    return %arg0, %c0_i32 : i32, i32
  }
  func.func @transform_2(%arg0: i32) -> (i32, i32, i32) {
    %c0_i32 = arith.constant 0 : i32
    %c0_i32_0 = arith.constant 0 : i32
    %c0_i32_1 = arith.constant 0 : i32
    return %c0_i32, %arg0, %c0_i32_0 : i32, i32, i32
  }
  func.func @transform_3(%arg0: i32) -> (i32, i32) {
    %c0_i32 = arith.constant 0 : i32
    %c0_i32_0 = arith.constant 0 : i32
    %c0_i32_1 = arith.constant 0 : i32
    return %c0_i32, %c0_i32_0 : i32, i32
  }
  func.func @transform_4(%arg0: i32) -> (i32, i32) {
    %c0_i32 = arith.constant 0 : i32
    %c0_i32_0 = arith.constant 0 : i32
    %c0_i32_1 = arith.constant 0 : i32
    return %c0_i32, %c0_i32_0 : i32, i32
  }
  func.func @transform_5(%arg0: i32) -> (i32, i32) {
    %c0_i32 = arith.constant 0 : i32
    %c0_i32_0 = arith.constant 0 : i32
    return %arg0, %c0_i32 : i32, i32
  }
}

module attributes {stable_mosaic.version = 14 : i64} {
  func.func @_final_body(%arg0: i32, %arg1: memref<2x2000x128xf32, #tpu.memory_space<vmem>>, %arg2: memref<2000x128xf32, #tpu.memory_space<vmem>>, %arg3: memref<2x2000x128xf32, #tpu.memory_space<vmem>>, %arg4: memref<1x128xf32, #tpu.memory_space<vmem>>, %arg5: memref<1x1x2000xi32, #tpu.memory_space<vmem>>, %arg6: memref<128x64xf32, #tpu.memory_space<vmem>>, %arg7: memref<1x64xf32, #tpu.memory_space<vmem>>, %arg8: memref<64x10xf32, #tpu.memory_space<vmem>>, %arg9: memref<1x10xf32, #tpu.memory_space<vmem>>, %arg10: memref<64x10xf32, #tpu.memory_space<vmem>>, %arg11: memref<64x128xf32, #tpu.memory_space<vmem>>, %arg12: memref<1x64xf32, #tpu.memory_space<vmem>>) attributes {dimension_semantics = [#tpu.dimension_semantics<arbitrary>], iteration_bounds = array<i64: 5>, scalar_prefetch = 0 : i64, scratch_operands = 2 : i64, tpu.core_type = #tpu.core_type<tc>, window_params = [{transform_indices = @transform_0, window_bounds = array<i64: 2, 2000, 128>}, {transform_indices = @transform_1, window_bounds = array<i64: 2000, 128>}, {transform_indices = @transform_2, window_bounds = array<i64: 2, 2000, 128>}, {pipeline_mode = #tpu.pipeline_mode<synchronous>, transform_indices = @transform_3, window_bounds = array<i64: 1, 128>}, {transform_indices = @transform_4, window_bounds = array<i64: 1, 1, 2000>}, {pipeline_mode = #tpu.pipeline_mode<synchronous>, transform_indices = @transform_5, window_bounds = array<i64: 128, 64>}, {pipeline_mode = #tpu.pipeline_mode<synchronous>, transform_indices = @transform_6, window_bounds = array<i64: 1, 64>}, {pipeline_mode = #tpu.pipeline_mode<synchronous>, transform_indices = @transform_7, window_bounds = array<i64: 64, 10>}, {pipeline_mode = #tpu.pipeline_mode<synchronous>, transform_indices = @transform_8, window_bounds = array<i64: 1, 10>}, {pipeline_mode = #tpu.pipeline_mode<synchronous>, transform_indices = @transform_9, window_bounds = array<i64: 64, 10>}]} {
    %eq3A = arith.constant 0 : i32
    %eq3A_0 = arith.cmpi eq, %arg0, %eq3A : i32
    %convert_element_type3A = arith.extui %eq3A_0 : i1 to i32
    %cond3A = arith.constant 0 : i32
    %cond3A_1 = arith.cmpi ne, %convert_element_type3A, %cond3A : i32
    scf.if %cond3A_1 {
      %broadcast_in_dim3A_64 = arith.constant 0.000000e+00 : f32
      %broadcast_in_dim3A_65 = vector.broadcast %broadcast_in_dim3A_64 : f32 to vector<64x128xf32>
      %swap3A_66 = arith.constant 0 : index
      %swap3A_67 = arith.constant 0 : index
      %swap3A_68 = vector.load %arg11[%swap3A_66, %swap3A_67] : memref<64x128xf32, #tpu.memory_space<vmem>>, vector<64x128xf32>
      tpu.vector_store %arg11[%swap3A_66, %swap3A_67], %broadcast_in_dim3A_65 {strides = array<i32>} : memref<64x128xf32, #tpu.memory_space<vmem>>, vector<64x128xf32>,
      %broadcast_in_dim3A_69 = arith.constant 0.000000e+00 : f32
      %broadcast_in_dim3A_70 = vector.broadcast %broadcast_in_dim3A_69 : f32 to vector<1x64xf32>
      %swap3A_71 = arith.constant 0 : index
      %swap3A_72 = arith.constant 0 : index
      %swap3A_73 = vector.load %arg12[%swap3A_71, %swap3A_72] : memref<1x64xf32, #tpu.memory_space<vmem>>, vector<1x64xf32>
      tpu.vector_store %arg12[%swap3A_71, %swap3A_72], %broadcast_in_dim3A_70 {strides = array<i32>} : memref<1x64xf32, #tpu.memory_space<vmem>>, vector<1x64xf32>,
    } else {
    }
    %get3A = arith.constant 0 : index
    %get3A_2 = arith.constant 0 : index
    %get3A_3 = arith.constant 0 : index
    %get3A_4 = vector.load %arg1[%get3A, %get3A_2, %get3A_3] : memref<2x2000x128xf32, #tpu.memory_space<vmem>>, vector<2x2000x128xf32>
    %slice3A = vector.extract_strided_slice %get3A_4 {offsets = [0, 0, 0], sizes = [1, 2000, 128], strides = [1, 1, 1]} : vector<2x2000x128xf32> to vector<1x2000x128xf32>
    %squeeze3A = vector.shape_cast %slice3A : vector<1x2000x128xf32> to vector<2000x128xf32>
    %slice3A_5 = vector.extract_strided_slice %get3A_4 {offsets = [1, 0, 0], sizes = [1, 2000, 128], strides = [1, 1, 1]} : vector<2x2000x128xf32> to vector<1x2000x128xf32>
    %squeeze3A_6 = vector.shape_cast %slice3A_5 : vector<1x2000x128xf32> to vector<2000x128xf32>
    %add3A = arith.addf %squeeze3A, %squeeze3A_6 : vector<2000x128xf32>
    %add3A_7 = arith.constant 1.000000e+00 : f32
    %add3A_8 = vector.broadcast %add3A_7 : f32 to vector<2000x128xf32>
    %add3A_9 = arith.addf %add3A, %add3A_8 : vector<2000x128xf32>
    %rsqrt3A = math.rsqrt %add3A_9 : vector<2000x128xf32>
    %slice3A_10 = vector.extract_strided_slice %rsqrt3A {offsets = [0, 0], sizes = [2000, 1], strides = [1, 1]} : vector<2000x128xf32> to vector<2000x1xf32>
    %get3A_11 = arith.constant 0 : index
    %get3A_12 = arith.constant 0 : index
    %get3A_13 = vector.load %arg2[%get3A_11, %get3A_12] : memref<2000x128xf32, #tpu.memory_space<vmem>>, vector<2000x128xf32>
    %get3A_14 = arith.constant 0 : index
    %get3A_15 = arith.constant 0 : index
    %get3A_16 = arith.constant 0 : index
    %get3A_17 = vector.load %arg3[%get3A_14, %get3A_15, %get3A_16] : memref<2x2000x128xf32, #tpu.memory_space<vmem>>, vector<1x2000x128xf32>
    %get3A_18 = vector.shape_cast %get3A_17 : vector<1x2000x128xf32> to vector<2000x128xf32>
    %add3A_19 = arith.addf %get3A_13, %get3A_18 : vector<2000x128xf32>
    %get3A_20 = arith.constant 1 : index
    %get3A_21 = arith.constant 0 : index
    %get3A_22 = arith.constant 0 : index
    %get3A_23 = vector.load %arg3[%get3A_20, %get3A_21, %get3A_22] : memref<2x2000x128xf32, #tpu.memory_space<vmem>>, vector<1x2000x128xf32>
    %get3A_24 = vector.shape_cast %get3A_23 : vector<1x2000x128xf32> to vector<2000x128xf32>
    %add3A_25 = arith.addf %add3A_19, %get3A_24 : vector<2000x128xf32>
    %mul3A = vector.broadcast %slice3A_10 : vector<2000x1xf32> to vector<2000x128xf32>
    %mul3A_26 = arith.mulf %add3A_25, %mul3A : vector<2000x128xf32>
    %get3A_27 = arith.constant 0 : index
    %get3A_28 = arith.constant 0 : index
    %get3A_29 = vector.load %arg4[%get3A_27, %get3A_28] : memref<1x128xf32, #tpu.memory_space<vmem>>, vector<1x128xf32>
    %add3A_30 = vector.broadcast %get3A_29 : vector<1x128xf32> to vector<2000x128xf32>
    %add3A_31 = arith.addf %mul3A_26, %add3A_30 : vector<2000x128xf32>
    %max3A = arith.constant 0.000000e+00 : f32
    %max3A_32 = vector.broadcast %max3A : f32 to vector<2000x128xf32>
    %max3A_33 = arith.maximumf %add3A_31, %max3A_32 : vector<2000x128xf32>
    %get3A_34 = arith.constant 0 : index
    %get3A_35 = arith.constant 0 : index
    %get3A_36 = arith.constant 0 : index
    %get3A_37 = vector.load %arg5[%get3A_34, %get3A_35, %get3A_36] : memref<1x1x2000xi32, #tpu.memory_space<vmem>>, vector<1x1x2000xi32>
    %get3A_38 = vector.shape_cast %get3A_37 : vector<1x1x2000xi32> to vector<2000xi32>
    %broadcast_in_dim3A = vector.shape_cast %get3A_38 : vector<2000xi32> to vector<2000x1xi32>
    %iota3A = tpu.iota {dimensions = array<i32: 1>} : vector<2000x64xi32>
    %eq3A_39 = vector.broadcast %broadcast_in_dim3A : vector<2000x1xi32> to vector<2000x64xi32>
    %eq3A_40 = arith.cmpi eq, %eq3A_39, %iota3A : vector<2000x64xi32>
    %convert_element_type3A_41 = arith.extui %eq3A_40 : vector<2000x64xi1> to vector<2000x64xi32>
    %convert_element_type3A_42 = arith.sitofp %convert_element_type3A_41 : vector<2000x64xi32> to vector<2000x64xf32>
    %get3A_43 = arith.constant 0 : index
    %get3A_44 = arith.constant 0 : index
    %get3A_45 = vector.load %arg11[%get3A_43, %get3A_44] : memref<64x128xf32, #tpu.memory_space<vmem>>, vector<64x128xf32>
    %dot_general3A = arith.constant dense<0.000000e+00> : vector<64x128xf32>
    %dot_general3A_46 = tpu.matmul %convert_element_type3A_42, %max3A_33, %dot_general3A {dimension_numbers = #tpu.dot_dimension_numbers<[0], [0], [1], [1], [0, 1, 1, 1], [], []>, transpose_lhs_hint = false} : vector<2000x64xf32>, vector<2000x128xf32>, vector<64x128xf32> -> vector<64x128xf32>
    %add3A_47 = arith.addf %get3A_45, %dot_general3A_46 : vector<64x128xf32>
    %swap3A = arith.constant 0 : index
    %swap3A_48 = arith.constant 0 : index
    %swap3A_49 = vector.load %arg11[%swap3A, %swap3A_48] : memref<64x128xf32, #tpu.memory_space<vmem>>, vector<64x128xf32>
    tpu.vector_store %arg11[%swap3A, %swap3A_48], %add3A_47 {strides = array<i32>} : memref<64x128xf32, #tpu.memory_space<vmem>>, vector<64x128xf32>,
    %get3A_50 = arith.constant 0 : index
    %get3A_51 = arith.constant 0 : index
    %get3A_52 = vector.load %arg12[%get3A_50, %get3A_51] : memref<1x64xf32, #tpu.memory_space<vmem>>, vector<1x64xf32>
    %reduce_sum3A = arith.constant dense<0.000000e+00> : vector<64xf32>
    %reduce_sum3A_53 = vector.multi_reduction <add>, %convert_element_type3A_42, %reduce_sum3A [0] : vector<2000x64xf32> to vector<64xf32>
    %broadcast_in_dim3A_54 = vector.shape_cast %reduce_sum3A_53 : vector<64xf32> to vector<1x64xf32>
    %add3A_55 = arith.addf %get3A_52, %broadcast_in_dim3A_54 : vector<1x64xf32>
    %swap3A_56 = arith.constant 0 : index
    %swap3A_57 = arith.constant 0 : index
    %swap3A_58 = vector.load %arg12[%swap3A_56, %swap3A_57] : memref<1x64xf32, #tpu.memory_space<vmem>>, vector<1x64xf32>
    tpu.vector_store %arg12[%swap3A_56, %swap3A_57], %add3A_55 {strides = array<i32>} : memref<1x64xf32, #tpu.memory_space<vmem>>, vector<1x64xf32>,
    %eq3A_59 = arith.constant 4 : i32
    %eq3A_60 = arith.cmpi eq, %arg0, %eq3A_59 : i32
    %convert_element_type3A_61 = arith.extui %eq3A_60 : i1 to i32
    %cond3A_62 = arith.constant 0 : i32
    %cond3A_63 = arith.cmpi ne, %convert_element_type3A_61, %cond3A_62 : i32
    scf.if %cond3A_63 {
      %get3A_64 = arith.constant 0 : index
      %get3A_65 = arith.constant 0 : index
      %get3A_66 = vector.load %arg12[%get3A_64, %get3A_65] : memref<1x64xf32, #tpu.memory_space<vmem>>, vector<1x64xf32>
      %get3A_67 = vector.shape_cast %get3A_66 : vector<1x64xf32> to vector<64xf32>
      %max3A_68 = arith.constant 1.000000e+00 : f32
      %max3A_69 = vector.broadcast %max3A_68 : f32 to vector<64xf32>
      %max3A_70 = arith.maximumf %get3A_67, %max3A_69 : vector<64xf32>
      %get3A_71 = arith.constant 0 : index
      %get3A_72 = arith.constant 0 : index
      %get3A_73 = vector.load %arg11[%get3A_71, %get3A_72] : memref<64x128xf32, #tpu.memory_space<vmem>>, vector<64x128xf32>
      %broadcast_in_dim3A_74 = vector.shape_cast %max3A_70 : vector<64xf32> to vector<64x1xf32>
      %div3A = vector.broadcast %broadcast_in_dim3A_74 : vector<64x1xf32> to vector<64x128xf32>
      %div3A_75 = arith.divf %get3A_73, %div3A : vector<64x128xf32>
      %get3A_76 = arith.constant 0 : index
      %get3A_77 = arith.constant 0 : index
      %get3A_78 = vector.load %arg6[%get3A_76, %get3A_77] : memref<128x64xf32, #tpu.memory_space<vmem>>, vector<128x64xf32>
      %dot_general3A_79 = arith.constant dense<0.000000e+00> : vector<64x64xf32>
      %dot_general3A_80 = tpu.matmul %div3A_75, %get3A_78, %dot_general3A_79 {dimension_numbers = #tpu.dot_dimension_numbers<[1], [0], [0], [1], [0, 0, 1, 1], [], []>, transpose_lhs_hint = false} : vector<64x128xf32>, vector<128x64xf32>, vector<64x64xf32> -> vector<64x64xf32>
      %get3A_81 = arith.constant 0 : index
      %get3A_82 = arith.constant 0 : index
      %get3A_83 = vector.load %arg7[%get3A_81, %get3A_82] : memref<1x64xf32, #tpu.memory_space<vmem>>, vector<1x64xf32>
      %add3A_84 = vector.broadcast %get3A_83 : vector<1x64xf32> to vector<64x64xf32>
      %add3A_85 = arith.addf %dot_general3A_80, %add3A_84 : vector<64x64xf32>
      %max3A_86 = arith.constant 0.000000e+00 : f32
      %max3A_87 = vector.broadcast %max3A_86 : f32 to vector<64x64xf32>
      %max3A_88 = arith.maximumf %add3A_85, %max3A_87 : vector<64x64xf32>
      %get3A_89 = arith.constant 0 : index
      %get3A_90 = arith.constant 0 : index
      %get3A_91 = vector.load %arg8[%get3A_89, %get3A_90] : memref<64x10xf32, #tpu.memory_space<vmem>>, vector<64x10xf32>
      %dot_general3A_92 = arith.constant dense<0.000000e+00> : vector<64x10xf32>
      %dot_general3A_93 = tpu.matmul %max3A_88, %get3A_91, %dot_general3A_92 {dimension_numbers = #tpu.dot_dimension_numbers<[1], [0], [0], [1], [0, 0, 1, 1], [], []>, transpose_lhs_hint = false} : vector<64x64xf32>, vector<64x10xf32>, vector<64x10xf32> -> vector<64x10xf32>
      %get3A_94 = arith.constant 0 : index
      %get3A_95 = arith.constant 0 : index
      %get3A_96 = vector.load %arg9[%get3A_94, %get3A_95] : memref<1x10xf32, #tpu.memory_space<vmem>>, vector<1x10xf32>
      %add3A_97 = vector.broadcast %get3A_96 : vector<1x10xf32> to vector<64x10xf32>
      %add3A_98 = arith.addf %dot_general3A_93, %add3A_97 : vector<64x10xf32>
      %swap3A_99 = arith.constant 0 : index
      %swap3A_100 = arith.constant 0 : index
      %swap3A_101 = vector.load %arg10[%swap3A_99, %swap3A_100] : memref<64x10xf32, #tpu.memory_space<vmem>>, vector<64x10xf32>
      tpu.vector_store %arg10[%swap3A_99, %swap3A_100], %add3A_98 {strides = array<i32>} : memref<64x10xf32, #tpu.memory_space<vmem>>, vector<64x10xf32>,
    } else {
    }
    return
  }
  func.func @transform_0(%arg0: i32) -> (i32, i32, i32) {
    %c0_i32 = arith.constant 0 : i32
    %c0_i32_0 = arith.constant 0 : i32
    %c0_i32_1 = arith.constant 0 : i32
    return %c0_i32, %arg0, %c0_i32_0 : i32, i32, i32
  }
  func.func @transform_1(%arg0: i32) -> (i32, i32) {
    %c0_i32 = arith.constant 0 : i32
    %c0_i32_0 = arith.constant 0 : i32
    return %arg0, %c0_i32 : i32, i32
  }
  func.func @transform_2(%arg0: i32) -> (i32, i32, i32) {
    %c0_i32 = arith.constant 0 : i32
    %c0_i32_0 = arith.constant 0 : i32
    %c0_i32_1 = arith.constant 0 : i32
    return %c0_i32, %arg0, %c0_i32_0 : i32, i32, i32
  }
  func.func @transform_3(%arg0: i32) -> (i32, i32) {
    %c0_i32 = arith.constant 0 : i32
    %c0_i32_0 = arith.constant 0 : i32
    %c0_i32_1 = arith.constant 0 : i32
    return %c0_i32, %c0_i32_0 : i32, i32
  }
  func.func @transform_4(%arg0: i32) -> (i32, i32, i32) {
    %c0_i32 = arith.constant 0 : i32
    %c0_i32_0 = arith.constant 0 : i32
    %c0_i32_1 = arith.constant 0 : i32
    return %arg0, %c0_i32, %c0_i32_0 : i32, i32, i32
  }
  func.func @transform_5(%arg0: i32) -> (i32, i32) {
    %c0_i32 = arith.constant 0 : i32
    %c0_i32_0 = arith.constant 0 : i32
    %c0_i32_1 = arith.constant 0 : i32
    return %c0_i32, %c0_i32_0 : i32, i32
  }
  func.func @transform_6(%arg0: i32) -> (i32, i32) {
    %c0_i32 = arith.constant 0 : i32
    %c0_i32_0 = arith.constant 0 : i32
    %c0_i32_1 = arith.constant 0 : i32
    return %c0_i32, %c0_i32_0 : i32, i32
  }
  func.func @transform_7(%arg0: i32) -> (i32, i32) {
    %c0_i32 = arith.constant 0 : i32
    %c0_i32_0 = arith.constant 0 : i32
    %c0_i32_1 = arith.constant 0 : i32
    return %c0_i32, %c0_i32_0 : i32, i32
  }
  func.func @transform_8(%arg0: i32) -> (i32, i32) {
    %c0_i32 = arith.constant 0 : i32
    %c0_i32_0 = arith.constant 0 : i32
    %c0_i32_1 = arith.constant 0 : i32
    return %c0_i32, %c0_i32_0 : i32, i32
  }
  func.func @transform_9(%arg0: i32) -> (i32, i32) {
    %c0_i32 = arith.constant 0 : i32
    %c0_i32_0 = arith.constant 0 : i32
    %c0_i32_1 = arith.constant 0 : i32
    return %c0_i32, %c0_i32_0 : i32, i32
  }
}

</mosaic_0001>

<sc_bundles>
// kernel: kernel.11.cloned.1.call-start
scs
__scs_entry_jumppad:
0x0: {  	(pc) =	sbr.rel $0x88, $3  }
0x1: {  	(tag) =	ssettag $0x0;
	lr =	simm.s32 $0x1  }
0x2: {  	[smem:$0x3F94] =	sst lr;
	_ =	strace $0xD0000000  }
0x3: {  	_ = 	snop  }
0x4: {  	_ = 	snop  }
0x5: {  	_ = 	snop  }
0x6: {  	_ = 	snop  }
0x7: {  	_ = 	snop  }
__scs_overlays_trampoline_lowered:
0x8: {  	[smem:$0x3FA3] =	sst s0  }
0x9: {  	[smem:$0x3FA4] =	sst s1  }
0xa: {  	[smem:$0x3FA5] =	sst s2  }
0xb: {  	[smem:$0x3FA6] =	sst s3  }
0xc: {  	[smem:$0x3FA7] =	sst s4  }
0xd: {  	[smem:$0x3FA8] =	sst s5  }
0xe: {  	[smem:$0x3FA9] =	sst s6  }
0xf: {  	[smem:$0x3FAA] =	sst s7  }
0x10: {  	[smem:$0x3FAB] =	sst s8  }
0x11: {  	[smem:$0x3FAC] =	sst s9;
	s0 =	simm.s32 @!p0 $0x0  }
0x12: {  	s1 =	sld [smem:$0x3F92];
	s0 =	simm.s32 @p0 $0x1  }
0x13: {  	[smem:$0x3FAD] =	sst s0;
	s0 =	simm.s32 @!p1 $0x0  }
0x14: {  	s2 =	sld [smem:$0x3F91];
	s0 =	simm.s32 @p1 $0x1  }
0x15: {  	[smem:$0x3FAE] =	sst s0;
	s0 =	simm.s32 @!p2 $0x0  }
0x16: {  	s3 =	sld [smem:$0x3FDB];
	s0 =	simm.s32 @p2 $0x1  }
0x17: {  	s4 =	simm.s32 $0x1BF5;
	[smem:$0x3FB0] =	sst s0  }
0x18: {  	s0 =	sld [smem:$0x3F93];
	_ =	swait.ge [sflag:s4], $0x0  }
0x19: {  	s7 =	sld [smem:$0x3F94]  }
0x1a: {  	s8 =	sadd.s32 $0xFFFFE003, lr  }
0x1b: {  	s9 =	sadd.s32 $0xFFFFFEF7, lr;
	s5 =	simm.s32 $0xFFFFFFFF;
	p2 =	slt.u32 s8, $0xFFFFF086  }
0x1c: {  	p1 =	slt.u32 s9, $0xF7A;
	s5 =	simm.s32 @!p2 $0x0  }
0x1d: {  	s5 =	simm.s32 @p1 $0x1;
	p0 =	seq.s32 s7, s2  }
0x1e: {  	s7 =	smul.u32 @!p0 $0xF7A, s2;
	p2 =	seq.s32 @!p0 s5, $0x0  }
0x1f: {  	s9 =	smul.u32 $0xF7A, s1;
	s8 =	simm.s32 @!p0 $0x1BF5;
	p2 =	por !p2, p0  }
0x20: {  	[sflag:s8] =	ssyncset.s32 @!p0 $0xFFFFF086;
	s6 =	sadd.s32 @!p0 s3, s7;
	s7 =	simm.s32 @!p0 $0x108  }
0x21: {  	s3 =	sadd.s32 s3, s9;
	s6 =	sadd.s32 @!p0 $0x88, s6;
	s7 =	simm.s32 @p2 $0x1082  }
0x22: {  	[simem:s7], [sflag:s8] =	dma.local @!p0 [hbm:s6], $0xF7A  }
0x23: {  	s9 =	sor.u32 $0xD0000000, s2;
	s6 =	simm.s32 $0x108;
	_ =	swait.ge @!p0 [sflag:s8], $0x0  }
0x24: {  	s3 =	sadd.s32 $0x88, s3;
	s6 =	simm.s32 @!p1 $0x1082;
	[sflag:s4] =	ssyncset.s32 $0xFFFFF086  }
0x25: {  	[simem:s6], [sflag:s4] =	dma.local [hbm:s3], $0xF7A  }
0x26: {  	[smem:$0x3F94] =	sst s1;
	(tag) =	ssettag s2;
	_ =	strace s9  }
0x27: {  	s1 =	sld [smem:$0x3FA4]  }
0x28: {  	s2 =	sld [smem:$0x3FA5]  }
0x29: {  	s4 =	sld [smem:$0x3FA7]  }
0x2a: {  	p0 =	seq.s32 s5, $0x0;
	s5 =	sld [smem:$0x3FA8]  }
0x2b: {  	s6 =	sld [smem:$0x3FA9]  }
0x2c: {  	s7 =	sld [smem:$0x3FAA]  }
0x2d: {  	s3 =	simm.s32 $0x108;
	s8 =	sld [smem:$0x3FAB]  }
0x2e: {  	s3 =	simm.s32 @!p0 $0x1082;
	s9 =	sld [smem:$0x3FAC]  }
0x2f: {  	lr =	sadd.s32 s0, s3;
	s0 =	sld [smem:$0x3FA3]  }
0x30: {  	s3 =	sld [smem:$0x3FA6]  }
0x31: {  	[smem:$0x3FAF] =	sst s10  }
0x32: {  	s10 =	sld [smem:$0x3FAD];
	_ =	sdelay $0x3  }
0x33: {  	p0 =	seq.s32 s10, $0x1;
	s10 =	sld [smem:$0x3FAF];
	_ =	sdelay $0x3  }
0x34: {  	[smem:$0x3FAF] =	sst s10  }
0x35: {  	s10 =	sld [smem:$0x3FAE];
	_ =	sdelay $0x3  }
0x36: {  	p1 =	seq.s32 s10, $0x1;
	s10 =	sld [smem:$0x3FAF];
	_ =	sdelay $0x3  }
0x37: {  	[smem:$0x3FAF] =	sst s10  }
0x38: {  	s10 =	sld [smem:$0x3FB0]  }
0x39: {  	_ = 	snop;
	(pc) =	sbr.ind lr, $3  }
0x3a: {  	_ = 	snop  }
0x3b: {  	_ = 	snop  }
0x3c: {  	p2 =	seq.s32 s10, $0x1;
	s10 =	sld [smem:$0x3FAF]  }
0x3d: {  	_ =	shalt  }
0x3e: {  	_ =	shalt  }
0x3f: {  	_ =	shalt  }
0x40: {  	_ =	shalt  }
0x41: {  	_ =	shalt  }
0x42: {  	_ =	shalt  }
0x43: {  	_ =	shalt  }
0x44: {  	_ =	shalt  }
0x45: {  	_ =	shalt  }
0x46: {  	_ =	shalt  }
0x47: {  	_ =	shalt  }
0x48: {  	_ =	shalt  }
0x49: {  	_ =	shalt  }
0x4a: {  	_ =	shalt  }
0x4b: {  	_ =	shalt  }
0x4c: {  	_ =	shalt  }
0x4d: {  	_ =	shalt  }
0x4e: {  	_ =	shalt  }
0x4f: {  	_ =	shalt  }
0x50: {  	_ =	shalt  }
0x51: {  	_ =	shalt  }
0x52: {  	_ =	shalt  }
0x53: {  	_ =	shalt  }
0x54: {  	_ =	shalt  }
0x55: {  	_ =	shalt  }
0x56: {  	_ =	shalt  }
0x57: {  	_ =	shalt  }
0x58: {  	_ =	shalt  }
0x59: {  	_ =	shalt  }
0x5a: {  	_ =	shalt  }
0x5b: {  	_ =	shalt  }
0x5c: {  	_ =	shalt  }
0x5d: {  	_ =	shalt  }
0x5e: {  	_ =	shalt  }
0x5f: {  	_ =	shalt  }
0x60: {  	_ =	shalt  }
0x61: {  	_ =	shalt  }
0x62: {  	_ =	shalt  }
0x63: {  	_ =	shalt  }
0x64: {  	_ =	shalt  }
0x65: {  	_ =	shalt  }
0x66: {  	_ =	shalt  }
0x67: {  	_ =	shalt  }
0x68: {  	_ =	shalt  }
0x69: {  	_ =	shalt  }
0x6a: {  	_ =	shalt  }
0x6b: {  	_ =	shalt  }
0x6c: {  	_ =	shalt  }
0x6d: {  	_ =	shalt  }
0x6e: {  	_ =	shalt  }
0x6f: {  	_ =	shalt  }
0x70: {  	_ =	shalt  }
0x71: {  	_ =	shalt  }
0x72: {  	_ =	shalt  }
0x73: {  	_ =	shalt  }
0x74: {  	_ =	shalt  }
0x75: {  	_ =	shalt  }
0x76: {  	_ =	shalt  }
0x77: {  	_ =	shalt  }
0x78: {  	_ =	shalt  }
0x79: {  	_ =	shalt  }
0x7a: {  	_ =	shalt  }
0x7b: {  	_ =	shalt  }
0x7c: {  	_ =	shalt  }
0x7d: {  	_ =	shalt  }
0x7e: {  	_ =	shalt  }
0x7f: {  	_ =	shalt  }
0x80: {  	_ =	shalt  }
0x81: {  	_ =	shalt  }
0x82: {  	_ =	shalt  }
0x83: {  	_ =	shalt  }
0x84: {  	_ =	shalt  }
0x85: {  	_ =	shalt  }
0x86: {  	_ =	shalt  }
0x87: {  	_ =	shalt  }
.Lfunc_end0:
.L_simem_size_0:
called_computation_lowered:
.L_overlay_start_0:
0x88: {  	s2 =	sld [smem:$0x3FD9]  }
0x89: {  	s3 =	sld [smem:$0x3FFE];
	_ =	sdelay $0x1  }
0x8a: {  	s1 =	srdreg.scid  }
0x8b: {  	s0 =	sand.u32 $0x1, s1  }
0x8c: {  	s16 =	sshll.u32 s0, $0xA;
	s2 =	sadd.s32 s3, s2  }
0x8d: {  	s2 =	sadd.s32 s2, s16  }
0x8e: {  	[smem:$0x3FBB] =	sst s2  }
0x8f: {  	_ = 	snop  }
0x90: {  	(tm) =	ssettm $0x1  }
0x91: {  	s17 =	sld [smem:$0x3FFB];
	_ =	sdelay $0x3  }
0x92: {  	_ =	strace s17  }
0x93: {  	s2 =	sld [smem:$0x3FFC];
	_ =	sdelay $0x3  }
0x94: {  	_ =	strace s2  }
0x95: {  	s2 =	sld [smem:$0x3FFD];
	_ =	sdelay $0x3  }
0x96: {  	_ =	strace s2  }
0x97: {  	_ =	strace $0x8FFFFFFF  }
0x98: {  	s18 =	sld [smem:$0x3FDB];
	_ =	sdelay $0x1  }
0x99: {  	s19 =	simm.s32 $_scs_section_size  }
0x9a: {  	s4 =	simm.s32 $_size__tile_overlayer_lowered;
	s5 =	simm.s32 $_tile_overlayer_lowered  }
0x9b: {  	s22 =	simm.s32 $0x1BFF;
	s21 =	sshll.u32 s5, $0x1;
	s2 =	sadd.s32 s19, s18  }
0x9c: {  	s6 =	simm.s32 $0x0;
	s20 =	sshll.u32 s4, $0x1;
	s4 =	sadd.s32 s21, s2  }
0x9d: {  	[timem:s6], [sflag:s22] =	dma.local [hbm:s4], s20  }
0x9e: {  	_ =	swait.ge [sflag:s22], s20  }
0x9f: {  	s3 =	ssub.s32 $0x0, s20;
	[sflag:s22] =	ssyncset.done $0x0  }
0xa0: {  	[sflag:s22] =	ssyncadd.s32 s3;
	_ =	sdelay $0x1  }
0xa1: {  	s23 =	simm.s32 $0x1B8B  }
0xa2: {  	_ =	swait.ge [sflag:s23], $0x1  }
0xa3: {  	[sflag:s23] =	ssyncset.done $0x0  }
0xa4: {  	s25 =	simm.s32 $0x1B8E;
	s24 =	sld [smem:$0x3FFE];
	[sflag:s23] =	ssyncadd.s32 $0xFFFFFFFF  }
0xa5: {  	s26 =	simm.s32 $execute0_lowered;
	[smem:$0x3FD2] =	sst s25  }
0xa6: {  	s4 =	sshll.u32 s26, $0x1;
	_ =	strace $0x80000046;
	[dreg:$0x1] =	wrdreg $0xFFFFFFFF  }
0xa7: {  	s28 =	simm.s32 $_size_execute0_lowered;
	s2 =	sadd.s32 s2, s4;
	[dreg:$0x0] =	wrdreg $0x0  }
0xa8: {  	s4 =	sshll.u32 s28, $0x1;
	[dreg:$0x2] =	wrdreg s2  }
0xa9: {  	[dreg:$0x3] =	wrdreg s4  }
0xaa: {  	[dreg:$0x4] =	wrdreg $0xC0  }
0xab: {  	_ =	task [dreg:s6], $0x5FFFF  }
0xac: {  	[dreg:$0x1] =	wrdreg $0xFFFFFFFF  }
0xad: {  	[dreg:$0x0] =	wrdreg $0x60  }
0xae: {  	[dreg:$0x2] =	wrdreg s24  }
0xaf: {  	[dreg:$0x3] =	wrdreg $0x68000  }
0xb0: {  	[dreg:$0x4] =	wrdreg $0x9  }
0xb1: {  	_ =	task.clear_ibuf [dreg:s6], $0x5FFFF;
	_ =	strace $0x90000046  }
0xb2: {  	s29 =	simm.s32 $0x9;
	_ =	strace $0x80000048  }
0xb3: {  	_ =	swait.ge [sflag:s29], $0x1  }
0xb4: {  	[sflag:s29] =	ssyncadd.s32 $0xFFFFFFFF  }
0xb5: {  	_ =	strace $0x90000048  }
0xb6: {  	_ =	sfence  }
0xb7: {  	s30 =	sld [smem:$0x0];
	_ =	sdelay $0x2  }
0xb8: {  	s31 =	sshll.u32 s1, $0xD;
	s1 =	sshrl.u32 s1, $0x2  }
0xb9: {  	s3 =	sand.u32 $0x4000, s31;
	s1 =	sadd.s32 s1, s30  }
0xba: {  	s0 =	sor.u32 s3, s0;
	s1 =	sshll.u32 s1, $0x11  }
0xbb: {  	s0 =	sor.u32 s1, s0  }
0xbc: {  	s0 =	sadd.s32 $0x8F2B, s0  }
0xbd: {  	[sflag:s0] =	ssyncadd.remote.s32 $0x1  }
0xbe: {  	_ =	sfence.sel $0xFFFF  }
0xbf: {  	[dreg:$0x0] =	wrdreg $0xFFFFFFFF;
	(pc) =	sbr.abs _section_cstart, $3  }
0xc0: {  	[dreg:$0x1] =	wrdreg $0xFFFFFFFF  }
0xc1: {  	_ =	task.clear_ibuf [dreg:s6], $0x2FFFF;
	_ =	strace $0x9FFFFFFF  }
0xc2: {  	(tm) =	ssettm $0x7FFFFFFF  }
0xc3: {  	_ =	shalt  }
tec
execute0_lowered:
.L_overlay_start_1:
0x0: {  	(tag) =	ssettag $0x1  }
0x1: {  	s1 =	srdreg.scid  }
0x2: {  	s0 =	stileid.u32;
	s7 =	rddreg [dreg:$0x0]  }
0x3: {  	s2 =	rddreg [dreg:$0x1];
	s3 =	simm.s32 $0x0;
	s13 =	simm.s32 $0x80  }
0x4: {  	s14 =	simm.s32 $0x0;
	s6 =	sand.u32 $0x1, s1;
	s8 =	smul.u32 $0x13C00, s0  }
0x5: {  	s30 =	sshll.u32 s0, $0x1;
	[smem:$0x7FF] =	sst s3;
	s10 =	smul.u32 $0x4F000, s0  }
0x6: {  	s11 =	sshll.u32 s0, $0x6;
	s1 =	sor.u32 s6, s30;
	s5 =	smul.u32 $0x13C000, s6  }
0x7: {  	s6 =	ssub.s32 $0x2, s6;
	s11 =	sor.u32 $0x1C01, s11;
	s4 =	smul.u32 $0x500, s1  }
0x8: {  	s1 =	rddreg [dreg:$0x2];
	_ =	strace $0x80000047;
	s31 =	sshrl.u32 s6, $0x1  }
0x9: {  	s10 =	sshrl.u32 s10, $0x2;
	s8 =	sadd.s32 s8, s5;
	s5 =	sadd.s32 $0xD400, s7  }
0xa: {  	s12 =	sadd.s32 s10, s2;
	s10 =	simm.s32 $0x2800;
	s9 =	sadd.s32 s4, s7  }
0xb: {  	s4 =	sadd.s32 $0xFC00, s7;
	s8 =	sshrl.u32 s8, $0x3;
	s12 =	sshrl.u32 s12, $0x3  }
0xc: {  	s7 =	sadd.s32 s8, s7;
	s8 =	ssub.s32 s6, s31;
	s6 =	sadd.s32 $0x3400, s9  }
0xd: {  	s9 =	simm.s32 $0x1;
	s7 =	sadd.s32 $0x10400, s7;
	s8 =	smax.u32 s8, $0x1  }
.LBB2_1:
0xe: {  	[tilespmem:s3], [sflag:$0x1] =	stream.linear.gather [hbm4b:s6+s3], $0x2780, $0x38;
	[tilespmem:$0x1A400] =	vst v63  }
0xf: {  	_ =	swait.ge [sflag:s9], $0x2780  }
0x10: {  	[sflag:s9] =	ssyncset.done $0x0  }
0x11: {  	[sflag:s9] =	ssyncadd.s32 $0xFFFFD880  }
0x12: {  	[tilespmem:s10], [sflag:$0x1] =	stream.linear.gather [hbm4b:s4+s3], $0x4000, $0x38;
	[tilespmem:$0x1A400] =	vst v63  }
0x13: {  	_ =	swait.ge [sflag:s9], $0x4000  }
0x14: {  	[sflag:s9] =	ssyncset.done $0x0  }
0x15: {  	[sflag:s9] =	ssyncadd.s32 $0xFFFFC000  }
0x16: {  	[spmem:s12], [sflag:s11] =	dma.local [hbm:s5], $0x2780  }
0x17: {  	_ =	swait.ge [sflag:s9], $0x2780  }
0x18: {  	[sflag:s9] =	ssyncset.done $0x0  }
0x19: {  	[sflag:s9] =	ssyncadd.s32 $0xFFFFD880  }
0x1a: {  	s15 =	simm.s32 $0x0;
	[bflag:$0x0] =	sbarrier.arrive $0xFFFF  }
0x1b: {  	[spmem:s2] =	stream.indirect.scatter.add.f32 [tilespmem:s10], [sflag:$0x1], $0x80, s15, s13, $0xb8;
	[tilespmem:$0x1A400] =	vst v63  }
0x1c: {  	_ =	swait.ge [sflag:s9], $0x4000  }
0x1d: {  	s15 =	simm.s32 $0x200;
	[sflag:s9] =	ssyncset.done $0x0  }
.LBB2_2:
0x1e: {  	s16 =	sshra.s32 s15, $0x2;
	[sflag:s9] =	ssyncadd.s32 $0xFFFFC000;
	p0 =	sne.s32 s15, $0x9C00  }
0x1f: {  	[spmem:s2] =	stream.indirect.scatter.add.f32 [tilespmem:s10], [sflag:$0x1], $0x80, s16, s13, $0xb8;
	[tilespmem:$0x1A400] =	vst v63  }
.Ltmp0:
0x20: {  	_ = 	snop;
	(pc) =	sbr.rel @p0 .LBB2_2-.Ltmp0, $4  }
0x21: {  	_ = 	snop  }
0x22: {  	s15 =	sadd.s32 $0x200, s15  }
0x23: {  	_ =	swait.ge [sflag:s9], $0x4000  }
0x24: {  	[sflag:s9] =	ssyncset.done $0x0  }
0x25: {  	s14 =	sadd.s32 $0x1, s14  }
0x26: {  	[sflag:s9] =	ssyncadd.s32 $0xFFFFC000;
	p0 =	sne.s32 s14, s8  }
.Ltmp1:
0x27: {  	[bflag:$0x0] =	sbarrier.arrive $0xFFFF;
	(pc) =	sbr.rel @p0 .LBB2_1-.Ltmp1, $4  }
0x28: {  	[hbm:s7], [sflag:s11] =	dma.local [spmem:s12], $0x2780  }
0x29: {  	_ =	swait.ge [sflag:s9], $0x2780  }
0x2a: {  	[sflag:s9] =	ssyncset.done $0x0  }
0x2b: {  	[sflag:s9] =	ssyncadd.s32 $0xFFFFD880  }
0x2c: {  	_ =	sfence.sel $0x180000  }
0x2d: {  	[bflag:$0x0] =	sbarrier.arrive $0xFFFF  }
0x2e: {  	p0 =	sne.s32 s0, $0x0;
	_ =	strace $0x90000047  }
0x2f: {  	s0 =	sadd.s32 @!p0 $0x100000, s1;
	[bflag:$0x2] =	sbarrier.arrive $0xFFFF  }
0x30: {  	[sflag:s0] =	ssyncadd.tile.s32 @!p0 $0x1;
	_ =	shalt  }
.Lfunc_end2:
_tile_overlayer_lowered:
.L_overlay_start_2:
0x31: {  	(tag) =	ssettag $0x2  }
0x32: {  	s0 =	rddreg [dreg:$0x0];
	s2 =	stileid.u32  }
0x33: {  	s1 =	rddreg [dreg:$0x1];
	p0 =	sne.s32 s2, $0x0  }
0x34: {  	s3 =	rddreg [dreg:$0x2];
	[bflag:$0x3] =	sbarrier.arrive $0xFFFF;
	s2 =	simm.s32 @!p0 $0x1C01  }
0x35: {  	[timem:s3], [sflag:s2] =	dma.local @!p0 [hbm:s0], s1  }
0x36: {  	s0 =	simm.s32 @!p0 $0x1  }
0x37: {  	_ =	swait.ge @!p0 [sflag:s0], s1  }
0x38: {  	s1 =	ssub.s32 @!p0 $0x0, s1;
	[sflag:s0] =	ssyncset.done @!p0 $0x0  }
0x39: {  	[sflag:s0] =	ssyncadd.s32 @!p0 s1  }
0x3a: {  	[bflag:$0x3] =	sbarrier.arrive $0xFFFF  }
0x3b: {  	_ =	shalt  }

// kernel: kernel.14.cloned.1.call-start
scs
__scs_entry_jumppad:
0x0: {  	(pc) =	sbr.rel $0x88, $3  }
0x1: {  	(tag) =	ssettag $0x0;
	lr =	simm.s32 $0x1  }
0x2: {  	[smem:$0x3F94] =	sst lr;
	_ =	strace $0xD0000000  }
0x3: {  	_ = 	snop  }
0x4: {  	_ = 	snop  }
0x5: {  	_ = 	snop  }
0x6: {  	_ = 	snop  }
0x7: {  	_ = 	snop  }
__scs_overlays_trampoline_lowered:
0x8: {  	[smem:$0x3FA3] =	sst s0  }
0x9: {  	[smem:$0x3FA4] =	sst s1  }
0xa: {  	[smem:$0x3FA5] =	sst s2  }
0xb: {  	[smem:$0x3FA6] =	sst s3  }
0xc: {  	[smem:$0x3FA7] =	sst s4  }
0xd: {  	[smem:$0x3FA8] =	sst s5  }
0xe: {  	[smem:$0x3FA9] =	sst s6  }
0xf: {  	[smem:$0x3FAA] =	sst s7  }
0x10: {  	[smem:$0x3FAB] =	sst s8  }
0x11: {  	[smem:$0x3FAC] =	sst s9;
	s0 =	simm.s32 @!p0 $0x0  }
0x12: {  	s1 =	sld [smem:$0x3F92];
	s0 =	simm.s32 @p0 $0x1  }
0x13: {  	[smem:$0x3FAD] =	sst s0;
	s0 =	simm.s32 @!p1 $0x0  }
0x14: {  	s2 =	sld [smem:$0x3F91];
	s0 =	simm.s32 @p1 $0x1  }
0x15: {  	[smem:$0x3FAE] =	sst s0;
	s0 =	simm.s32 @!p2 $0x0  }
0x16: {  	s3 =	sld [smem:$0x3FDB];
	s0 =	simm.s32 @p2 $0x1  }
0x17: {  	s4 =	simm.s32 $0x1BF5;
	[smem:$0x3FB0] =	sst s0  }
0x18: {  	s0 =	sld [smem:$0x3F93];
	_ =	swait.ge [sflag:s4], $0x0  }
0x19: {  	s7 =	sld [smem:$0x3F94]  }
0x1a: {  	s8 =	sadd.s32 $0xFFFFE003, lr  }
0x1b: {  	s9 =	sadd.s32 $0xFFFFFEF7, lr;
	s5 =	simm.s32 $0xFFFFFFFF;
	p2 =	slt.u32 s8, $0xFFFFF086  }
0x1c: {  	p1 =	slt.u32 s9, $0xF7A;
	s5 =	simm.s32 @!p2 $0x0  }
0x1d: {  	s5 =	simm.s32 @p1 $0x1;
	p0 =	seq.s32 s7, s2  }
0x1e: {  	s7 =	smul.u32 @!p0 $0xF7A, s2;
	p2 =	seq.s32 @!p0 s5, $0x0  }
0x1f: {  	s9 =	smul.u32 $0xF7A, s1;
	s8 =	simm.s32 @!p0 $0x1BF5;
	p2 =	por !p2, p0  }
0x20: {  	[sflag:s8] =	ssyncset.s32 @!p0 $0xFFFFF086;
	s6 =	sadd.s32 @!p0 s3, s7;
	s7 =	simm.s32 @!p0 $0x108  }
0x21: {  	s3 =	sadd.s32 s3, s9;
	s6 =	sadd.s32 @!p0 $0x88, s6;
	s7 =	simm.s32 @p2 $0x1082  }
0x22: {  	[simem:s7], [sflag:s8] =	dma.local @!p0 [hbm:s6], $0xF7A  }
0x23: {  	s9 =	sor.u32 $0xD0000000, s2;
	s6 =	simm.s32 $0x108;
	_ =	swait.ge @!p0 [sflag:s8], $0x0  }
0x24: {  	s3 =	sadd.s32 $0x88, s3;
	s6 =	simm.s32 @!p1 $0x1082;
	[sflag:s4] =	ssyncset.s32 $0xFFFFF086  }
0x25: {  	[simem:s6], [sflag:s4] =	dma.local [hbm:s3], $0xF7A  }
0x26: {  	[smem:$0x3F94] =	sst s1;
	(tag) =	ssettag s2;
	_ =	strace s9  }
0x27: {  	s1 =	sld [smem:$0x3FA4]  }
0x28: {  	s2 =	sld [smem:$0x3FA5]  }
0x29: {  	s4 =	sld [smem:$0x3FA7]  }
0x2a: {  	p0 =	seq.s32 s5, $0x0;
	s5 =	sld [smem:$0x3FA8]  }
0x2b: {  	s6 =	sld [smem:$0x3FA9]  }
0x2c: {  	s7 =	sld [smem:$0x3FAA]  }
0x2d: {  	s3 =	simm.s32 $0x108;
	s8 =	sld [smem:$0x3FAB]  }
0x2e: {  	s3 =	simm.s32 @!p0 $0x1082;
	s9 =	sld [smem:$0x3FAC]  }
0x2f: {  	lr =	sadd.s32 s0, s3;
	s0 =	sld [smem:$0x3FA3]  }
0x30: {  	s3 =	sld [smem:$0x3FA6]  }
0x31: {  	[smem:$0x3FAF] =	sst s10  }
0x32: {  	s10 =	sld [smem:$0x3FAD];
	_ =	sdelay $0x3  }
0x33: {  	p0 =	seq.s32 s10, $0x1;
	s10 =	sld [smem:$0x3FAF];
	_ =	sdelay $0x3  }
0x34: {  	[smem:$0x3FAF] =	sst s10  }
0x35: {  	s10 =	sld [smem:$0x3FAE];
	_ =	sdelay $0x3  }
0x36: {  	p1 =	seq.s32 s10, $0x1;
	s10 =	sld [smem:$0x3FAF];
	_ =	sdelay $0x3  }
0x37: {  	[smem:$0x3FAF] =	sst s10  }
0x38: {  	s10 =	sld [smem:$0x3FB0]  }
0x39: {  	_ = 	snop;
	(pc) =	sbr.ind lr, $3  }
0x3a: {  	_ = 	snop  }
0x3b: {  	_ = 	snop  }
0x3c: {  	p2 =	seq.s32 s10, $0x1;
	s10 =	sld [smem:$0x3FAF]  }
0x3d: {  	_ =	shalt  }
0x3e: {  	_ =	shalt  }
0x3f: {  	_ =	shalt  }
0x40: {  	_ =	shalt  }
0x41: {  	_ =	shalt  }
0x42: {  	_ =	shalt  }
0x43: {  	_ =	shalt  }
0x44: {  	_ =	shalt  }
0x45: {  	_ =	shalt  }
0x46: {  	_ =	shalt  }
0x47: {  	_ =	shalt  }
0x48: {  	_ =	shalt  }
0x49: {  	_ =	shalt  }
0x4a: {  	_ =	shalt  }
0x4b: {  	_ =	shalt  }
0x4c: {  	_ =	shalt  }
0x4d: {  	_ =	shalt  }
0x4e: {  	_ =	shalt  }
0x4f: {  	_ =	shalt  }
0x50: {  	_ =	shalt  }
0x51: {  	_ =	shalt  }
0x52: {  	_ =	shalt  }
0x53: {  	_ =	shalt  }
0x54: {  	_ =	shalt  }
0x55: {  	_ =	shalt  }
0x56: {  	_ =	shalt  }
0x57: {  	_ =	shalt  }
0x58: {  	_ =	shalt  }
0x59: {  	_ =	shalt  }
0x5a: {  	_ =	shalt  }
0x5b: {  	_ =	shalt  }
0x5c: {  	_ =	shalt  }
0x5d: {  	_ =	shalt  }
0x5e: {  	_ =	shalt  }
0x5f: {  	_ =	shalt  }
0x60: {  	_ =	shalt  }
0x61: {  	_ =	shalt  }
0x62: {  	_ =	shalt  }
0x63: {  	_ =	shalt  }
0x64: {  	_ =	shalt  }
0x65: {  	_ =	shalt  }
0x66: {  	_ =	shalt  }
0x67: {  	_ =	shalt  }
0x68: {  	_ =	shalt  }
0x69: {  	_ =	shalt  }
0x6a: {  	_ =	shalt  }
0x6b: {  	_ =	shalt  }
0x6c: {  	_ =	shalt  }
0x6d: {  	_ =	shalt  }
0x6e: {  	_ =	shalt  }
0x6f: {  	_ =	shalt  }
0x70: {  	_ =	shalt  }
0x71: {  	_ =	shalt  }
0x72: {  	_ =	shalt  }
0x73: {  	_ =	shalt  }
0x74: {  	_ =	shalt  }
0x75: {  	_ =	shalt  }
0x76: {  	_ =	shalt  }
0x77: {  	_ =	shalt  }
0x78: {  	_ =	shalt  }
0x79: {  	_ =	shalt  }
0x7a: {  	_ =	shalt  }
0x7b: {  	_ =	shalt  }
0x7c: {  	_ =	shalt  }
0x7d: {  	_ =	shalt  }
0x7e: {  	_ =	shalt  }
0x7f: {  	_ =	shalt  }
0x80: {  	_ =	shalt  }
0x81: {  	_ =	shalt  }
0x82: {  	_ =	shalt  }
0x83: {  	_ =	shalt  }
0x84: {  	_ =	shalt  }
0x85: {  	_ =	shalt  }
0x86: {  	_ =	shalt  }
0x87: {  	_ =	shalt  }
.Lfunc_end0:
.L_simem_size_0:
called_computation.1_lowered:
.L_overlay_start_0:
0x88: {  	s2 =	sld [smem:$0x3FD9]  }
0x89: {  	s3 =	sld [smem:$0x3FFE];
	_ =	sdelay $0x1  }
0x8a: {  	s1 =	srdreg.scid  }
0x8b: {  	s0 =	sand.u32 $0x1, s1  }
0x8c: {  	s16 =	sshll.u32 s0, $0xA;
	s2 =	sadd.s32 s3, s2  }
0x8d: {  	s2 =	sadd.s32 s2, s16  }
0x8e: {  	[smem:$0x3FBB] =	sst s2  }
0x8f: {  	_ = 	snop  }
0x90: {  	(tm) =	ssettm $0x1  }
0x91: {  	s17 =	sld [smem:$0x3FFB];
	_ =	sdelay $0x3  }
0x92: {  	_ =	strace s17  }
0x93: {  	s2 =	sld [smem:$0x3FFC];
	_ =	sdelay $0x3  }
0x94: {  	_ =	strace s2  }
0x95: {  	s2 =	sld [smem:$0x3FFD];
	_ =	sdelay $0x3  }
0x96: {  	_ =	strace s2  }
0x97: {  	_ =	strace $0x8FFFFFFF  }
0x98: {  	s18 =	sld [smem:$0x3FDB];
	_ =	sdelay $0x1  }
0x99: {  	s19 =	simm.s32 $_scs_section_size  }
0x9a: {  	s4 =	simm.s32 $_size__tile_overlayer_lowered;
	s5 =	simm.s32 $_tile_overlayer_lowered  }
0x9b: {  	s22 =	simm.s32 $0x1BFF;
	s21 =	sshll.u32 s5, $0x1;
	s2 =	sadd.s32 s19, s18  }
0x9c: {  	s6 =	simm.s32 $0x0;
	s20 =	sshll.u32 s4, $0x1;
	s4 =	sadd.s32 s21, s2  }
0x9d: {  	[timem:s6], [sflag:s22] =	dma.local [hbm:s4], s20  }
0x9e: {  	_ =	swait.ge [sflag:s22], s20  }
0x9f: {  	s3 =	ssub.s32 $0x0, s20;
	[sflag:s22] =	ssyncset.done $0x0  }
0xa0: {  	[sflag:s22] =	ssyncadd.s32 s3;
	_ =	sdelay $0x1  }
0xa1: {  	s23 =	simm.s32 $0x1B8B  }
0xa2: {  	_ =	swait.ge [sflag:s23], $0x1  }
0xa3: {  	[sflag:s23] =	ssyncset.done $0x0  }
0xa4: {  	s25 =	simm.s32 $0x1B8E;
	s24 =	sld [smem:$0x3FFE];
	[sflag:s23] =	ssyncadd.s32 $0xFFFFFFFF  }
0xa5: {  	s26 =	simm.s32 $execute0_lowered;
	[smem:$0x3FD2] =	sst s25  }
0xa6: {  	s4 =	sshll.u32 s26, $0x1;
	_ =	strace $0x80000049;
	[dreg:$0x1] =	wrdreg $0xFFFFFFFF  }
0xa7: {  	s28 =	simm.s32 $_size_execute0_lowered;
	s2 =	sadd.s32 s2, s4;
	[dreg:$0x0] =	wrdreg $0x0  }
0xa8: {  	s4 =	sshll.u32 s28, $0x1;
	[dreg:$0x2] =	wrdreg s2  }
0xa9: {  	[dreg:$0x3] =	wrdreg s4  }
0xaa: {  	[dreg:$0x4] =	wrdreg $0xC0  }
0xab: {  	_ =	task [dreg:s6], $0x5FFFF  }
0xac: {  	[dreg:$0x1] =	wrdreg $0xFFFFFFFF  }
0xad: {  	[dreg:$0x0] =	wrdreg $0x60  }
0xae: {  	[dreg:$0x2] =	wrdreg s24  }
0xaf: {  	[dreg:$0x3] =	wrdreg $0xB9000  }
0xb0: {  	[dreg:$0x4] =	wrdreg $0x9  }
0xb1: {  	_ =	task.clear_ibuf [dreg:s6], $0x5FFFF;
	_ =	strace $0x90000049  }
0xb2: {  	s29 =	simm.s32 $0x9;
	_ =	strace $0x8000004B  }
0xb3: {  	_ =	swait.ge [sflag:s29], $0x1  }
0xb4: {  	[sflag:s29] =	ssyncadd.s32 $0xFFFFFFFF  }
0xb5: {  	_ =	strace $0x9000004B  }
0xb6: {  	_ =	sfence  }
0xb7: {  	s30 =	sld [smem:$0x0];
	_ =	sdelay $0x2  }
0xb8: {  	s31 =	sshll.u32 s1, $0xD;
	s1 =	sshrl.u32 s1, $0x2  }
0xb9: {  	s3 =	sand.u32 $0x4000, s31;
	s1 =	sadd.s32 s1, s30  }
0xba: {  	s0 =	sor.u32 s3, s0;
	s1 =	sshll.u32 s1, $0x11  }
0xbb: {  	s0 =	sor.u32 s1, s0  }
0xbc: {  	s0 =	sadd.s32 $0x8F2B, s0  }
0xbd: {  	[sflag:s0] =	ssyncadd.remote.s32 $0x1  }
0xbe: {  	_ =	sfence.sel $0xFFFF  }
0xbf: {  	[dreg:$0x0] =	wrdreg $0xFFFFFFFF;
	(pc) =	sbr.abs _section_cstart, $3  }
0xc0: {  	[dreg:$0x1] =	wrdreg $0xFFFFFFFF  }
0xc1: {  	_ =	task.clear_ibuf [dreg:s6], $0x2FFFF;
	_ =	strace $0x9FFFFFFF  }
0xc2: {  	(tm) =	ssettm $0x7FFFFFFF  }
0xc3: {  	_ =	shalt  }
tec
execute0_lowered:
.L_overlay_start_1:
0x0: {  	(tag) =	ssettag $0x1  }
0x1: {  	s0 =	srdreg.scid;
	s6 =	rddreg [dreg:$0x0]  }
0x2: {  	s16 =	stileid.u32;
	s2 =	rddreg [dreg:$0x1]  }
0x3: {  	s3 =	simm.s32 $0x0;
	s15 =	simm.s32 $0x5;
	s7 =	smul.u32 $0x13C00, s16  }
0x4: {  	s28 =	simm.s32 $0x4;
	s29 =	simm.s32 $0x0;
	s11 =	smul.u32 $0x4F000, s16  }
0x5: {  	s0 =	sand.u32 $0x1, s0;
	[smem:$0x7FF] =	sst s3;
	s21 =	smul.u32 $0x3600, s16  }
0x6: {  	s14 =	sadd.s32 $0x5F400, s6;
	s17 =	sadd.s32 $0xD400, s6;
	s26 =	smul.u32 $0x6C0, s16  }
0x7: {  	s31 =	sshll.u32 s16, $0x6;
	s1 =	sshll.u32 s0, $0x4;
	s5 =	smul.u32 $0x13C000, s0  }
0x8: {  	_ =	strace $0x8000004A;
	[dreg:$0x3] =	wrdreg s17;
	s13 =	smul.u32 $0x36000, s0  }
0x9: {  	s9 =	ssub.s32 $0x2, s0;
	p0 =	seq.s32 s0, $0x0;
	s0 =	smul.u32 $0x6C00, s0  }
0xa: {  	s1 =	sor.u32 s16, s1;
	s18 =	sshrl.u32 s9, $0x1;
	s20 =	sshrl.u32 s11, $0x2  }
0xb: {  	s16 =	sor.u32 $0x1C05, s31;
	s4 =	smul.u32 $0x700, s1;
	s7 =	sadd.s32 s7, s5  }
0xc: {  	s1 =	smul.u32 $0x6C0, s1;
	s12 =	ssub.s32 s9, s18;
	s17 =	sadd.s32 s20, s2  }
0xd: {  	s22 =	sadd.s32 s21, s13;
	s0 =	sadd.s32 s0, s14;
	s18 =	simm.s32 $0x80  }
0xe: {  	s20 =	simm.s32 $0x3800;
	s21 =	simm.s32 $0x7900;
	s7 =	sshrl.u32 s7, $0x3  }
0xf: {  	s25 =	sadd.s32 $0x200, s22;
	s0 =	sadd.s32 s26, s0;
	s17 =	sshrl.u32 s17, $0x3  }
0x10: {  	s26 =	simm.s32 $0x2;
	s8 =	sadd.s32 s4, s6;
	s4 =	sadd.s32 $0xFC00, s6  }
0x11: {  	s10 =	sadd.s32 s7, s6;
	s6 =	simm.s32 $0x6C;
	s13 =	sadd.s32 $0x10, s0  }
0x12: {  	s6 =	simm.s32 @!p0 $0x32;
	s19 =	sadd.s32 $0x6CC00, s8;
	s8 =	sadd.s32 s14, s1  }
0x13: {  	s9 =	sadd.s32 $0x7AC00, s10;
	s10 =	smax.u32 s12, $0x1;
	s12 =	sshrl.u32 s25, $0x3  }
0x14: {  	s1 =	sor.u32 $0x100, s22;
	s22 =	simm.s32 $0x3880;
	s25 =	simm.s32 $0x3  }
0x15: {  	[dreg:$0x4] =	wrdreg s19;
	s23 =	sshll.u32 s6, $0x4;
	s12 =	sadd.s32 s12, s14  }
0x16: {  	s30 =	sshrl.u32 s1, $0x3;
	s19 =	simm.s32 $0x3900;
	s11 =	sadd.s32 $0xFFFFFFE0, s23  }
0x17: {  	s12 =	sadd.s32 $0xFFFFFFE0, s12;
	s14 =	sadd.s32 s30, s14;
	s23 =	simm.s32 $0x1  }
.LBB2_1:
0x18: {  	s0 =	rddreg [dreg:$0x4]  }
0x19: {  	[tilespmem:s3], [sflag:$0x5] =	stream.linear.gather [hbm4b:s0+s3], $0x3600, $0x38;
	[tilespmem:$0x1F500] =	vst v63  }
0x1a: {  	_ =	swait.ge [sflag:s15], $0x3600  }
0x1b: {  	[sflag:s15] =	ssyncset.done $0x0  }
0x1c: {  	s31 =	rddreg [dreg:$0x3];
	[sflag:s15] =	ssyncadd.s32 $0xFFFFCA00  }
0x1d: {  	[spmem:s17], [sflag:s16] =	dma.local [hbm:s31], $0x2780  }
0x1e: {  	_ =	swait.ge [sflag:s15], $0x2780  }
0x1f: {  	p1 =	sne.s32 s11, $0x20;
	[sflag:s15] =	ssyncset.done $0x0  }
.Ltmp0:
0x20: {  	[sflag:s15] =	ssyncadd.s32 $0xFFFFD880;
	(pc) =	sbr.rel @!p1 .LBB2_2-.Ltmp0, $4  }
0x21: {  	[bflag:$0x0] =	sbarrier.arrive $0xFFFF  }
0x22: {  	[tilespmem:s19], [sflag:$0x1] =	stream.indirect.gather [hbm4b:s4+s18], $0x80, s3, s18, $0xb8;
	[tilespmem:$0x1F500] =	vst v63  }
0x23: {  	s30 =	simm.s32 $0x100;
	s1 =	simm.s32 $0x20;
	p0 =	por $0x0, $0x0  }
0x24: {  	[tilespmem:s20], [sflag:$0x3] =	stream.linear.gather [hbm4b:s8+s3], $0x80, $0x38;
	[tilespmem:$0x1F500] =	vst v63  }
0x25: {  	s0 =	simm.s32 $0x80  }
0x26: {  	[tilespmem:s21], [sflag:$0x2] =	stream.indirect.gather [hbm4b:s4+s18], $0x80, s0, s18, $0xb8;
	[tilespmem:$0x1F500] =	vst v63  }
0x27: {  	s7 =	sadd.s32 $0x0, s13  }
0x28: {  	[tilespmem:s22], [sflag:$0x4] =	stream.linear.gather [hbm4b:s7+s3], $0x80, $0x38;
	[tilespmem:$0x1F500] =	vst v63  }
0x29: {  	_ =	swait.ge [sflag:s23], $0x4000  }
0x2a: {  	[sflag:s23] =	ssyncset.done $0x0  }
0x2b: {  	[sflag:s23] =	ssyncadd.s32 $0xFFFFC000  }
0x2c: {  	_ =	swait.ge [sflag:s25], $0x80  }
0x2d: {  	[sflag:s25] =	ssyncset.done $0x0  }
0x2e: {  	[sflag:s25] =	ssyncadd.s32 $0xFFFFFF80  }
0x2f: {  	[spmem:s2] =	stream.indirect.scatter.add.f32 [tilespmem:s19], [sflag:$0x5], $0x80, s20, s18, $0xb8;
	[tilespmem:$0x1F500] =	vst v63  }
0x30: {  	_ =	swait.ge [sflag:s15], $0x4000  }
0x31: {  	p0 =	sle.u32 s6, $0x2;
	[sflag:s15] =	ssyncset.done $0x0  }
0x32: {  	s0 =	simm.s32 @!p0 $0x80;
	s31 =	simm.s32 @!p0 $0x3900;
	[sflag:s15] =	ssyncadd.s32 $0xFFFFC000  }
0x33: {  	[tilespmem:s31], [sflag:$0x1] =	stream.indirect.gather @!p0 [hbm4b:s4+s0], $0x80, s30, s0, $0xb8;
	[tilespmem:$0x1F500] =	vst v63  }
0x34: {  	s0 =	sadd.s32 @!p0 $0x0, s14;
	s30 =	simm.s32 @!p0 $0x0;
	s31 =	simm.s32 @!p0 $0x3800  }
0x35: {  	[tilespmem:s31], [sflag:$0x3] =	stream.linear.gather @!p0 [hbm4b:s0+s30], $0x80, $0x38;
	[tilespmem:$0x1F500] =	vst v63  }
0x36: {  	_ =	swait.ge [sflag:s26], $0x4000  }
0x37: {  	[sflag:s26] =	ssyncset.done $0x0  }
0x38: {  	[sflag:s26] =	ssyncadd.s32 $0xFFFFC000  }
0x39: {  	p1 =	sne.s32 s11, $0x40;
	_ =	swait.ge [sflag:s28], $0x80  }
.Ltmp1:
0x3a: {  	[sflag:s28] =	ssyncset.done $0x0;
	(pc) =	sbr.rel @!p1 .LBB2_6-.Ltmp1, $4  }
0x3b: {  	[sflag:s28] =	ssyncadd.s32 $0xFFFFFF80  }
0x3c: {  	[spmem:s2] =	stream.indirect.scatter.add.f32 [tilespmem:s21], [sflag:$0x5], $0x80, s22, s18, $0xb8;
	[tilespmem:$0x1F500] =	vst v63  }
0x3d: {  	s31 =	simm.s32 $0x40;
	s30 =	simm.s32 $0x200;
	_ =	swait.ge [sflag:s15], $0x4000  }
0x3e: {  	s0 =	simm.s32 $0x4;
	p0 =	por $0x1, $0x1;
	[sflag:s15] =	ssyncset.done $0x0  }
.LBB2_4:
0x3f: {  	s24 =	sadd.s32 $0xFFFFFF80, s30  }
0x40: {  	[sflag:s15] =	ssyncadd.s32 $0xFFFFC000;
	s5 =	smov.u32 s31;
	s31 =	sadd.s32 $0x20, s31  }
0x41: {  	[tilespmem:s21], [sflag:$0x2] =	stream.indirect.gather [hbm4b:s4+s18], $0x80, s24, s18, $0xb8;
	[tilespmem:$0x1F500] =	vst v63  }
0x42: {  	p1 =	sne.s32 s11, s31;
	s24 =	sadd.s32 s1, s13  }
0x43: {  	[tilespmem:s22], [sflag:$0x4] =	stream.linear.gather [hbm4b:s24+s3], $0x80, $0x38;
	[tilespmem:$0x1F500] =	vst v63  }
0x44: {  	_ =	swait.ge [sflag:s23], $0x4000  }
0x45: {  	[sflag:s23] =	ssyncset.done $0x0  }
0x46: {  	[sflag:s23] =	ssyncadd.s32 $0xFFFFC000  }
0x47: {  	_ =	swait.ge [sflag:s25], $0x80  }
0x48: {  	[sflag:s25] =	ssyncset.done $0x0  }
0x49: {  	[sflag:s25] =	ssyncadd.s32 $0xFFFFFF80  }
0x4a: {  	[spmem:s2] =	stream.indirect.scatter.add.f32 [tilespmem:s19], [sflag:$0x5], $0x80, s20, s18, $0xb8;
	[tilespmem:$0x1F500] =	vst v63  }
0x4b: {  	_ =	swait.ge [sflag:s15], $0x4000  }
0x4c: {  	p2 =	sge.u32 s0, s6;
	[sflag:s15] =	ssyncset.done $0x0  }
0x4d: {  	s7 =	simm.s32 @!p2 $0x3900;
	s24 =	simm.s32 @!p2 $0x80;
	[sflag:s15] =	ssyncadd.s32 $0xFFFFC000  }
0x4e: {  	[tilespmem:s7], [sflag:$0x1] =	stream.indirect.gather @!p2 [hbm4b:s4+s24], $0x80, s30, s24, $0xb8;
	[tilespmem:$0x1F500] =	vst v63  }
0x4f: {  	s1 =	sadd.s32 @!p2 s1, s14;
	s7 =	simm.s32 @!p2 $0x0;
	s24 =	simm.s32 @!p2 $0x3800  }
0x50: {  	[tilespmem:s24], [sflag:$0x3] =	stream.linear.gather @!p2 [hbm4b:s1+s7], $0x80, $0x38;
	[tilespmem:$0x1F500] =	vst v63  }
0x51: {  	s1 =	smov.u32 s5;
	_ =	swait.ge [sflag:s26], $0x4000  }
0x52: {  	[sflag:s26] =	ssyncset.done $0x0  }
0x53: {  	[sflag:s26] =	ssyncadd.s32 $0xFFFFC000  }
0x54: {  	_ =	swait.ge [sflag:s28], $0x80  }
.Ltmp2:
0x55: {  	[sflag:s28] =	ssyncset.done $0x0;
	(pc) =	sbr.rel @p1 .LBB2_4-.Ltmp2, $4  }
0x56: {  	[sflag:s28] =	ssyncadd.s32 $0xFFFFFF80  }
0x57: {  	[spmem:s2] =	stream.indirect.scatter.add.f32 [tilespmem:s21], [sflag:$0x5], $0x80, s22, s18, $0xb8;
	[tilespmem:$0x1F500] =	vst v63  }
0x58: {  	s24 =	sadd.s32 $0x100, s30;
	_ =	swait.ge [sflag:s15], $0x4000  }
0x59: {  	s0 =	sadd.s32 $0x2, s0;
	s30 =	smov.u32 s24;
	[sflag:s15] =	ssyncset.done $0x0  }
0x5a: {  	s30 =	smov.u32 s24  }
.LBB2_6:
0x5b: {  	s5 =	sadd.s32 $0xFFFFFF80, s30;
	[sflag:s15] =	ssyncadd.s32 @p0 $0xFFFFC000  }
0x5c: {  	[tilespmem:s21], [sflag:$0x2] =	stream.indirect.gather [hbm4b:s4+s18], $0x80, s5, s18, $0xb8;
	[tilespmem:$0x1F500] =	vst v63  }
0x5d: {  	s7 =	sadd.s32 s1, s13  }
0x5e: {  	[tilespmem:s22], [sflag:$0x4] =	stream.linear.gather [hbm4b:s7+s3], $0x80, $0x38;
	[tilespmem:$0x1F500] =	vst v63  }
0x5f: {  	_ =	swait.ge [sflag:s23], $0x4000  }
0x60: {  	[sflag:s23] =	ssyncset.done $0x0  }
0x61: {  	[sflag:s23] =	ssyncadd.s32 $0xFFFFC000  }
0x62: {  	_ =	swait.ge [sflag:s25], $0x80  }
0x63: {  	[sflag:s25] =	ssyncset.done $0x0  }
0x64: {  	[sflag:s25] =	ssyncadd.s32 $0xFFFFFF80  }
0x65: {  	[spmem:s2] =	stream.indirect.scatter.add.f32 [tilespmem:s19], [sflag:$0x5], $0x80, s20, s18, $0xb8;
	[tilespmem:$0x1F500] =	vst v63  }
0x66: {  	_ =	swait.ge [sflag:s15], $0x4000  }
0x67: {  	p0 =	sge.u32 s0, s6;
	[sflag:s15] =	ssyncset.done $0x0  }
0x68: {  	s5 =	simm.s32 @!p0 $0x80;
	s7 =	simm.s32 @!p0 $0x3900;
	[sflag:s15] =	ssyncadd.s32 $0xFFFFC000  }
0x69: {  	[tilespmem:s7], [sflag:$0x1] =	stream.indirect.gather @!p0 [hbm4b:s4+s5], $0x80, s30, s5, $0xb8;
	[tilespmem:$0x1F500] =	vst v63  }
0x6a: {  	s1 =	sadd.s32 @!p0 s1, s14;
	s5 =	simm.s32 @!p0 $0x0;
	s7 =	simm.s32 @!p0 $0x3800  }
0x6b: {  	[tilespmem:s7], [sflag:$0x3] =	stream.linear.gather @!p0 [hbm4b:s1+s5], $0x80, $0x38;
	[tilespmem:$0x1F500] =	vst v63  }
0x6c: {  	_ =	swait.ge [sflag:s26], $0x4000  }
0x6d: {  	[sflag:s26] =	ssyncset.done $0x0  }
0x6e: {  	[sflag:s26] =	ssyncadd.s32 $0xFFFFC000  }
0x6f: {  	_ =	swait.ge [sflag:s28], $0x80  }
0x70: {  	[sflag:s28] =	ssyncset.done $0x0  }
0x71: {  	[sflag:s28] =	ssyncadd.s32 $0xFFFFFF80  }
0x72: {  	[spmem:s2] =	stream.indirect.scatter.add.f32 [tilespmem:s21], [sflag:$0x5], $0x80, s22, s18, $0xb8;
	[tilespmem:$0x1F500] =	vst v63  }
0x73: {  	_ =	swait.ge [sflag:s15], $0x4000  }
0x74: {  	[sflag:s15] =	ssyncset.done $0x0  }
0x75: {  	s7 =	sadd.s32 $0x80, s24;
	[sflag:s15] =	ssyncadd.s32 $0xFFFFC000  }
0x76: {  	[tilespmem:s21], [sflag:$0x2] =	stream.indirect.gather [hbm4b:s4+s18], $0x80, s7, s18, $0xb8;
	[tilespmem:$0x1F500] =	vst v63  }
0x77: {  	s5 =	sadd.s32 s31, s13  }
0x78: {  	[tilespmem:s22], [sflag:$0x4] =	stream.linear.gather [hbm4b:s5+s3], $0x80, $0x38;
	[tilespmem:$0x1F500] =	vst v63  }
0x79: {  	_ =	swait.ge [sflag:s23], $0x4000  }
0x7a: {  	[sflag:s23] =	ssyncset.done $0x0  }
0x7b: {  	[sflag:s23] =	ssyncadd.s32 $0xFFFFC000  }
0x7c: {  	_ =	swait.ge [sflag:s25], $0x80  }
0x7d: {  	[sflag:s25] =	ssyncset.done $0x0  }
0x7e: {  	[sflag:s25] =	ssyncadd.s32 $0xFFFFFF80  }
0x7f: {  	[spmem:s2] =	stream.indirect.scatter.add.f32 [tilespmem:s19], [sflag:$0x5], $0x80, s20, s18, $0xb8;
	[tilespmem:$0x1F500] =	vst v63  }
0x80: {  	s7 =	sadd.s32 $0x2, s0;
	_ =	swait.ge [sflag:s15], $0x4000  }
0x81: {  	s1 =	sadd.s32 $0x100, s30;
	p0 =	sge.u32 s7, s6;
	[sflag:s15] =	ssyncset.done $0x0  }
0x82: {  	s0 =	simm.s32 @!p0 $0x80;
	s5 =	simm.s32 @!p0 $0x3900;
	[sflag:s15] =	ssyncadd.s32 $0xFFFFC000  }
0x83: {  	[tilespmem:s5], [sflag:$0x1] =	stream.indirect.gather @!p0 [hbm4b:s4+s0], $0x80, s1, s0, $0xb8;
	[tilespmem:$0x1F500] =	vst v63  }
0x84: {  	s0 =	sadd.s32 @!p0 s31, s12;
	s1 =	simm.s32 @!p0 $0x0;
	s5 =	simm.s32 @!p0 $0x3800  }
0x85: {  	[tilespmem:s5], [sflag:$0x3] =	stream.linear.gather @!p0 [hbm4b:s0+s1], $0x80, $0x38;
	[tilespmem:$0x1F500] =	vst v63  }
0x86: {  	_ =	swait.ge [sflag:s26], $0x4000  }
0x87: {  	[sflag:s26] =	ssyncset.done $0x0  }
0x88: {  	[sflag:s26] =	ssyncadd.s32 $0xFFFFC000  }
0x89: {  	_ =	swait.ge [sflag:s28], $0x80  }
0x8a: {  	[sflag:s28] =	ssyncset.done $0x0  }
0x8b: {  	[sflag:s28] =	ssyncadd.s32 $0xFFFFFF80  }
0x8c: {  	[spmem:s2] =	stream.indirect.scatter.add.f32 [tilespmem:s21], [sflag:$0x5], $0x80, s22, s18, $0xb8;
	[tilespmem:$0x1F500] =	vst v63  }
0x8d: {  	_ =	swait.ge [sflag:s15], $0x4000  }
0x8e: {  	[sflag:s15] =	ssyncset.done $0x0  }
0x8f: {  	s29 =	sadd.s32 $0x1, s29;
	[sflag:s15] =	ssyncadd.s32 $0xFFFFC000  }
0x90: {  	p0 =	sne.s32 s29, s10;
	[bflag:$0x0] =	sbarrier.arrive $0xFFFF  }
0x91: {  	[hbm:s9], [sflag:s16] =	dma.local [spmem:s17], $0x2780  }
.Ltmp3:
0x92: {  	_ = 	snop;
	(pc) =	sbr.rel @p0 .LBB2_1-.Ltmp3, $4  }
.Ltmp4:
0x93: {  	_ = 	snop;
	(pc) =	sbr.rel @!p0 .LBB2_7-.Ltmp4, $4  }
0x94: {  	_ =	swait.ge [sflag:s15], $0x2780  }
0x95: {  	[sflag:s15] =	ssyncset.done $0x0  }
0x96: {  	[sflag:s15] =	ssyncadd.s32 $0xFFFFD880  }
0x97: {  	_ = 	snop  }
.LBB2_2:
.Ltmp5:
0x98: {  	(pc) =	sbr.rel .LBB2_6-.Ltmp5, $2  }
0x99: {  	_ =	sdelay $0x2  }
0x9a: {  	s31 =	simm.s32 $0x20;
	s1 =	simm.s32 $0x0;
	s0 =	simm.s32 $0x2  }
.LBB2_7:
0x9b: {  	_ =	sfence.sel $0x180000  }
0x9c: {  	[bflag:$0x0] =	sbarrier.arrive $0xFFFF  }
0x9d: {  	_ =	strace $0x9000004A  }
0x9e: {  	s0 =	stileid.u32;
	[bflag:$0x2] =	sbarrier.arrive $0xFFFF  }
0x9f: {  	p0 =	sne.s32 s0, $0x0;
	s0 =	rddreg [dreg:$0x2]  }
0xa0: {  	s0 =	sadd.s32 @!p0 $0x100000, s0  }
0xa1: {  	[sflag:s0] =	ssyncadd.tile.s32 @!p0 $0x1;
	_ =	shalt  }
.Lfunc_end2:
_tile_overlayer_lowered:
.L_overlay_start_2:
0xa2: {  	(tag) =	ssettag $0x2  }
0xa3: {  	s0 =	rddreg [dreg:$0x0];
	s2 =	stileid.u32  }
0xa4: {  	s1 =	rddreg [dreg:$0x1];
	p0 =	sne.s32 s2, $0x0  }
0xa5: {  	s3 =	rddreg [dreg:$0x2];
	[bflag:$0x3] =	sbarrier.arrive $0xFFFF;
	s2 =	simm.s32 @!p0 $0x1C05  }
0xa6: {  	[timem:s3], [sflag:s2] =	dma.local @!p0 [hbm:s0], s1  }
0xa7: {  	s0 =	simm.s32 @!p0 $0x5  }
0xa8: {  	_ =	swait.ge @!p0 [sflag:s0], s1  }
0xa9: {  	s1 =	ssub.s32 @!p0 $0x0, s1;
	[sflag:s0] =	ssyncset.done @!p0 $0x0  }
0xaa: {  	[sflag:s0] =	ssyncadd.s32 @!p0 s1  }
0xab: {  	[bflag:$0x3] =	sbarrier.arrive $0xFFFF  }
0xac: {  	_ =	shalt  }

// kernel: kernel.17.cloned.1.call-start
scs
__scs_entry_jumppad:
0x0: {  	(pc) =	sbr.rel $0x88, $3  }
0x1: {  	(tag) =	ssettag $0x0;
	lr =	simm.s32 $0x1  }
0x2: {  	[smem:$0x3F94] =	sst lr;
	_ =	strace $0xD0000000  }
0x3: {  	_ = 	snop  }
0x4: {  	_ = 	snop  }
0x5: {  	_ = 	snop  }
0x6: {  	_ = 	snop  }
0x7: {  	_ = 	snop  }
__scs_overlays_trampoline_lowered:
0x8: {  	[smem:$0x3FA3] =	sst s0  }
0x9: {  	[smem:$0x3FA4] =	sst s1  }
0xa: {  	[smem:$0x3FA5] =	sst s2  }
0xb: {  	[smem:$0x3FA6] =	sst s3  }
0xc: {  	[smem:$0x3FA7] =	sst s4  }
0xd: {  	[smem:$0x3FA8] =	sst s5  }
0xe: {  	[smem:$0x3FA9] =	sst s6  }
0xf: {  	[smem:$0x3FAA] =	sst s7  }
0x10: {  	[smem:$0x3FAB] =	sst s8  }
0x11: {  	[smem:$0x3FAC] =	sst s9;
	s0 =	simm.s32 @!p0 $0x0  }
0x12: {  	s1 =	sld [smem:$0x3F92];
	s0 =	simm.s32 @p0 $0x1  }
0x13: {  	[smem:$0x3FAD] =	sst s0;
	s0 =	simm.s32 @!p1 $0x0  }
0x14: {  	s2 =	sld [smem:$0x3F91];
	s0 =	simm.s32 @p1 $0x1  }
0x15: {  	[smem:$0x3FAE] =	sst s0;
	s0 =	simm.s32 @!p2 $0x0  }
0x16: {  	s3 =	sld [smem:$0x3FDB];
	s0 =	simm.s32 @p2 $0x1  }
0x17: {  	s4 =	simm.s32 $0x1BF5;
	[smem:$0x3FB0] =	sst s0  }
0x18: {  	s0 =	sld [smem:$0x3F93];
	_ =	swait.ge [sflag:s4], $0x0  }
0x19: {  	s7 =	sld [smem:$0x3F94]  }
0x1a: {  	s8 =	sadd.s32 $0xFFFFE003, lr  }
0x1b: {  	s9 =	sadd.s32 $0xFFFFFEF7, lr;
	s5 =	simm.s32 $0xFFFFFFFF;
	p2 =	slt.u32 s8, $0xFFFFF086  }
0x1c: {  	p1 =	slt.u32 s9, $0xF7A;
	s5 =	simm.s32 @!p2 $0x0  }
0x1d: {  	s5 =	simm.s32 @p1 $0x1;
	p0 =	seq.s32 s7, s2  }
0x1e: {  	s7 =	smul.u32 @!p0 $0xF7A, s2;
	p2 =	seq.s32 @!p0 s5, $0x0  }
0x1f: {  	s9 =	smul.u32 $0xF7A, s1;
	s8 =	simm.s32 @!p0 $0x1BF5;
	p2 =	por !p2, p0  }
0x20: {  	[sflag:s8] =	ssyncset.s32 @!p0 $0xFFFFF086;
	s6 =	sadd.s32 @!p0 s3, s7;
	s7 =	simm.s32 @!p0 $0x108  }
0x21: {  	s3 =	sadd.s32 s3, s9;
	s6 =	sadd.s32 @!p0 $0x88, s6;
	s7 =	simm.s32 @p2 $0x1082  }
0x22: {  	[simem:s7], [sflag:s8] =	dma.local @!p0 [hbm:s6], $0xF7A  }
0x23: {  	s9 =	sor.u32 $0xD0000000, s2;
	s6 =	simm.s32 $0x108;
	_ =	swait.ge @!p0 [sflag:s8], $0x0  }
0x24: {  	s3 =	sadd.s32 $0x88, s3;
	s6 =	simm.s32 @!p1 $0x1082;
	[sflag:s4] =	ssyncset.s32 $0xFFFFF086  }
0x25: {  	[simem:s6], [sflag:s4] =	dma.local [hbm:s3], $0xF7A  }
0x26: {  	[smem:$0x3F94] =	sst s1;
	(tag) =	ssettag s2;
	_ =	strace s9  }
0x27: {  	s1 =	sld [smem:$0x3FA4]  }
0x28: {  	s2 =	sld [smem:$0x3FA5]  }
0x29: {  	s4 =	sld [smem:$0x3FA7]  }
0x2a: {  	p0 =	seq.s32 s5, $0x0;
	s5 =	sld [smem:$0x3FA8]  }
0x2b: {  	s6 =	sld [smem:$0x3FA9]  }
0x2c: {  	s7 =	sld [smem:$0x3FAA]  }
0x2d: {  	s3 =	simm.s32 $0x108;
	s8 =	sld [smem:$0x3FAB]  }
0x2e: {  	s3 =	simm.s32 @!p0 $0x1082;
	s9 =	sld [smem:$0x3FAC]  }
0x2f: {  	lr =	sadd.s32 s0, s3;
	s0 =	sld [smem:$0x3FA3]  }
0x30: {  	s3 =	sld [smem:$0x3FA6]  }
0x31: {  	[smem:$0x3FAF] =	sst s10  }
0x32: {  	s10 =	sld [smem:$0x3FAD];
	_ =	sdelay $0x3  }
0x33: {  	p0 =	seq.s32 s10, $0x1;
	s10 =	sld [smem:$0x3FAF];
	_ =	sdelay $0x3  }
0x34: {  	[smem:$0x3FAF] =	sst s10  }
0x35: {  	s10 =	sld [smem:$0x3FAE];
	_ =	sdelay $0x3  }
0x36: {  	p1 =	seq.s32 s10, $0x1;
	s10 =	sld [smem:$0x3FAF];
	_ =	sdelay $0x3  }
0x37: {  	[smem:$0x3FAF] =	sst s10  }
0x38: {  	s10 =	sld [smem:$0x3FB0]  }
0x39: {  	_ = 	snop;
	(pc) =	sbr.ind lr, $3  }
0x3a: {  	_ = 	snop  }
0x3b: {  	_ = 	snop  }
0x3c: {  	p2 =	seq.s32 s10, $0x1;
	s10 =	sld [smem:$0x3FAF]  }
0x3d: {  	_ =	shalt  }
0x3e: {  	_ =	shalt  }
0x3f: {  	_ =	shalt  }
0x40: {  	_ =	shalt  }
0x41: {  	_ =	shalt  }
0x42: {  	_ =	shalt  }
0x43: {  	_ =	shalt  }
0x44: {  	_ =	shalt  }
0x45: {  	_ =	shalt  }
0x46: {  	_ =	shalt  }
0x47: {  	_ =	shalt  }
0x48: {  	_ =	shalt  }
0x49: {  	_ =	shalt  }
0x4a: {  	_ =	shalt  }
0x4b: {  	_ =	shalt  }
0x4c: {  	_ =	shalt  }
0x4d: {  	_ =	shalt  }
0x4e: {  	_ =	shalt  }
0x4f: {  	_ =	shalt  }
0x50: {  	_ =	shalt  }
0x51: {  	_ =	shalt  }
0x52: {  	_ =	shalt  }
0x53: {  	_ =	shalt  }
0x54: {  	_ =	shalt  }
0x55: {  	_ =	shalt  }
0x56: {  	_ =	shalt  }
0x57: {  	_ =	shalt  }
0x58: {  	_ =	shalt  }
0x59: {  	_ =	shalt  }
0x5a: {  	_ =	shalt  }
0x5b: {  	_ =	shalt  }
0x5c: {  	_ =	shalt  }
0x5d: {  	_ =	shalt  }
0x5e: {  	_ =	shalt  }
0x5f: {  	_ =	shalt  }
0x60: {  	_ =	shalt  }
0x61: {  	_ =	shalt  }
0x62: {  	_ =	shalt  }
0x63: {  	_ =	shalt  }
0x64: {  	_ =	shalt  }
0x65: {  	_ =	shalt  }
0x66: {  	_ =	shalt  }
0x67: {  	_ =	shalt  }
0x68: {  	_ =	shalt  }
0x69: {  	_ =	shalt  }
0x6a: {  	_ =	shalt  }
0x6b: {  	_ =	shalt  }
0x6c: {  	_ =	shalt  }
0x6d: {  	_ =	shalt  }
0x6e: {  	_ =	shalt  }
0x6f: {  	_ =	shalt  }
0x70: {  	_ =	shalt  }
0x71: {  	_ =	shalt  }
0x72: {  	_ =	shalt  }
0x73: {  	_ =	shalt  }
0x74: {  	_ =	shalt  }
0x75: {  	_ =	shalt  }
0x76: {  	_ =	shalt  }
0x77: {  	_ =	shalt  }
0x78: {  	_ =	shalt  }
0x79: {  	_ =	shalt  }
0x7a: {  	_ =	shalt  }
0x7b: {  	_ =	shalt  }
0x7c: {  	_ =	shalt  }
0x7d: {  	_ =	shalt  }
0x7e: {  	_ =	shalt  }
0x7f: {  	_ =	shalt  }
0x80: {  	_ =	shalt  }
0x81: {  	_ =	shalt  }
0x82: {  	_ =	shalt  }
0x83: {  	_ =	shalt  }
0x84: {  	_ =	shalt  }
0x85: {  	_ =	shalt  }
0x86: {  	_ =	shalt  }
0x87: {  	_ =	shalt  }
.Lfunc_end0:
.L_simem_size_0:
called_computation.2_lowered:
.L_overlay_start_0:
0x88: {  	s2 =	sld [smem:$0x3FD9]  }
0x89: {  	s3 =	sld [smem:$0x3FFE];
	_ =	sdelay $0x1  }
0x8a: {  	s1 =	srdreg.scid  }
0x8b: {  	s0 =	sand.u32 $0x1, s1  }
0x8c: {  	s16 =	sshll.u32 s0, $0xA;
	s2 =	sadd.s32 s3, s2  }
0x8d: {  	s2 =	sadd.s32 s2, s16  }
0x8e: {  	[smem:$0x3FBB] =	sst s2  }
0x8f: {  	_ = 	snop  }
0x90: {  	(tm) =	ssettm $0x1  }
0x91: {  	s17 =	sld [smem:$0x3FFB];
	_ =	sdelay $0x3  }
0x92: {  	_ =	strace s17  }
0x93: {  	s2 =	sld [smem:$0x3FFC];
	_ =	sdelay $0x3  }
0x94: {  	_ =	strace s2  }
0x95: {  	s2 =	sld [smem:$0x3FFD];
	_ =	sdelay $0x3  }
0x96: {  	_ =	strace s2  }
0x97: {  	_ =	strace $0x8FFFFFFF  }
0x98: {  	s18 =	sld [smem:$0x3FDB];
	_ =	sdelay $0x1  }
0x99: {  	s19 =	simm.s32 $_scs_section_size  }
0x9a: {  	s4 =	simm.s32 $_size__tile_overlayer_lowered;
	s5 =	simm.s32 $_tile_overlayer_lowered  }
0x9b: {  	s22 =	simm.s32 $0x1BFF;
	s21 =	sshll.u32 s5, $0x1;
	s2 =	sadd.s32 s19, s18  }
0x9c: {  	s6 =	simm.s32 $0x0;
	s20 =	sshll.u32 s4, $0x1;
	s4 =	sadd.s32 s21, s2  }
0x9d: {  	[timem:s6], [sflag:s22] =	dma.local [hbm:s4], s20  }
0x9e: {  	_ =	swait.ge [sflag:s22], s20  }
0x9f: {  	s3 =	ssub.s32 $0x0, s20;
	[sflag:s22] =	ssyncset.done $0x0  }
0xa0: {  	[sflag:s22] =	ssyncadd.s32 s3;
	_ =	sdelay $0x1  }
0xa1: {  	s23 =	simm.s32 $0x1B8B  }
0xa2: {  	_ =	swait.ge [sflag:s23], $0x1  }
0xa3: {  	[sflag:s23] =	ssyncset.done $0x0  }
0xa4: {  	s25 =	simm.s32 $0x1B8E;
	s24 =	sld [smem:$0x3FFE];
	[sflag:s23] =	ssyncadd.s32 $0xFFFFFFFF  }
0xa5: {  	s26 =	simm.s32 $execute0_lowered;
	[smem:$0x3FD2] =	sst s25  }
0xa6: {  	s4 =	sshll.u32 s26, $0x1;
	_ =	strace $0x8000004C;
	[dreg:$0x1] =	wrdreg $0xFFFFFFFF  }
0xa7: {  	s28 =	simm.s32 $_size_execute0_lowered;
	s2 =	sadd.s32 s2, s4;
	[dreg:$0x0] =	wrdreg $0x0  }
0xa8: {  	s4 =	sshll.u32 s28, $0x1;
	[dreg:$0x2] =	wrdreg s2  }
0xa9: {  	[dreg:$0x3] =	wrdreg s4  }
0xaa: {  	[dreg:$0x4] =	wrdreg $0xC0  }
0xab: {  	_ =	task [dreg:s6], $0x5FFFF  }
0xac: {  	[dreg:$0x1] =	wrdreg $0xFFFFFFFF  }
0xad: {  	[dreg:$0x0] =	wrdreg $0x60  }
0xae: {  	[dreg:$0x2] =	wrdreg s24  }
0xaf: {  	[dreg:$0x3] =	wrdreg $0xB9000  }
0xb0: {  	[dreg:$0x4] =	wrdreg $0x9  }
0xb1: {  	_ =	task.clear_ibuf [dreg:s6], $0x5FFFF;
	_ =	strace $0x9000004C  }
0xb2: {  	s29 =	simm.s32 $0x9;
	_ =	strace $0x8000004E  }
0xb3: {  	_ =	swait.ge [sflag:s29], $0x1  }
0xb4: {  	[sflag:s29] =	ssyncadd.s32 $0xFFFFFFFF  }
0xb5: {  	_ =	strace $0x9000004E  }
0xb6: {  	_ =	sfence  }
0xb7: {  	s30 =	sld [smem:$0x0];
	_ =	sdelay $0x2  }
0xb8: {  	s31 =	sshll.u32 s1, $0xD;
	s1 =	sshrl.u32 s1, $0x2  }
0xb9: {  	s3 =	sand.u32 $0x4000, s31;
	s1 =	sadd.s32 s1, s30  }
0xba: {  	s0 =	sor.u32 s3, s0;
	s1 =	sshll.u32 s1, $0x11  }
0xbb: {  	s0 =	sor.u32 s1, s0  }
0xbc: {  	s0 =	sadd.s32 $0x8F2B, s0  }
0xbd: {  	[sflag:s0] =	ssyncadd.remote.s32 $0x1  }
0xbe: {  	_ =	sfence.sel $0xFFFF  }
0xbf: {  	[dreg:$0x0] =	wrdreg $0xFFFFFFFF;
	(pc) =	sbr.abs _section_cstart, $3  }
0xc0: {  	[dreg:$0x1] =	wrdreg $0xFFFFFFFF  }
0xc1: {  	_ =	task.clear_ibuf [dreg:s6], $0x2FFFF;
	_ =	strace $0x9FFFFFFF  }
0xc2: {  	(tm) =	ssettm $0x7FFFFFFF  }
0xc3: {  	_ =	shalt  }
tec
execute0_lowered:
.L_overlay_start_1:
0x0: {  	(tag) =	ssettag $0x1  }
0x1: {  	s0 =	srdreg.scid;
	s6 =	rddreg [dreg:$0x0]  }
0x2: {  	s16 =	stileid.u32;
	s2 =	rddreg [dreg:$0x1]  }
0x3: {  	s3 =	simm.s32 $0x0;
	s15 =	simm.s32 $0x5;
	s7 =	smul.u32 $0x13C00, s16  }
0x4: {  	s28 =	simm.s32 $0x4;
	s29 =	simm.s32 $0x0;
	s11 =	smul.u32 $0x4F000, s16  }
0x5: {  	s0 =	sand.u32 $0x1, s0;
	[smem:$0x7FF] =	sst s3;
	s21 =	smul.u32 $0x3600, s16  }
0x6: {  	s14 =	sadd.s32 $0x5F400, s6;
	s17 =	sadd.s32 $0xD400, s6;
	s26 =	smul.u32 $0x6C0, s16  }
0x7: {  	s31 =	sshll.u32 s16, $0x6;
	s1 =	sshll.u32 s0, $0x4;
	s5 =	smul.u32 $0x13C000, s0  }
0x8: {  	_ =	strace $0x8000004D;
	[dreg:$0x3] =	wrdreg s17;
	s13 =	smul.u32 $0x36000, s0  }
0x9: {  	s9 =	ssub.s32 $0x2, s0;
	p0 =	seq.s32 s0, $0x0;
	s0 =	smul.u32 $0x6C00, s0  }
0xa: {  	s1 =	sor.u32 s16, s1;
	s18 =	sshrl.u32 s9, $0x1;
	s20 =	sshrl.u32 s11, $0x2  }
0xb: {  	s16 =	sor.u32 $0x1C05, s31;
	s4 =	smul.u32 $0x700, s1;
	s7 =	sadd.s32 s7, s5  }
0xc: {  	s1 =	smul.u32 $0x6C0, s1;
	s12 =	ssub.s32 s9, s18;
	s17 =	sadd.s32 s20, s2  }
0xd: {  	s22 =	sadd.s32 s21, s13;
	s0 =	sadd.s32 s0, s14;
	s18 =	simm.s32 $0x80  }
0xe: {  	s20 =	simm.s32 $0x3800;
	s21 =	simm.s32 $0x7900;
	s7 =	sshrl.u32 s7, $0x3  }
0xf: {  	s25 =	sadd.s32 $0x200, s22;
	s0 =	sadd.s32 s26, s0;
	s17 =	sshrl.u32 s17, $0x3  }
0x10: {  	s26 =	simm.s32 $0x2;
	s8 =	sadd.s32 s4, s6;
	s4 =	sadd.s32 $0xFC00, s6  }
0x11: {  	s10 =	sadd.s32 s7, s6;
	s6 =	simm.s32 $0x6C;
	s13 =	sadd.s32 $0x10, s0  }
0x12: {  	s6 =	simm.s32 @!p0 $0x32;
	s19 =	sadd.s32 $0x6CC00, s8;
	s8 =	sadd.s32 s14, s1  }
0x13: {  	s9 =	sadd.s32 $0x7AC00, s10;
	s10 =	smax.u32 s12, $0x1;
	s12 =	sshrl.u32 s25, $0x3  }
0x14: {  	s1 =	sor.u32 $0x100, s22;
	s22 =	simm.s32 $0x3880;
	s25 =	simm.s32 $0x3  }
0x15: {  	[dreg:$0x4] =	wrdreg s19;
	s23 =	sshll.u32 s6, $0x4;
	s12 =	sadd.s32 s12, s14  }
0x16: {  	s30 =	sshrl.u32 s1, $0x3;
	s19 =	simm.s32 $0x3900;
	s11 =	sadd.s32 $0xFFFFFFE0, s23  }
0x17: {  	s12 =	sadd.s32 $0xFFFFFFE0, s12;
	s14 =	sadd.s32 s30, s14;
	s23 =	simm.s32 $0x1  }
.LBB2_1:
0x18: {  	s0 =	rddreg [dreg:$0x4]  }
0x19: {  	[tilespmem:s3], [sflag:$0x5] =	stream.linear.gather [hbm4b:s0+s3], $0x3600, $0x38;
	[tilespmem:$0x1F500] =	vst v63  }
0x1a: {  	_ =	swait.ge [sflag:s15], $0x3600  }
0x1b: {  	[sflag:s15] =	ssyncset.done $0x0  }
0x1c: {  	s31 =	rddreg [dreg:$0x3];
	[sflag:s15] =	ssyncadd.s32 $0xFFFFCA00  }
0x1d: {  	[spmem:s17], [sflag:s16] =	dma.local [hbm:s31], $0x2780  }
0x1e: {  	_ =	swait.ge [sflag:s15], $0x2780  }
0x1f: {  	p1 =	sne.s32 s11, $0x20;
	[sflag:s15] =	ssyncset.done $0x0  }
.Ltmp0:
0x20: {  	[sflag:s15] =	ssyncadd.s32 $0xFFFFD880;
	(pc) =	sbr.rel @!p1 .LBB2_2-.Ltmp0, $4  }
0x21: {  	[bflag:$0x0] =	sbarrier.arrive $0xFFFF  }
0x22: {  	[tilespmem:s19], [sflag:$0x1] =	stream.indirect.gather [hbm4b:s4+s18], $0x80, s3, s18, $0xb8;
	[tilespmem:$0x1F500] =	vst v63  }
0x23: {  	s30 =	simm.s32 $0x100;
	s1 =	simm.s32 $0x20;
	p0 =	por $0x0, $0x0  }
0x24: {  	[tilespmem:s20], [sflag:$0x3] =	stream.linear.gather [hbm4b:s8+s3], $0x80, $0x38;
	[tilespmem:$0x1F500] =	vst v63  }
0x25: {  	s0 =	simm.s32 $0x80  }
0x26: {  	[tilespmem:s21], [sflag:$0x2] =	stream.indirect.gather [hbm4b:s4+s18], $0x80, s0, s18, $0xb8;
	[tilespmem:$0x1F500] =	vst v63  }
0x27: {  	s7 =	sadd.s32 $0x0, s13  }
0x28: {  	[tilespmem:s22], [sflag:$0x4] =	stream.linear.gather [hbm4b:s7+s3], $0x80, $0x38;
	[tilespmem:$0x1F500] =	vst v63  }
0x29: {  	_ =	swait.ge [sflag:s23], $0x4000  }
0x2a: {  	[sflag:s23] =	ssyncset.done $0x0  }
0x2b: {  	[sflag:s23] =	ssyncadd.s32 $0xFFFFC000  }
0x2c: {  	_ =	swait.ge [sflag:s25], $0x80  }
0x2d: {  	[sflag:s25] =	ssyncset.done $0x0  }
0x2e: {  	[sflag:s25] =	ssyncadd.s32 $0xFFFFFF80  }
0x2f: {  	[spmem:s2] =	stream.indirect.scatter.add.f32 [tilespmem:s19], [sflag:$0x5], $0x80, s20, s18, $0xb8;
	[tilespmem:$0x1F500] =	vst v63  }
0x30: {  	_ =	swait.ge [sflag:s15], $0x4000  }
0x31: {  	p0 =	sle.u32 s6, $0x2;
	[sflag:s15] =	ssyncset.done $0x0  }
0x32: {  	s0 =	simm.s32 @!p0 $0x80;
	s31 =	simm.s32 @!p0 $0x3900;
	[sflag:s15] =	ssyncadd.s32 $0xFFFFC000  }
0x33: {  	[tilespmem:s31], [sflag:$0x1] =	stream.indirect.gather @!p0 [hbm4b:s4+s0], $0x80, s30, s0, $0xb8;
	[tilespmem:$0x1F500] =	vst v63  }
0x34: {  	s0 =	sadd.s32 @!p0 $0x0, s14;
	s30 =	simm.s32 @!p0 $0x0;
	s31 =	simm.s32 @!p0 $0x3800  }
0x35: {  	[tilespmem:s31], [sflag:$0x3] =	stream.linear.gather @!p0 [hbm4b:s0+s30], $0x80, $0x38;
	[tilespmem:$0x1F500] =	vst v63  }
0x36: {  	_ =	swait.ge [sflag:s26], $0x4000  }
0x37: {  	[sflag:s26] =	ssyncset.done $0x0  }
0x38: {  	[sflag:s26] =	ssyncadd.s32 $0xFFFFC000  }
0x39: {  	p1 =	sne.s32 s11, $0x40;
	_ =	swait.ge [sflag:s28], $0x80  }
.Ltmp1:
0x3a: {  	[sflag:s28] =	ssyncset.done $0x0;
	(pc) =	sbr.rel @!p1 .LBB2_6-.Ltmp1, $4  }
0x3b: {  	[sflag:s28] =	ssyncadd.s32 $0xFFFFFF80  }
0x3c: {  	[spmem:s2] =	stream.indirect.scatter.add.f32 [tilespmem:s21], [sflag:$0x5], $0x80, s22, s18, $0xb8;
	[tilespmem:$0x1F500] =	vst v63  }
0x3d: {  	s31 =	simm.s32 $0x40;
	s30 =	simm.s32 $0x200;
	_ =	swait.ge [sflag:s15], $0x4000  }
0x3e: {  	s0 =	simm.s32 $0x4;
	p0 =	por $0x1, $0x1;
	[sflag:s15] =	ssyncset.done $0x0  }
.LBB2_4:
0x3f: {  	s24 =	sadd.s32 $0xFFFFFF80, s30  }
0x40: {  	[sflag:s15] =	ssyncadd.s32 $0xFFFFC000;
	s5 =	smov.u32 s31;
	s31 =	sadd.s32 $0x20, s31  }
0x41: {  	[tilespmem:s21], [sflag:$0x2] =	stream.indirect.gather [hbm4b:s4+s18], $0x80, s24, s18, $0xb8;
	[tilespmem:$0x1F500] =	vst v63  }
0x42: {  	p1 =	sne.s32 s11, s31;
	s24 =	sadd.s32 s1, s13  }
0x43: {  	[tilespmem:s22], [sflag:$0x4] =	stream.linear.gather [hbm4b:s24+s3], $0x80, $0x38;
	[tilespmem:$0x1F500] =	vst v63  }
0x44: {  	_ =	swait.ge [sflag:s23], $0x4000  }
0x45: {  	[sflag:s23] =	ssyncset.done $0x0  }
0x46: {  	[sflag:s23] =	ssyncadd.s32 $0xFFFFC000  }
0x47: {  	_ =	swait.ge [sflag:s25], $0x80  }
0x48: {  	[sflag:s25] =	ssyncset.done $0x0  }
0x49: {  	[sflag:s25] =	ssyncadd.s32 $0xFFFFFF80  }
0x4a: {  	[spmem:s2] =	stream.indirect.scatter.add.f32 [tilespmem:s19], [sflag:$0x5], $0x80, s20, s18, $0xb8;
	[tilespmem:$0x1F500] =	vst v63  }
0x4b: {  	_ =	swait.ge [sflag:s15], $0x4000  }
0x4c: {  	p2 =	sge.u32 s0, s6;
	[sflag:s15] =	ssyncset.done $0x0  }
0x4d: {  	s7 =	simm.s32 @!p2 $0x3900;
	s24 =	simm.s32 @!p2 $0x80;
	[sflag:s15] =	ssyncadd.s32 $0xFFFFC000  }
0x4e: {  	[tilespmem:s7], [sflag:$0x1] =	stream.indirect.gather @!p2 [hbm4b:s4+s24], $0x80, s30, s24, $0xb8;
	[tilespmem:$0x1F500] =	vst v63  }
0x4f: {  	s1 =	sadd.s32 @!p2 s1, s14;
	s7 =	simm.s32 @!p2 $0x0;
	s24 =	simm.s32 @!p2 $0x3800  }
0x50: {  	[tilespmem:s24], [sflag:$0x3] =	stream.linear.gather @!p2 [hbm4b:s1+s7], $0x80, $0x38;
	[tilespmem:$0x1F500] =	vst v63  }
0x51: {  	s1 =	smov.u32 s5;
	_ =	swait.ge [sflag:s26], $0x4000  }
0x52: {  	[sflag:s26] =	ssyncset.done $0x0  }
0x53: {  	[sflag:s26] =	ssyncadd.s32 $0xFFFFC000  }
0x54: {  	_ =	swait.ge [sflag:s28], $0x80  }
.Ltmp2:
0x55: {  	[sflag:s28] =	ssyncset.done $0x0;
	(pc) =	sbr.rel @p1 .LBB2_4-.Ltmp2, $4  }
0x56: {  	[sflag:s28] =	ssyncadd.s32 $0xFFFFFF80  }
0x57: {  	[spmem:s2] =	stream.indirect.scatter.add.f32 [tilespmem:s21], [sflag:$0x5], $0x80, s22, s18, $0xb8;
	[tilespmem:$0x1F500] =	vst v63  }
0x58: {  	s24 =	sadd.s32 $0x100, s30;
	_ =	swait.ge [sflag:s15], $0x4000  }
0x59: {  	s0 =	sadd.s32 $0x2, s0;
	s30 =	smov.u32 s24;
	[sflag:s15] =	ssyncset.done $0x0  }
0x5a: {  	s30 =	smov.u32 s24  }
.LBB2_6:
0x5b: {  	s5 =	sadd.s32 $0xFFFFFF80, s30;
	[sflag:s15] =	ssyncadd.s32 @p0 $0xFFFFC000  }
0x5c: {  	[tilespmem:s21], [sflag:$0x2] =	stream.indirect.gather [hbm4b:s4+s18], $0x80, s5, s18, $0xb8;
	[tilespmem:$0x1F500] =	vst v63  }
0x5d: {  	s7 =	sadd.s32 s1, s13  }
0x5e: {  	[tilespmem:s22], [sflag:$0x4] =	stream.linear.gather [hbm4b:s7+s3], $0x80, $0x38;
	[tilespmem:$0x1F500] =	vst v63  }
0x5f: {  	_ =	swait.ge [sflag:s23], $0x4000  }
0x60: {  	[sflag:s23] =	ssyncset.done $0x0  }
0x61: {  	[sflag:s23] =	ssyncadd.s32 $0xFFFFC000  }
0x62: {  	_ =	swait.ge [sflag:s25], $0x80  }
0x63: {  	[sflag:s25] =	ssyncset.done $0x0  }
0x64: {  	[sflag:s25] =	ssyncadd.s32 $0xFFFFFF80  }
0x65: {  	[spmem:s2] =	stream.indirect.scatter.add.f32 [tilespmem:s19], [sflag:$0x5], $0x80, s20, s18, $0xb8;
	[tilespmem:$0x1F500] =	vst v63  }
0x66: {  	_ =	swait.ge [sflag:s15], $0x4000  }
0x67: {  	p0 =	sge.u32 s0, s6;
	[sflag:s15] =	ssyncset.done $0x0  }
0x68: {  	s5 =	simm.s32 @!p0 $0x80;
	s7 =	simm.s32 @!p0 $0x3900;
	[sflag:s15] =	ssyncadd.s32 $0xFFFFC000  }
0x69: {  	[tilespmem:s7], [sflag:$0x1] =	stream.indirect.gather @!p0 [hbm4b:s4+s5], $0x80, s30, s5, $0xb8;
	[tilespmem:$0x1F500] =	vst v63  }
0x6a: {  	s1 =	sadd.s32 @!p0 s1, s14;
	s5 =	simm.s32 @!p0 $0x0;
	s7 =	simm.s32 @!p0 $0x3800  }
0x6b: {  	[tilespmem:s7], [sflag:$0x3] =	stream.linear.gather @!p0 [hbm4b:s1+s5], $0x80, $0x38;
	[tilespmem:$0x1F500] =	vst v63  }
0x6c: {  	_ =	swait.ge [sflag:s26], $0x4000  }
0x6d: {  	[sflag:s26] =	ssyncset.done $0x0  }
0x6e: {  	[sflag:s26] =	ssyncadd.s32 $0xFFFFC000  }
0x6f: {  	_ =	swait.ge [sflag:s28], $0x80  }
0x70: {  	[sflag:s28] =	ssyncset.done $0x0  }
0x71: {  	[sflag:s28] =	ssyncadd.s32 $0xFFFFFF80  }
0x72: {  	[spmem:s2] =	stream.indirect.scatter.add.f32 [tilespmem:s21], [sflag:$0x5], $0x80, s22, s18, $0xb8;
	[tilespmem:$0x1F500] =	vst v63  }
0x73: {  	_ =	swait.ge [sflag:s15], $0x4000  }
0x74: {  	[sflag:s15] =	ssyncset.done $0x0  }
0x75: {  	s7 =	sadd.s32 $0x80, s24;
	[sflag:s15] =	ssyncadd.s32 $0xFFFFC000  }
0x76: {  	[tilespmem:s21], [sflag:$0x2] =	stream.indirect.gather [hbm4b:s4+s18], $0x80, s7, s18, $0xb8;
	[tilespmem:$0x1F500] =	vst v63  }
0x77: {  	s5 =	sadd.s32 s31, s13  }
0x78: {  	[tilespmem:s22], [sflag:$0x4] =	stream.linear.gather [hbm4b:s5+s3], $0x80, $0x38;
	[tilespmem:$0x1F500] =	vst v63  }
0x79: {  	_ =	swait.ge [sflag:s23], $0x4000  }
0x7a: {  	[sflag:s23] =	ssyncset.done $0x0  }
0x7b: {  	[sflag:s23] =	ssyncadd.s32 $0xFFFFC000  }
0x7c: {  	_ =	swait.ge [sflag:s25], $0x80  }
0x7d: {  	[sflag:s25] =	ssyncset.done $0x0  }
0x7e: {  	[sflag:s25] =	ssyncadd.s32 $0xFFFFFF80  }
0x7f: {  	[spmem:s2] =	stream.indirect.scatter.add.f32 [tilespmem:s19], [sflag:$0x5], $0x80, s20, s18, $0xb8;
	[tilespmem:$0x1F500] =	vst v63  }
0x80: {  	s7 =	sadd.s32 $0x2, s0;
	_ =	swait.ge [sflag:s15], $0x4000  }
0x81: {  	s1 =	sadd.s32 $0x100, s30;
	p0 =	sge.u32 s7, s6;
	[sflag:s15] =	ssyncset.done $0x0  }
0x82: {  	s0 =	simm.s32 @!p0 $0x80;
	s5 =	simm.s32 @!p0 $0x3900;
	[sflag:s15] =	ssyncadd.s32 $0xFFFFC000  }
0x83: {  	[tilespmem:s5], [sflag:$0x1] =	stream.indirect.gather @!p0 [hbm4b:s4+s0], $0x80, s1, s0, $0xb8;
	[tilespmem:$0x1F500] =	vst v63  }
0x84: {  	s0 =	sadd.s32 @!p0 s31, s12;
	s1 =	simm.s32 @!p0 $0x0;
	s5 =	simm.s32 @!p0 $0x3800  }
0x85: {  	[tilespmem:s5], [sflag:$0x3] =	stream.linear.gather @!p0 [hbm4b:s0+s1], $0x80, $0x38;
	[tilespmem:$0x1F500] =	vst v63  }
0x86: {  	_ =	swait.ge [sflag:s26], $0x4000  }
0x87: {  	[sflag:s26] =	ssyncset.done $0x0  }
0x88: {  	[sflag:s26] =	ssyncadd.s32 $0xFFFFC000  }
0x89: {  	_ =	swait.ge [sflag:s28], $0x80  }
0x8a: {  	[sflag:s28] =	ssyncset.done $0x0  }
0x8b: {  	[sflag:s28] =	ssyncadd.s32 $0xFFFFFF80  }
0x8c: {  	[spmem:s2] =	stream.indirect.scatter.add.f32 [tilespmem:s21], [sflag:$0x5], $0x80, s22, s18, $0xb8;
	[tilespmem:$0x1F500] =	vst v63  }
0x8d: {  	_ =	swait.ge [sflag:s15], $0x4000  }
0x8e: {  	[sflag:s15] =	ssyncset.done $0x0  }
0x8f: {  	s29 =	sadd.s32 $0x1, s29;
	[sflag:s15] =	ssyncadd.s32 $0xFFFFC000  }
0x90: {  	p0 =	sne.s32 s29, s10;
	[bflag:$0x0] =	sbarrier.arrive $0xFFFF  }
0x91: {  	[hbm:s9], [sflag:s16] =	dma.local [spmem:s17], $0x2780  }
.Ltmp3:
0x92: {  	_ = 	snop;
	(pc) =	sbr.rel @p0 .LBB2_1-.Ltmp3, $4  }
.Ltmp4:
0x93: {  	_ = 	snop;
	(pc) =	sbr.rel @!p0 .LBB2_7-.Ltmp4, $4  }
0x94: {  	_ =	swait.ge [sflag:s15], $0x2780  }
0x95: {  	[sflag:s15] =	ssyncset.done $0x0  }
0x96: {  	[sflag:s15] =	ssyncadd.s32 $0xFFFFD880  }
0x97: {  	_ = 	snop  }
.LBB2_2:
.Ltmp5:
0x98: {  	(pc) =	sbr.rel .LBB2_6-.Ltmp5, $2  }
0x99: {  	_ =	sdelay $0x2  }
0x9a: {  	s31 =	simm.s32 $0x20;
	s1 =	simm.s32 $0x0;
	s0 =	simm.s32 $0x2  }
.LBB2_7:
0x9b: {  	_ =	sfence.sel $0x180000  }
0x9c: {  	[bflag:$0x0] =	sbarrier.arrive $0xFFFF  }
0x9d: {  	_ =	strace $0x9000004D  }
0x9e: {  	s0 =	stileid.u32;
	[bflag:$0x2] =	sbarrier.arrive $0xFFFF  }
0x9f: {  	p0 =	sne.s32 s0, $0x0;
	s0 =	rddreg [dreg:$0x2]  }
0xa0: {  	s0 =	sadd.s32 @!p0 $0x100000, s0  }
0xa1: {  	[sflag:s0] =	ssyncadd.tile.s32 @!p0 $0x1;
	_ =	shalt  }
.Lfunc_end2:
_tile_overlayer_lowered:
.L_overlay_start_2:
0xa2: {  	(tag) =	ssettag $0x2  }
0xa3: {  	s0 =	rddreg [dreg:$0x0];
	s2 =	stileid.u32  }
0xa4: {  	s1 =	rddreg [dreg:$0x1];
	p0 =	sne.s32 s2, $0x0  }
0xa5: {  	s3 =	rddreg [dreg:$0x2];
	[bflag:$0x3] =	sbarrier.arrive $0xFFFF;
	s2 =	simm.s32 @!p0 $0x1C05  }
0xa6: {  	[timem:s3], [sflag:s2] =	dma.local @!p0 [hbm:s0], s1  }
0xa7: {  	s0 =	simm.s32 @!p0 $0x5  }
0xa8: {  	_ =	swait.ge @!p0 [sflag:s0], s1  }
0xa9: {  	s1 =	ssub.s32 @!p0 $0x0, s1;
	[sflag:s0] =	ssyncset.done @!p0 $0x0  }
0xaa: {  	[sflag:s0] =	ssyncadd.s32 @!p0 s1  }
0xab: {  	[bflag:$0x3] =	sbarrier.arrive $0xFFFF  }
0xac: {  	_ =	shalt  }

// kernel: kernel.20.cloned.1.call-start
scs
__scs_entry_jumppad:
0x0: {  	(pc) =	sbr.rel $0x88, $3  }
0x1: {  	(tag) =	ssettag $0x0;
	lr =	simm.s32 $0x1  }
0x2: {  	[smem:$0x3F94] =	sst lr;
	_ =	strace $0xD0000000  }
0x3: {  	_ = 	snop  }
0x4: {  	_ = 	snop  }
0x5: {  	_ = 	snop  }
0x6: {  	_ = 	snop  }
0x7: {  	_ = 	snop  }
__scs_overlays_trampoline_lowered:
0x8: {  	[smem:$0x3FA3] =	sst s0  }
0x9: {  	[smem:$0x3FA4] =	sst s1  }
0xa: {  	[smem:$0x3FA5] =	sst s2  }
0xb: {  	[smem:$0x3FA6] =	sst s3  }
0xc: {  	[smem:$0x3FA7] =	sst s4  }
0xd: {  	[smem:$0x3FA8] =	sst s5  }
0xe: {  	[smem:$0x3FA9] =	sst s6  }
0xf: {  	[smem:$0x3FAA] =	sst s7  }
0x10: {  	[smem:$0x3FAB] =	sst s8  }
0x11: {  	[smem:$0x3FAC] =	sst s9;
	s0 =	simm.s32 @!p0 $0x0  }
0x12: {  	s1 =	sld [smem:$0x3F92];
	s0 =	simm.s32 @p0 $0x1  }
0x13: {  	[smem:$0x3FAD] =	sst s0;
	s0 =	simm.s32 @!p1 $0x0  }
0x14: {  	s2 =	sld [smem:$0x3F91];
	s0 =	simm.s32 @p1 $0x1  }
0x15: {  	[smem:$0x3FAE] =	sst s0;
	s0 =	simm.s32 @!p2 $0x0  }
0x16: {  	s3 =	sld [smem:$0x3FDB];
	s0 =	simm.s32 @p2 $0x1  }
0x17: {  	s4 =	simm.s32 $0x1BF5;
	[smem:$0x3FB0] =	sst s0  }
0x18: {  	s0 =	sld [smem:$0x3F93];
	_ =	swait.ge [sflag:s4], $0x0  }
0x19: {  	s7 =	sld [smem:$0x3F94]  }
0x1a: {  	s8 =	sadd.s32 $0xFFFFE003, lr  }
0x1b: {  	s9 =	sadd.s32 $0xFFFFFEF7, lr;
	s5 =	simm.s32 $0xFFFFFFFF;
	p2 =	slt.u32 s8, $0xFFFFF086  }
0x1c: {  	p1 =	slt.u32 s9, $0xF7A;
	s5 =	simm.s32 @!p2 $0x0  }
0x1d: {  	s5 =	simm.s32 @p1 $0x1;
	p0 =	seq.s32 s7, s2  }
0x1e: {  	s7 =	smul.u32 @!p0 $0xF7A, s2;
	p2 =	seq.s32 @!p0 s5, $0x0  }
0x1f: {  	s9 =	smul.u32 $0xF7A, s1;
	s8 =	simm.s32 @!p0 $0x1BF5;
	p2 =	por !p2, p0  }
0x20: {  	[sflag:s8] =	ssyncset.s32 @!p0 $0xFFFFF086;
	s6 =	sadd.s32 @!p0 s3, s7;
	s7 =	simm.s32 @!p0 $0x108  }
0x21: {  	s3 =	sadd.s32 s3, s9;
	s6 =	sadd.s32 @!p0 $0x88, s6;
	s7 =	simm.s32 @p2 $0x1082  }
0x22: {  	[simem:s7], [sflag:s8] =	dma.local @!p0 [hbm:s6], $0xF7A  }
0x23: {  	s9 =	sor.u32 $0xD0000000, s2;
	s6 =	simm.s32 $0x108;
	_ =	swait.ge @!p0 [sflag:s8], $0x0  }
0x24: {  	s3 =	sadd.s32 $0x88, s3;
	s6 =	simm.s32 @!p1 $0x1082;
	[sflag:s4] =	ssyncset.s32 $0xFFFFF086  }
0x25: {  	[simem:s6], [sflag:s4] =	dma.local [hbm:s3], $0xF7A  }
0x26: {  	[smem:$0x3F94] =	sst s1;
	(tag) =	ssettag s2;
	_ =	strace s9  }
0x27: {  	s1 =	sld [smem:$0x3FA4]  }
0x28: {  	s2 =	sld [smem:$0x3FA5]  }
0x29: {  	s4 =	sld [smem:$0x3FA7]  }
0x2a: {  	p0 =	seq.s32 s5, $0x0;
	s5 =	sld [smem:$0x3FA8]  }
0x2b: {  	s6 =	sld [smem:$0x3FA9]  }
0x2c: {  	s7 =	sld [smem:$0x3FAA]  }
0x2d: {  	s3 =	simm.s32 $0x108;
	s8 =	sld [smem:$0x3FAB]  }
0x2e: {  	s3 =	simm.s32 @!p0 $0x1082;
	s9 =	sld [smem:$0x3FAC]  }
0x2f: {  	lr =	sadd.s32 s0, s3;
	s0 =	sld [smem:$0x3FA3]  }
0x30: {  	s3 =	sld [smem:$0x3FA6]  }
0x31: {  	[smem:$0x3FAF] =	sst s10  }
0x32: {  	s10 =	sld [smem:$0x3FAD];
	_ =	sdelay $0x3  }
0x33: {  	p0 =	seq.s32 s10, $0x1;
	s10 =	sld [smem:$0x3FAF];
	_ =	sdelay $0x3  }
0x34: {  	[smem:$0x3FAF] =	sst s10  }
0x35: {  	s10 =	sld [smem:$0x3FAE];
	_ =	sdelay $0x3  }
0x36: {  	p1 =	seq.s32 s10, $0x1;
	s10 =	sld [smem:$0x3FAF];
	_ =	sdelay $0x3  }
0x37: {  	[smem:$0x3FAF] =	sst s10  }
0x38: {  	s10 =	sld [smem:$0x3FB0]  }
0x39: {  	_ = 	snop;
	(pc) =	sbr.ind lr, $3  }
0x3a: {  	_ = 	snop  }
0x3b: {  	_ = 	snop  }
0x3c: {  	p2 =	seq.s32 s10, $0x1;
	s10 =	sld [smem:$0x3FAF]  }
0x3d: {  	_ =	shalt  }
0x3e: {  	_ =	shalt  }
0x3f: {  	_ =	shalt  }
0x40: {  	_ =	shalt  }
0x41: {  	_ =	shalt  }
0x42: {  	_ =	shalt  }
0x43: {  	_ =	shalt  }
0x44: {  	_ =	shalt  }
0x45: {  	_ =	shalt  }
0x46: {  	_ =	shalt  }
0x47: {  	_ =	shalt  }
0x48: {  	_ =	shalt  }
0x49: {  	_ =	shalt  }
0x4a: {  	_ =	shalt  }
0x4b: {  	_ =	shalt  }
0x4c: {  	_ =	shalt  }
0x4d: {  	_ =	shalt  }
0x4e: {  	_ =	shalt  }
0x4f: {  	_ =	shalt  }
0x50: {  	_ =	shalt  }
0x51: {  	_ =	shalt  }
0x52: {  	_ =	shalt  }
0x53: {  	_ =	shalt  }
0x54: {  	_ =	shalt  }
0x55: {  	_ =	shalt  }
0x56: {  	_ =	shalt  }
0x57: {  	_ =	shalt  }
0x58: {  	_ =	shalt  }
0x59: {  	_ =	shalt  }
0x5a: {  	_ =	shalt  }
0x5b: {  	_ =	shalt  }
0x5c: {  	_ =	shalt  }
0x5d: {  	_ =	shalt  }
0x5e: {  	_ =	shalt  }
0x5f: {  	_ =	shalt  }
0x60: {  	_ =	shalt  }
0x61: {  	_ =	shalt  }
0x62: {  	_ =	shalt  }
0x63: {  	_ =	shalt  }
0x64: {  	_ =	shalt  }
0x65: {  	_ =	shalt  }
0x66: {  	_ =	shalt  }
0x67: {  	_ =	shalt  }
0x68: {  	_ =	shalt  }
0x69: {  	_ =	shalt  }
0x6a: {  	_ =	shalt  }
0x6b: {  	_ =	shalt  }
0x6c: {  	_ =	shalt  }
0x6d: {  	_ =	shalt  }
0x6e: {  	_ =	shalt  }
0x6f: {  	_ =	shalt  }
0x70: {  	_ =	shalt  }
0x71: {  	_ =	shalt  }
0x72: {  	_ =	shalt  }
0x73: {  	_ =	shalt  }
0x74: {  	_ =	shalt  }
0x75: {  	_ =	shalt  }
0x76: {  	_ =	shalt  }
0x77: {  	_ =	shalt  }
0x78: {  	_ =	shalt  }
0x79: {  	_ =	shalt  }
0x7a: {  	_ =	shalt  }
0x7b: {  	_ =	shalt  }
0x7c: {  	_ =	shalt  }
0x7d: {  	_ =	shalt  }
0x7e: {  	_ =	shalt  }
0x7f: {  	_ =	shalt  }
0x80: {  	_ =	shalt  }
0x81: {  	_ =	shalt  }
0x82: {  	_ =	shalt  }
0x83: {  	_ =	shalt  }
0x84: {  	_ =	shalt  }
0x85: {  	_ =	shalt  }
0x86: {  	_ =	shalt  }
0x87: {  	_ =	shalt  }
.Lfunc_end0:
.L_simem_size_0:
called_computation.3_lowered:
.L_overlay_start_0:
0x88: {  	s2 =	sld [smem:$0x3FD9]  }
0x89: {  	s3 =	sld [smem:$0x3FFE];
	_ =	sdelay $0x1  }
0x8a: {  	s1 =	srdreg.scid  }
0x8b: {  	s0 =	sand.u32 $0x1, s1  }
0x8c: {  	s16 =	sshll.u32 s0, $0xA;
	s2 =	sadd.s32 s3, s2  }
0x8d: {  	s2 =	sadd.s32 s2, s16  }
0x8e: {  	[smem:$0x3FBB] =	sst s2  }
0x8f: {  	_ = 	snop  }
0x90: {  	(tm) =	ssettm $0x1  }
0x91: {  	s17 =	sld [smem:$0x3FFB];
	_ =	sdelay $0x3  }
0x92: {  	_ =	strace s17  }
0x93: {  	s2 =	sld [smem:$0x3FFC];
	_ =	sdelay $0x3  }
0x94: {  	_ =	strace s2  }
0x95: {  	s2 =	sld [smem:$0x3FFD];
	_ =	sdelay $0x3  }
0x96: {  	_ =	strace s2  }
0x97: {  	_ =	strace $0x8FFFFFFF  }
0x98: {  	s18 =	sld [smem:$0x3FDB];
	_ =	sdelay $0x1  }
0x99: {  	s19 =	simm.s32 $_scs_section_size  }
0x9a: {  	s4 =	simm.s32 $_size__tile_overlayer_lowered;
	s5 =	simm.s32 $_tile_overlayer_lowered  }
0x9b: {  	s22 =	simm.s32 $0x1BFF;
	s21 =	sshll.u32 s5, $0x1;
	s2 =	sadd.s32 s19, s18  }
0x9c: {  	s6 =	simm.s32 $0x0;
	s20 =	sshll.u32 s4, $0x1;
	s4 =	sadd.s32 s21, s2  }
0x9d: {  	[timem:s6], [sflag:s22] =	dma.local [hbm:s4], s20  }
0x9e: {  	_ =	swait.ge [sflag:s22], s20  }
0x9f: {  	s3 =	ssub.s32 $0x0, s20;
	[sflag:s22] =	ssyncset.done $0x0  }
0xa0: {  	[sflag:s22] =	ssyncadd.s32 s3;
	_ =	sdelay $0x1  }
0xa1: {  	s23 =	simm.s32 $0x1B8B  }
0xa2: {  	_ =	swait.ge [sflag:s23], $0x1  }
0xa3: {  	[sflag:s23] =	ssyncset.done $0x0  }
0xa4: {  	s25 =	simm.s32 $0x1B8E;
	s24 =	sld [smem:$0x3FFE];
	[sflag:s23] =	ssyncadd.s32 $0xFFFFFFFF  }
0xa5: {  	s26 =	simm.s32 $execute0_lowered;
	[smem:$0x3FD2] =	sst s25  }
0xa6: {  	s4 =	sshll.u32 s26, $0x1;
	_ =	strace $0x8000004F;
	[dreg:$0x1] =	wrdreg $0xFFFFFFFF  }
0xa7: {  	s28 =	simm.s32 $_size_execute0_lowered;
	s2 =	sadd.s32 s2, s4;
	[dreg:$0x0] =	wrdreg $0x0  }
0xa8: {  	s4 =	sshll.u32 s28, $0x1;
	[dreg:$0x2] =	wrdreg s2  }
0xa9: {  	[dreg:$0x3] =	wrdreg s4  }
0xaa: {  	[dreg:$0x4] =	wrdreg $0xC0  }
0xab: {  	_ =	task [dreg:s6], $0x5FFFF  }
0xac: {  	[dreg:$0x1] =	wrdreg $0xFFFFFFFF  }
0xad: {  	[dreg:$0x0] =	wrdreg $0x60  }
0xae: {  	[dreg:$0x2] =	wrdreg s24  }
0xaf: {  	[dreg:$0x3] =	wrdreg $0xB9000  }
0xb0: {  	[dreg:$0x4] =	wrdreg $0x9  }
0xb1: {  	_ =	task.clear_ibuf [dreg:s6], $0x5FFFF;
	_ =	strace $0x9000004F  }
0xb2: {  	s29 =	simm.s32 $0x9;
	_ =	strace $0x80000051  }
0xb3: {  	_ =	swait.ge [sflag:s29], $0x1  }
0xb4: {  	[sflag:s29] =	ssyncadd.s32 $0xFFFFFFFF  }
0xb5: {  	_ =	strace $0x90000051  }
0xb6: {  	_ =	sfence  }
0xb7: {  	s30 =	sld [smem:$0x0];
	_ =	sdelay $0x2  }
0xb8: {  	s31 =	sshll.u32 s1, $0xD;
	s1 =	sshrl.u32 s1, $0x2  }
0xb9: {  	s3 =	sand.u32 $0x4000, s31;
	s1 =	sadd.s32 s1, s30  }
0xba: {  	s0 =	sor.u32 s3, s0;
	s1 =	sshll.u32 s1, $0x11  }
0xbb: {  	s0 =	sor.u32 s1, s0  }
0xbc: {  	s0 =	sadd.s32 $0x8F2B, s0  }
0xbd: {  	[sflag:s0] =	ssyncadd.remote.s32 $0x1  }
0xbe: {  	_ =	sfence.sel $0xFFFF  }
0xbf: {  	[dreg:$0x0] =	wrdreg $0xFFFFFFFF;
	(pc) =	sbr.abs _section_cstart, $3  }
0xc0: {  	[dreg:$0x1] =	wrdreg $0xFFFFFFFF  }
0xc1: {  	_ =	task.clear_ibuf [dreg:s6], $0x2FFFF;
	_ =	strace $0x9FFFFFFF  }
0xc2: {  	(tm) =	ssettm $0x7FFFFFFF  }
0xc3: {  	_ =	shalt  }
tec
execute0_lowered:
.L_overlay_start_1:
0x0: {  	(tag) =	ssettag $0x1  }
0x1: {  	s0 =	srdreg.scid;
	s6 =	rddreg [dreg:$0x0]  }
0x2: {  	s16 =	stileid.u32;
	s2 =	rddreg [dreg:$0x1]  }
0x3: {  	s3 =	simm.s32 $0x0;
	s15 =	simm.s32 $0x5;
	s7 =	smul.u32 $0x13C00, s16  }
0x4: {  	s28 =	simm.s32 $0x4;
	s29 =	simm.s32 $0x0;
	s11 =	smul.u32 $0x4F000, s16  }
0x5: {  	s0 =	sand.u32 $0x1, s0;
	[smem:$0x7FF] =	sst s3;
	s21 =	smul.u32 $0x3600, s16  }
0x6: {  	s14 =	sadd.s32 $0x5F400, s6;
	s17 =	sadd.s32 $0xD400, s6;
	s26 =	smul.u32 $0x6C0, s16  }
0x7: {  	s31 =	sshll.u32 s16, $0x6;
	s1 =	sshll.u32 s0, $0x4;
	s5 =	smul.u32 $0x13C000, s0  }
0x8: {  	_ =	strace $0x80000050;
	[dreg:$0x3] =	wrdreg s17;
	s13 =	smul.u32 $0x36000, s0  }
0x9: {  	s9 =	ssub.s32 $0x2, s0;
	p0 =	seq.s32 s0, $0x0;
	s0 =	smul.u32 $0x6C00, s0  }
0xa: {  	s1 =	sor.u32 s16, s1;
	s18 =	sshrl.u32 s9, $0x1;
	s20 =	sshrl.u32 s11, $0x2  }
0xb: {  	s16 =	sor.u32 $0x1C05, s31;
	s4 =	smul.u32 $0x700, s1;
	s7 =	sadd.s32 s7, s5  }
0xc: {  	s1 =	smul.u32 $0x6C0, s1;
	s12 =	ssub.s32 s9, s18;
	s17 =	sadd.s32 s20, s2  }
0xd: {  	s22 =	sadd.s32 s21, s13;
	s0 =	sadd.s32 s0, s14;
	s18 =	simm.s32 $0x80  }
0xe: {  	s20 =	simm.s32 $0x3800;
	s21 =	simm.s32 $0x7900;
	s7 =	sshrl.u32 s7, $0x3  }
0xf: {  	s25 =	sadd.s32 $0x200, s22;
	s0 =	sadd.s32 s26, s0;
	s17 =	sshrl.u32 s17, $0x3  }
0x10: {  	s26 =	simm.s32 $0x2;
	s8 =	sadd.s32 s4, s6;
	s4 =	sadd.s32 $0xFC00, s6  }
0x11: {  	s10 =	sadd.s32 s7, s6;
	s6 =	simm.s32 $0x6C;
	s13 =	sadd.s32 $0x10, s0  }
0x12: {  	s6 =	simm.s32 @!p0 $0x32;
	s19 =	sadd.s32 $0x6CC00, s8;
	s8 =	sadd.s32 s14, s1  }
0x13: {  	s9 =	sadd.s32 $0x7AC00, s10;
	s10 =	smax.u32 s12, $0x1;
	s12 =	sshrl.u32 s25, $0x3  }
0x14: {  	s1 =	sor.u32 $0x100, s22;
	s22 =	simm.s32 $0x3880;
	s25 =	simm.s32 $0x3  }
0x15: {  	[dreg:$0x4] =	wrdreg s19;
	s23 =	sshll.u32 s6, $0x4;
	s12 =	sadd.s32 s12, s14  }
0x16: {  	s30 =	sshrl.u32 s1, $0x3;
	s19 =	simm.s32 $0x3900;
	s11 =	sadd.s32 $0xFFFFFFE0, s23  }
0x17: {  	s12 =	sadd.s32 $0xFFFFFFE0, s12;
	s14 =	sadd.s32 s30, s14;
	s23 =	simm.s32 $0x1  }
.LBB2_1:
0x18: {  	s0 =	rddreg [dreg:$0x4]  }
0x19: {  	[tilespmem:s3], [sflag:$0x5] =	stream.linear.gather [hbm4b:s0+s3], $0x3600, $0x38;
	[tilespmem:$0x1F500] =	vst v63  }
0x1a: {  	_ =	swait.ge [sflag:s15], $0x3600  }
0x1b: {  	[sflag:s15] =	ssyncset.done $0x0  }
0x1c: {  	s31 =	rddreg [dreg:$0x3];
	[sflag:s15] =	ssyncadd.s32 $0xFFFFCA00  }
0x1d: {  	[spmem:s17], [sflag:s16] =	dma.local [hbm:s31], $0x2780  }
0x1e: {  	_ =	swait.ge [sflag:s15], $0x2780  }
0x1f: {  	p1 =	sne.s32 s11, $0x20;
	[sflag:s15] =	ssyncset.done $0x0  }
.Ltmp0:
0x20: {  	[sflag:s15] =	ssyncadd.s32 $0xFFFFD880;
	(pc) =	sbr.rel @!p1 .LBB2_2-.Ltmp0, $4  }
0x21: {  	[bflag:$0x0] =	sbarrier.arrive $0xFFFF  }
0x22: {  	[tilespmem:s19], [sflag:$0x1] =	stream.indirect.gather [hbm4b:s4+s18], $0x80, s3, s18, $0xb8;
	[tilespmem:$0x1F500] =	vst v63  }
0x23: {  	s30 =	simm.s32 $0x100;
	s1 =	simm.s32 $0x20;
	p0 =	por $0x0, $0x0  }
0x24: {  	[tilespmem:s20], [sflag:$0x3] =	stream.linear.gather [hbm4b:s8+s3], $0x80, $0x38;
	[tilespmem:$0x1F500] =	vst v63  }
0x25: {  	s0 =	simm.s32 $0x80  }
0x26: {  	[tilespmem:s21], [sflag:$0x2] =	stream.indirect.gather [hbm4b:s4+s18], $0x80, s0, s18, $0xb8;
	[tilespmem:$0x1F500] =	vst v63  }
0x27: {  	s7 =	sadd.s32 $0x0, s13  }
0x28: {  	[tilespmem:s22], [sflag:$0x4] =	stream.linear.gather [hbm4b:s7+s3], $0x80, $0x38;
	[tilespmem:$0x1F500] =	vst v63  }
0x29: {  	_ =	swait.ge [sflag:s23], $0x4000  }
0x2a: {  	[sflag:s23] =	ssyncset.done $0x0  }
0x2b: {  	[sflag:s23] =	ssyncadd.s32 $0xFFFFC000  }
0x2c: {  	_ =	swait.ge [sflag:s25], $0x80  }
0x2d: {  	[sflag:s25] =	ssyncset.done $0x0  }
0x2e: {  	[sflag:s25] =	ssyncadd.s32 $0xFFFFFF80  }
0x2f: {  	[spmem:s2] =	stream.indirect.scatter.add.f32 [tilespmem:s19], [sflag:$0x5], $0x80, s20, s18, $0xb8;
	[tilespmem:$0x1F500] =	vst v63  }
0x30: {  	_ =	swait.ge [sflag:s15], $0x4000  }
0x31: {  	p0 =	sle.u32 s6, $0x2;
	[sflag:s15] =	ssyncset.done $0x0  }
0x32: {  	s0 =	simm.s32 @!p0 $0x80;
	s31 =	simm.s32 @!p0 $0x3900;
	[sflag:s15] =	ssyncadd.s32 $0xFFFFC000  }
0x33: {  	[tilespmem:s31], [sflag:$0x1] =	stream.indirect.gather @!p0 [hbm4b:s4+s0], $0x80, s30, s0, $0xb8;
	[tilespmem:$0x1F500] =	vst v63  }
0x34: {  	s0 =	sadd.s32 @!p0 $0x0, s14;
	s30 =	simm.s32 @!p0 $0x0;
	s31 =	simm.s32 @!p0 $0x3800  }
0x35: {  	[tilespmem:s31], [sflag:$0x3] =	stream.linear.gather @!p0 [hbm4b:s0+s30], $0x80, $0x38;
	[tilespmem:$0x1F500] =	vst v63  }
0x36: {  	_ =	swait.ge [sflag:s26], $0x4000  }
0x37: {  	[sflag:s26] =	ssyncset.done $0x0  }
0x38: {  	[sflag:s26] =	ssyncadd.s32 $0xFFFFC000  }
0x39: {  	p1 =	sne.s32 s11, $0x40;
	_ =	swait.ge [sflag:s28], $0x80  }
.Ltmp1:
0x3a: {  	[sflag:s28] =	ssyncset.done $0x0;
	(pc) =	sbr.rel @!p1 .LBB2_6-.Ltmp1, $4  }
0x3b: {  	[sflag:s28] =	ssyncadd.s32 $0xFFFFFF80  }
0x3c: {  	[spmem:s2] =	stream.indirect.scatter.add.f32 [tilespmem:s21], [sflag:$0x5], $0x80, s22, s18, $0xb8;
	[tilespmem:$0x1F500] =	vst v63  }
0x3d: {  	s31 =	simm.s32 $0x40;
	s30 =	simm.s32 $0x200;
	_ =	swait.ge [sflag:s15], $0x4000  }
0x3e: {  	s0 =	simm.s32 $0x4;
	p0 =	por $0x1, $0x1;
	[sflag:s15] =	ssyncset.done $0x0  }
.LBB2_4:
0x3f: {  	s24 =	sadd.s32 $0xFFFFFF80, s30  }
0x40: {  	[sflag:s15] =	ssyncadd.s32 $0xFFFFC000;
	s5 =	smov.u32 s31;
	s31 =	sadd.s32 $0x20, s31  }
0x41: {  	[tilespmem:s21], [sflag:$0x2] =	stream.indirect.gather [hbm4b:s4+s18], $0x80, s24, s18, $0xb8;
	[tilespmem:$0x1F500] =	vst v63  }
0x42: {  	p1 =	sne.s32 s11, s31;
	s24 =	sadd.s32 s1, s13  }
0x43: {  	[tilespmem:s22], [sflag:$0x4] =	stream.linear.gather [hbm4b:s24+s3], $0x80, $0x38;
	[tilespmem:$0x1F500] =	vst v63  }
0x44: {  	_ =	swait.ge [sflag:s23], $0x4000  }
0x45: {  	[sflag:s23] =	ssyncset.done $0x0  }
0x46: {  	[sflag:s23] =	ssyncadd.s32 $0xFFFFC000  }
0x47: {  	_ =	swait.ge [sflag:s25], $0x80  }
0x48: {  	[sflag:s25] =	ssyncset.done $0x0  }
0x49: {  	[sflag:s25] =	ssyncadd.s32 $0xFFFFFF80  }
0x4a: {  	[spmem:s2] =	stream.indirect.scatter.add.f32 [tilespmem:s19], [sflag:$0x5], $0x80, s20, s18, $0xb8;
	[tilespmem:$0x1F500] =	vst v63  }
0x4b: {  	_ =	swait.ge [sflag:s15], $0x4000  }
0x4c: {  	p2 =	sge.u32 s0, s6;
	[sflag:s15] =	ssyncset.done $0x0  }
0x4d: {  	s7 =	simm.s32 @!p2 $0x3900;
	s24 =	simm.s32 @!p2 $0x80;
	[sflag:s15] =	ssyncadd.s32 $0xFFFFC000  }
0x4e: {  	[tilespmem:s7], [sflag:$0x1] =	stream.indirect.gather @!p2 [hbm4b:s4+s24], $0x80, s30, s24, $0xb8;
	[tilespmem:$0x1F500] =	vst v63  }
0x4f: {  	s1 =	sadd.s32 @!p2 s1, s14;
	s7 =	simm.s32 @!p2 $0x0;
	s24 =	simm.s32 @!p2 $0x3800  }
0x50: {  	[tilespmem:s24], [sflag:$0x3] =	stream.linear.gather @!p2 [hbm4b:s1+s7], $0x80, $0x38;
	[tilespmem:$0x1F500] =	vst v63  }
0x51: {  	s1 =	smov.u32 s5;
	_ =	swait.ge [sflag:s26], $0x4000  }
0x52: {  	[sflag:s26] =	ssyncset.done $0x0  }
0x53: {  	[sflag:s26] =	ssyncadd.s32 $0xFFFFC000  }
0x54: {  	_ =	swait.ge [sflag:s28], $0x80  }
.Ltmp2:
0x55: {  	[sflag:s28] =	ssyncset.done $0x0;
	(pc) =	sbr.rel @p1 .LBB2_4-.Ltmp2, $4  }
0x56: {  	[sflag:s28] =	ssyncadd.s32 $0xFFFFFF80  }
0x57: {  	[spmem:s2] =	stream.indirect.scatter.add.f32 [tilespmem:s21], [sflag:$0x5], $0x80, s22, s18, $0xb8;
	[tilespmem:$0x1F500] =	vst v63  }
0x58: {  	s24 =	sadd.s32 $0x100, s30;
	_ =	swait.ge [sflag:s15], $0x4000  }
0x59: {  	s0 =	sadd.s32 $0x2, s0;
	s30 =	smov.u32 s24;
	[sflag:s15] =	ssyncset.done $0x0  }
0x5a: {  	s30 =	smov.u32 s24  }
.LBB2_6:
0x5b: {  	s5 =	sadd.s32 $0xFFFFFF80, s30;
	[sflag:s15] =	ssyncadd.s32 @p0 $0xFFFFC000  }
0x5c: {  	[tilespmem:s21], [sflag:$0x2] =	stream.indirect.gather [hbm4b:s4+s18], $0x80, s5, s18, $0xb8;
	[tilespmem:$0x1F500] =	vst v63  }
0x5d: {  	s7 =	sadd.s32 s1, s13  }
0x5e: {  	[tilespmem:s22], [sflag:$0x4] =	stream.linear.gather [hbm4b:s7+s3], $0x80, $0x38;
	[tilespmem:$0x1F500] =	vst v63  }
0x5f: {  	_ =	swait.ge [sflag:s23], $0x4000  }
0x60: {  	[sflag:s23] =	ssyncset.done $0x0  }
0x61: {  	[sflag:s23] =	ssyncadd.s32 $0xFFFFC000  }
0x62: {  	_ =	swait.ge [sflag:s25], $0x80  }
0x63: {  	[sflag:s25] =	ssyncset.done $0x0  }
0x64: {  	[sflag:s25] =	ssyncadd.s32 $0xFFFFFF80  }
0x65: {  	[spmem:s2] =	stream.indirect.scatter.add.f32 [tilespmem:s19], [sflag:$0x5], $0x80, s20, s18, $0xb8;
	[tilespmem:$0x1F500] =	vst v63  }
0x66: {  	_ =	swait.ge [sflag:s15], $0x4000  }
0x67: {  	p0 =	sge.u32 s0, s6;
	[sflag:s15] =	ssyncset.done $0x0  }
0x68: {  	s5 =	simm.s32 @!p0 $0x80;
	s7 =	simm.s32 @!p0 $0x3900;
	[sflag:s15] =	ssyncadd.s32 $0xFFFFC000  }
0x69: {  	[tilespmem:s7], [sflag:$0x1] =	stream.indirect.gather @!p0 [hbm4b:s4+s5], $0x80, s30, s5, $0xb8;
	[tilespmem:$0x1F500] =	vst v63  }
0x6a: {  	s1 =	sadd.s32 @!p0 s1, s14;
	s5 =	simm.s32 @!p0 $0x0;
	s7 =	simm.s32 @!p0 $0x3800  }
0x6b: {  	[tilespmem:s7], [sflag:$0x3] =	stream.linear.gather @!p0 [hbm4b:s1+s5], $0x80, $0x38;
	[tilespmem:$0x1F500] =	vst v63  }
0x6c: {  	_ =	swait.ge [sflag:s26], $0x4000  }
0x6d: {  	[sflag:s26] =	ssyncset.done $0x0  }
0x6e: {  	[sflag:s26] =	ssyncadd.s32 $0xFFFFC000  }
0x6f: {  	_ =	swait.ge [sflag:s28], $0x80  }
0x70: {  	[sflag:s28] =	ssyncset.done $0x0  }
0x71: {  	[sflag:s28] =	ssyncadd.s32 $0xFFFFFF80  }
0x72: {  	[spmem:s2] =	stream.indirect.scatter.add.f32 [tilespmem:s21], [sflag:$0x5], $0x80, s22, s18, $0xb8;
	[tilespmem:$0x1F500] =	vst v63  }
0x73: {  	_ =	swait.ge [sflag:s15], $0x4000  }
0x74: {  	[sflag:s15] =	ssyncset.done $0x0  }
0x75: {  	s7 =	sadd.s32 $0x80, s24;
	[sflag:s15] =	ssyncadd.s32 $0xFFFFC000  }
0x76: {  	[tilespmem:s21], [sflag:$0x2] =	stream.indirect.gather [hbm4b:s4+s18], $0x80, s7, s18, $0xb8;
	[tilespmem:$0x1F500] =	vst v63  }
0x77: {  	s5 =	sadd.s32 s31, s13  }
0x78: {  	[tilespmem:s22], [sflag:$0x4] =	stream.linear.gather [hbm4b:s5+s3], $0x80, $0x38;
	[tilespmem:$0x1F500] =	vst v63  }
0x79: {  	_ =	swait.ge [sflag:s23], $0x4000  }
0x7a: {  	[sflag:s23] =	ssyncset.done $0x0  }
0x7b: {  	[sflag:s23] =	ssyncadd.s32 $0xFFFFC000  }
0x7c: {  	_ =	swait.ge [sflag:s25], $0x80  }
0x7d: {  	[sflag:s25] =	ssyncset.done $0x0  }
0x7e: {  	[sflag:s25] =	ssyncadd.s32 $0xFFFFFF80  }
0x7f: {  	[spmem:s2] =	stream.indirect.scatter.add.f32 [tilespmem:s19], [sflag:$0x5], $0x80, s20, s18, $0xb8;
	[tilespmem:$0x1F500] =	vst v63  }
0x80: {  	s7 =	sadd.s32 $0x2, s0;
	_ =	swait.ge [sflag:s15], $0x4000  }
0x81: {  	s1 =	sadd.s32 $0x100, s30;
	p0 =	sge.u32 s7, s6;
	[sflag:s15] =	ssyncset.done $0x0  }
0x82: {  	s0 =	simm.s32 @!p0 $0x80;
	s5 =	simm.s32 @!p0 $0x3900;
	[sflag:s15] =	ssyncadd.s32 $0xFFFFC000  }
0x83: {  	[tilespmem:s5], [sflag:$0x1] =	stream.indirect.gather @!p0 [hbm4b:s4+s0], $0x80, s1, s0, $0xb8;
	[tilespmem:$0x1F500] =	vst v63  }
0x84: {  	s0 =	sadd.s32 @!p0 s31, s12;
	s1 =	simm.s32 @!p0 $0x0;
	s5 =	simm.s32 @!p0 $0x3800  }
0x85: {  	[tilespmem:s5], [sflag:$0x3] =	stream.linear.gather @!p0 [hbm4b:s0+s1], $0x80, $0x38;
	[tilespmem:$0x1F500] =	vst v63  }
0x86: {  	_ =	swait.ge [sflag:s26], $0x4000  }
0x87: {  	[sflag:s26] =	ssyncset.done $0x0  }
0x88: {  	[sflag:s26] =	ssyncadd.s32 $0xFFFFC000  }
0x89: {  	_ =	swait.ge [sflag:s28], $0x80  }
0x8a: {  	[sflag:s28] =	ssyncset.done $0x0  }
0x8b: {  	[sflag:s28] =	ssyncadd.s32 $0xFFFFFF80  }
0x8c: {  	[spmem:s2] =	stream.indirect.scatter.add.f32 [tilespmem:s21], [sflag:$0x5], $0x80, s22, s18, $0xb8;
	[tilespmem:$0x1F500] =	vst v63  }
0x8d: {  	_ =	swait.ge [sflag:s15], $0x4000  }
0x8e: {  	[sflag:s15] =	ssyncset.done $0x0  }
0x8f: {  	s29 =	sadd.s32 $0x1, s29;
	[sflag:s15] =	ssyncadd.s32 $0xFFFFC000  }
0x90: {  	p0 =	sne.s32 s29, s10;
	[bflag:$0x0] =	sbarrier.arrive $0xFFFF  }
0x91: {  	[hbm:s9], [sflag:s16] =	dma.local [spmem:s17], $0x2780  }
.Ltmp3:
0x92: {  	_ = 	snop;
	(pc) =	sbr.rel @p0 .LBB2_1-.Ltmp3, $4  }
.Ltmp4:
0x93: {  	_ = 	snop;
	(pc) =	sbr.rel @!p0 .LBB2_7-.Ltmp4, $4  }
0x94: {  	_ =	swait.ge [sflag:s15], $0x2780  }
0x95: {  	[sflag:s15] =	ssyncset.done $0x0  }
0x96: {  	[sflag:s15] =	ssyncadd.s32 $0xFFFFD880  }
0x97: {  	_ = 	snop  }
.LBB2_2:
.Ltmp5:
0x98: {  	(pc) =	sbr.rel .LBB2_6-.Ltmp5, $2  }
0x99: {  	_ =	sdelay $0x2  }
0x9a: {  	s31 =	simm.s32 $0x20;
	s1 =	simm.s32 $0x0;
	s0 =	simm.s32 $0x2  }
.LBB2_7:
0x9b: {  	_ =	sfence.sel $0x180000  }
0x9c: {  	[bflag:$0x0] =	sbarrier.arrive $0xFFFF  }
0x9d: {  	_ =	strace $0x90000050  }
0x9e: {  	s0 =	stileid.u32;
	[bflag:$0x2] =	sbarrier.arrive $0xFFFF  }
0x9f: {  	p0 =	sne.s32 s0, $0x0;
	s0 =	rddreg [dreg:$0x2]  }
0xa0: {  	s0 =	sadd.s32 @!p0 $0x100000, s0  }
0xa1: {  	[sflag:s0] =	ssyncadd.tile.s32 @!p0 $0x1;
	_ =	shalt  }
.Lfunc_end2:
_tile_overlayer_lowered:
.L_overlay_start_2:
0xa2: {  	(tag) =	ssettag $0x2  }
0xa3: {  	s0 =	rddreg [dreg:$0x0];
	s2 =	stileid.u32  }
0xa4: {  	s1 =	rddreg [dreg:$0x1];
	p0 =	sne.s32 s2, $0x0  }
0xa5: {  	s3 =	rddreg [dreg:$0x2];
	[bflag:$0x3] =	sbarrier.arrive $0xFFFF;
	s2 =	simm.s32 @!p0 $0x1C05  }
0xa6: {  	[timem:s3], [sflag:s2] =	dma.local @!p0 [hbm:s0], s1  }
0xa7: {  	s0 =	simm.s32 @!p0 $0x5  }
0xa8: {  	_ =	swait.ge @!p0 [sflag:s0], s1  }
0xa9: {  	s1 =	ssub.s32 @!p0 $0x0, s1;
	[sflag:s0] =	ssyncset.done @!p0 $0x0  }
0xaa: {  	[sflag:s0] =	ssyncadd.s32 @!p0 s1  }
0xab: {  	[bflag:$0x3] =	sbarrier.arrive $0xFFFF  }
0xac: {  	_ =	shalt  }

</sc_bundles>
